<compile_context>
chip_gen: v7x
topology: tpu7x:2x2x1
jax: 0.10.2.dev20260603
libtpu: 0.0.44.dev20260713+nightly
codegen_flags: <defaults>
</compile_context>

<pallas_src>
import functools

import jax
import jax.numpy as jnp
from jax import lax
from jax.experimental import pallas as pl
from jax.experimental.pallas import tpu as pltpu
from jax.experimental.pallas import tpu_sc as plsc

N = 10000
E = 160000
NP = 10240
NDUMP = N
NC = 2
NS = 16
EPAD = 163840
NBATCH = EPAD // (NS * 128)
ROWS_PER_TILE = NP // NS
BN = 1024
GRID = NP // BN

_mesh = plsc.VectorSubcoreMesh(core_axis_name="c", subcore_axis_name="s")


@functools.partial(
    pl.kernel,
    out_type=jax.ShapeDtypeStruct((NC, NP), jnp.float32),
    mesh=_mesh,
    scratch_types=[
        pltpu.VMEM((NBATCH, 128), jnp.int32),
        pltpu.VMEM((128,), jnp.float32),
        pltpu.VMEM_SHARED((NP,), jnp.float32),
    ],
)
def _deg_kernel(idx_hbm, zeros_hbm, ones_hbm, out_hbm, idx_v, ones_v, deg_sp):
    c = lax.axis_index("c")
    s = lax.axis_index("s")
    pltpu.sync_copy(ones_hbm, ones_v)
    pltpu.sync_copy(zeros_hbm.at[pl.ds(0, ROWS_PER_TILE)],
                    deg_sp.at[pl.ds(s * ROWS_PER_TILE, ROWS_PER_TILE)])
    pltpu.sync_copy(idx_hbm.at[c, s], idx_v)
    plsc.subcore_barrier()

    def body(b, carry):
        pltpu.sync_copy(ones_v, deg_sp.at[idx_v.at[b]], add=True)
        return carry

    lax.fori_loop(0, NBATCH, body, None)
    plsc.subcore_barrier()

    @pl.when(s == 0)
    def _():
        pltpu.sync_copy(deg_sp, out_hbm.at[c])


HB = NBATCH // 2
GS = 4
QS = 128 // GS


def _make_agg_kernel(R):
    scratch = [
        pltpu.VMEM((HB, 128), jnp.int32),
        pltpu.VMEM((HB, 128), jnp.int32),
        pltpu.VMEM((2, 128, 128), jnp.float32),
        pltpu.VMEM_SHARED((NP, 128), jnp.float32),
        pltpu.SemaphoreType.DMA,
        pltpu.SemaphoreType.DMA,
    ]

    @functools.partial(
        pl.kernel,
        out_type=jax.ShapeDtypeStruct((R, NC, NP, 128), jnp.float32),
        mesh=_mesh,
        scratch_types=scratch,
    )
    def agg(*refs):
        tables = refs[:R]
        src_hbm, dst_hbm, zeros_hbm, out_hbm = refs[R:R + 4]
        src_v, dst_v, rows_v, agg_sp, gsem, ssem = refs[R + 4:]
        c = lax.axis_index("c")
        s = lax.axis_index("s")
        for r in range(R):
            pltpu.sync_copy(
                zeros_hbm,
                agg_sp.at[pl.ds(s * ROWS_PER_TILE, ROWS_PER_TILE)])
            plsc.subcore_barrier()
            table = tables[r]
            for h in range(NBATCH // HB):
                pltpu.sync_copy(src_hbm.at[c, s, pl.ds(h * HB, HB)], src_v)
                pltpu.sync_copy(dst_hbm.at[s, pl.ds(h * HB, HB)], dst_v)
                for q in range(GS):
                    pltpu.async_copy(
                        table.at[src_v.at[0, pl.ds(q * QS, QS)]],
                        rows_v.at[0, pl.ds(q * QS, QS)], gsem)

                def body(b, carry, table=table):
                    j = lax.rem(b, 2)
                    jn = lax.rem(b + 1, 2)

                    @pl.when(b > 0)
                    def _():
                        pltpu.make_async_copy(
                            rows_v.at[jn],
                            agg_sp.at[dst_v.at[b - 1]], ssem).wait()

                    @pl.when(b + 1 < HB)
                    def _():
                        for q in range(GS):
                            pltpu.async_copy(
                                table.at[src_v.at[b + 1, pl.ds(q * QS, QS)]],
                                rows_v.at[jn, pl.ds(q * QS, QS)], gsem)

                    pltpu.make_async_copy(
                        table.at[src_v.at[b]], rows_v.at[j], gsem).wait()

                    pltpu.async_copy(
                        rows_v.at[j], agg_sp.at[dst_v.at[b]], ssem, add=True)
                    return carry

                lax.fori_loop(0, HB, body, None)
                pltpu.make_async_copy(
                    rows_v.at[(HB - 1) % 2],
                    agg_sp.at[dst_v.at[HB - 1]], ssem).wait()
            plsc.subcore_barrier()
            pltpu.sync_copy(
                agg_sp.at[pl.ds(s * ROWS_PER_TILE, ROWS_PER_TILE)],
                out_hbm.at[r, c, pl.ds(s * ROWS_PER_TILE, ROWS_PER_TILE)])

    return agg


_agg1 = _make_agg_kernel(1)
_agg2 = _make_agg_kernel(2)


def _norm(deg_blk):
    return lax.rsqrt(jnp.maximum(deg_blk, 1.0))


def _pre_body(x_ref, dout_ref, out_ref):
    xs = x_ref[...] * _norm(dout_ref[...])
    out_ref[0] = xs[:, :128]
    out_ref[1] = xs[:, 128:]


def _mm1_body(agg_ref, din_ref, dout_ref, w_ref, b_ref, out_ref):
    a = jnp.concatenate([agg_ref[0], agg_ref[1]], axis=1) * _norm(din_ref[...])
    h = jnp.dot(a, w_ref[...], preferred_element_type=jnp.float32) + b_ref[...]
    h = jnp.maximum(h, 0.0) * _norm(dout_ref[...])
    for j in range(4):
        out_ref[j] = h[:, j * 128:(j + 1) * 128]


def _mm2_body(agg_ref, din_ref, wc2_ref, bc2_ref, wl1_ref, bl1_ref, wo_ref,
              bo_ref, out_ref):
    a = jnp.concatenate([agg_ref[j] for j in range(4)], axis=1)
    a = a * _norm(din_ref[...])
    h = jnp.dot(a, wc2_ref[...], preferred_element_type=jnp.float32)
    h = jnp.maximum(h + bc2_ref[...], 0.0)
    h = jnp.dot(h, wl1_ref[...], preferred_element_type=jnp.float32)
    h = jnp.maximum(h + bl1_ref[...], 0.0)
    out_ref[...] = (jnp.dot(h, wo_ref[...], preferred_element_type=jnp.float32)
                    + bo_ref[...])


def _full(shape):
    return pl.BlockSpec(shape, lambda i: tuple(0 for _ in shape))


_pre_call = pl.pallas_call(
    _pre_body,
    grid=(GRID,),
    in_specs=[
        pl.BlockSpec((BN, 256), lambda i: (i, 0)),
        pl.BlockSpec((BN, 1), lambda i: (i, 0)),
    ],
    out_specs=pl.BlockSpec((2, BN, 128), lambda i: (0, i, 0)),
    out_shape=jax.ShapeDtypeStruct((2, NP, 128), jnp.float32),
)

_mm1_call = pl.pallas_call(
    _mm1_body,
    grid=(GRID,),
    in_specs=[
        pl.BlockSpec((2, BN, 128), lambda i: (0, i, 0)),
        pl.BlockSpec((BN, 1), lambda i: (i, 0)),
        pl.BlockSpec((BN, 1), lambda i: (i, 0)),
        _full((256, 512)),
        _full((1, 512)),
    ],
    out_specs=pl.BlockSpec((4, BN, 128), lambda i: (0, i, 0)),
    out_shape=jax.ShapeDtypeStruct((4, NP, 128), jnp.float32),
)

_mm2_call = pl.pallas_call(
    _mm2_body,
    grid=(GRID,),
    in_specs=[
        pl.BlockSpec((4, BN, 128), lambda i: (0, i, 0)),
        pl.BlockSpec((BN, 1), lambda i: (i, 0)),
        _full((512, 512)),
        _full((1, 512)),
        _full((512, 512)),
        _full((1, 512)),
        _full((512, 128)),
        _full((1, 128)),
    ],
    out_specs=pl.BlockSpec((BN, 128), lambda i: (i, 0)),
    out_shape=jax.ShapeDtypeStruct((NP, 128), jnp.float32),
)


def kernel(x, edge_index, Wc1, bc1, Wc2, bc2, Wl1, bl1, Wo, bo):
    src = edge_index[0].astype(jnp.int32)
    dst = edge_index[1].astype(jnp.int32)
    pad = EPAD - E
    src_g = jnp.concatenate([src, jnp.zeros((pad,), jnp.int32)])
    dst_p = jnp.concatenate([dst, jnp.full((pad,), NDUMP, jnp.int32)])
    src_d = jnp.concatenate([src, jnp.full((pad,), NDUMP, jnp.int32)])

    src_idx = jnp.stack([src_g, src_g + NP]).reshape(NC, NS, NBATCH, 128)
    dst_idx = dst_p.reshape(NS, NBATCH, 128)
    deg_idx = jnp.stack([src_d, dst_p]).reshape(NC, NS, NBATCH, 128)

    zeros_flat = jnp.zeros((ROWS_PER_TILE,), jnp.float32)
    zeros = jnp.zeros((ROWS_PER_TILE, 128), jnp.float32)
    ones = jnp.ones((128,), jnp.float32)

    degs = _deg_kernel(deg_idx, zeros_flat, ones)
    deg_out = degs[0].reshape(NP, 1)
    deg_in = degs[1].reshape(NP, 1)

    x_pad = jnp.pad(x, ((0, NP - N), (0, 0)))

    xs_parts = _pre_call(x_pad, deg_out)
    table1 = xs_parts.reshape(2 * NP, 128)
    agg1 = _agg1(table1, src_idx, dst_idx, zeros)
    h1s_parts = _mm1_call(agg1.reshape(NC, NP, 128), deg_in, deg_out,
                          Wc1, bc1.reshape(1, 512))

    tables2 = h1s_parts.reshape(2, 2 * NP, 128)
    agg2 = _agg2(tables2[0], tables2[1], src_idx, dst_idx, zeros)
    out = _mm2_call(agg2.reshape(4, NP, 128), deg_in,
                    Wc2, bc2.reshape(1, 512),
                    Wl1, bl1.reshape(1, 512),
                    Wo, bo.reshape(1, 128))
    return out[:N]

# --- scband reference (transcript-rebuilt; emitter-appended) ---
"""Pipeline reference for scband-net-first-graph-conv-then-linear-18262200943563 (READ-ONLY COPY).

The authoritative reference and input builder live on the scoring server;
editing this copy changes nothing except your own understanding.
"""

import jax, jax.numpy as jnp
import numpy as np

N_NODES = 10000
N_EDGES = 160000
D_IN = 256
H_CONV = 512
H_LIN = 512
D_OUT = 128


def setup_inputs(seed: int = 0) -> dict:
    key = jax.random.key(seed)
    ks = jax.random.split(key, 12)
    x = jax.random.normal(ks[0], (N_NODES, D_IN), dtype=jnp.float32)
    edge_index = jax.random.randint(ks[1], (2, N_EDGES), 0, N_NODES, dtype=jnp.int32)

    def glorot(k, fan_in, fan_out):
        return jax.random.normal(k, (fan_in, fan_out), dtype=jnp.float32) * (1.0 / np.sqrt(fan_in))

    # GraphConv stack: D_IN -> 512 -> 512
    Wc1 = glorot(ks[2], D_IN, H_CONV)
    bc1 = jnp.zeros((H_CONV,), dtype=jnp.float32)
    Wc2 = glorot(ks[3], H_CONV, H_CONV)
    bc2 = jnp.zeros((H_CONV,), dtype=jnp.float32)
    # Linear stack: 512 -> 512
    Wl1 = glorot(ks[4], H_CONV, H_LIN)
    bl1 = jnp.zeros((H_LIN,), dtype=jnp.float32)
    # last linear: 512 -> 128
    Wo = glorot(ks[5], H_LIN, D_OUT)
    bo = jnp.zeros((D_OUT,), dtype=jnp.float32)
    return {
        "x": x, "edge_index": edge_index,
        "Wc1": Wc1, "bc1": bc1, "Wc2": Wc2, "bc2": bc2,
        "Wl1": Wl1, "bl1": bl1, "Wo": Wo, "bo": bo,
    }


def _gcn_layer(h, src, dst, norm_src, norm_dst, W, b):
    # DGL-style GraphConv with symmetric ('both') normalization:
    # h' = D_in^{-1/2} A D_out^{-1/2} h W + b
    h = h * norm_src[:, None]
    m = jnp.take(h, src, axis=0)
    agg = jax.ops.segment_sum(m, dst, num_segments=h.shape[0])
    agg = agg * norm_dst[:, None]
    return agg @ W + b


def reference(x, edge_index, Wc1, bc1, Wc2, bc2, Wl1, bl1, Wo, bo):
    src = edge_index[0]
    dst = edge_index[1]
    n = x.shape[0]
    ones = jnp.ones((edge_index.shape[1],), dtype=jnp.float32)
    deg_out = jax.ops.segment_sum(ones, src, num_segments=n)
    deg_in = jax.ops.segment_sum(ones, dst, num_segments=n)
    norm_src = 1.0 / jnp.sqrt(jnp.clip(deg_out, 1.0))
    norm_dst = 1.0 / jnp.sqrt(jnp.clip(deg_in, 1.0))

    # hidden_conv_net: GraphConv layers with ReLU
    h = _gcn_layer(x, src, dst, norm_src, norm_dst, Wc1, bc1)
    h = jax.nn.relu(h)
    h = _gcn_layer(h, src, dst, norm_src, norm_dst, Wc2, bc2)
    h = jax.nn.relu(h)
    # hidden_linear_net: Linear layers with ReLU
    h = jax.nn.relu(h @ Wl1 + bl1)
    # last_linear_layer (no activation)
    h = h @ Wo + bo
    return h

if __name__ == "__main__":
    import jax
    _d = setup_inputs()
    print(jax.jit(kernel)(*tuple(_d.values())))

</pallas_src>

<mosaic_0001>
#map = affine_map<(d0, d1) -> (0, 0, 0, 0)>
#map1 = affine_map<(d0, d1) -> (0)>
#map2 = affine_map<(d0, d1) -> (0, 0)>
module attributes {stable_mosaic.version = 14 : i64} {
  func.func @_deg_kernel(%arg0: i32, %arg1: i32, %arg2: memref<2x16x80x128xi32, #tpu.memory_space<hbm>>, %arg3: memref<640xf32, #tpu.memory_space<hbm>>, %arg4: memref<128xf32, #tpu.memory_space<hbm>>, %arg5: memref<2x10240xf32, #tpu.memory_space<hbm>>, %arg6: memref<80x128xi32, #tpu.memory_space<vmem>>, %arg7: memref<128xf32, #tpu.memory_space<vmem>>, %arg8: memref<10240xf32, #tpu.memory_space<vmem_shared>>) attributes {dimension_semantics = [#tpu.dimension_semantics<core_parallel>, #tpu.dimension_semantics<subcore_parallel>], iteration_bounds = array<i64: 2, 16>, scalar_prefetch = 0 : i64, scratch_operands = 3 : i64, tpu.core_type = #tpu.core_type<sc_vector_subcore>, window_params = [{transform_indices = #map}, {transform_indices = #map1}, {transform_indices = #map1}, {transform_indices = #map2}]} {
    "tpu.region"() ({
      %run_scoped3A = tpu.sem_alloc : memref<!tpu.dma_semaphore, #tpu.memory_space<semaphore_mem>>
      tpu.enqueue_dma source(%arg4 : memref<128xf32, #tpu.memory_space<hbm>>) target(%arg7 : memref<128xf32, #tpu.memory_space<vmem>>) target_semaphore(%run_scoped3A : memref<!tpu.dma_semaphore, #tpu.memory_space<semaphore_mem>>)
      tpu.wait_dma2 semaphore(%run_scoped3A : memref<!tpu.dma_semaphore, #tpu.memory_space<semaphore_mem>>) src(%arg4 : memref<128xf32, #tpu.memory_space<hbm>>) dst(%arg7 : memref<128xf32, #tpu.memory_space<vmem>>)
      tpu.yield
    }) : () -> ()
    %mul3A = arith.constant 640 : i32
    %mul3A_0 = arith.muli %arg1, %mul3A : i32
    "tpu.region"() ({
      %run_scoped3A = tpu.sem_alloc : memref<!tpu.dma_semaphore, #tpu.memory_space<semaphore_mem>>
      %dma_start3A = tpu.memref_slice %arg8[%mul3A_0] : memref<10240xf32, #tpu.memory_space<vmem_shared>> -> memref<640xf32, #tpu.memory_space<vmem_shared>>
      %dma_start3A_8 = arith.constant 0 : i32
      %dma_start3A_9 = tpu.memref_slice %arg3[%dma_start3A_8] : memref<640xf32, #tpu.memory_space<hbm>> -> memref<640xf32, #tpu.memory_space<hbm>>
      tpu.enqueue_dma source(%dma_start3A_9 : memref<640xf32, #tpu.memory_space<hbm>>) target(%dma_start3A : memref<640xf32, #tpu.memory_space<vmem_shared>>) target_semaphore(%run_scoped3A : memref<!tpu.dma_semaphore, #tpu.memory_space<semaphore_mem>>)
      %dma_wait3A = tpu.memref_slice %arg8[%mul3A_0] : memref<10240xf32, #tpu.memory_space<vmem_shared>> -> memref<640xf32, #tpu.memory_space<vmem_shared>>
      %dma_wait3A_10 = arith.constant 0 : i32
      %dma_wait3A_11 = tpu.memref_slice %arg3[%dma_wait3A_10] : memref<640xf32, #tpu.memory_space<hbm>> -> memref<640xf32, #tpu.memory_space<hbm>>
      tpu.wait_dma2 semaphore(%run_scoped3A : memref<!tpu.dma_semaphore, #tpu.memory_space<semaphore_mem>>) src(%dma_wait3A_11 : memref<640xf32, #tpu.memory_space<hbm>>) dst(%dma_wait3A : memref<640xf32, #tpu.memory_space<vmem_shared>>)
      tpu.yield
    }) : () -> ()
    "tpu.region"() ({
      %run_scoped3A = tpu.sem_alloc : memref<!tpu.dma_semaphore, #tpu.memory_space<semaphore_mem>>
      %dma_start3A = arith.constant 0 : i32
      %dma_start3A_8 = arith.constant 0 : i32
      %dma_start3A_9 = tpu.memref_slice %arg2[%arg0, %arg1, %dma_start3A, %dma_start3A_8] : memref<2x16x80x128xi32, #tpu.memory_space<hbm>> -> memref<1x1x80x128xi32, #tpu.memory_space<hbm>>
      %dma_start3A_10 = tpu.memref_squeeze %dma_start3A_9 : memref<1x1x80x128xi32, #tpu.memory_space<hbm>> -> memref<80x128xi32, #tpu.memory_space<hbm>>
      %dma_start3A_11 = arith.constant 0 : i32
      %dma_start3A_12 = arith.constant 0 : i32
      %dma_start3A_13 = tpu.memref_slice %arg2[%arg0, %arg1, %dma_start3A_11, %dma_start3A_12] : memref<2x16x80x128xi32, #tpu.memory_space<hbm>> -> memref<1x1x80x128xi32, #tpu.memory_space<hbm>>
      %dma_start3A_14 = tpu.memref_squeeze %dma_start3A_13 : memref<1x1x80x128xi32, #tpu.memory_space<hbm>> -> memref<80x128xi32, #tpu.memory_space<hbm>>
      tpu.enqueue_dma source(%dma_start3A_14 : memref<80x128xi32, #tpu.memory_space<hbm>>) target(%arg6 : memref<80x128xi32, #tpu.memory_space<vmem>>) target_semaphore(%run_scoped3A : memref<!tpu.dma_semaphore, #tpu.memory_space<semaphore_mem>>)
      %dma_wait3A = arith.constant 0 : i32
      %dma_wait3A_15 = arith.constant 0 : i32
      %dma_wait3A_16 = tpu.memref_slice %arg2[%arg0, %arg1, %dma_wait3A, %dma_wait3A_15] : memref<2x16x80x128xi32, #tpu.memory_space<hbm>> -> memref<1x1x80x128xi32, #tpu.memory_space<hbm>>
      %dma_wait3A_17 = tpu.memref_squeeze %dma_wait3A_16 : memref<1x1x80x128xi32, #tpu.memory_space<hbm>> -> memref<80x128xi32, #tpu.memory_space<hbm>>
      %dma_wait3A_18 = arith.constant 0 : i32
      %dma_wait3A_19 = arith.constant 0 : i32
      %dma_wait3A_20 = tpu.memref_slice %arg2[%arg0, %arg1, %dma_wait3A_18, %dma_wait3A_19] : memref<2x16x80x128xi32, #tpu.memory_space<hbm>> -> memref<1x1x80x128xi32, #tpu.memory_space<hbm>>
      %dma_wait3A_21 = tpu.memref_squeeze %dma_wait3A_20 : memref<1x1x80x128xi32, #tpu.memory_space<hbm>> -> memref<80x128xi32, #tpu.memory_space<hbm>>
      tpu.wait_dma2 semaphore(%run_scoped3A : memref<!tpu.dma_semaphore, #tpu.memory_space<semaphore_mem>>) src(%dma_wait3A_21 : memref<80x128xi32, #tpu.memory_space<hbm>>) dst(%arg6 : memref<80x128xi32, #tpu.memory_space<vmem>>)
      tpu.yield
    }) : () -> ()
    %barrier3A = arith.constant 0 : index
    tpu.barrier barrier_id(%barrier3A)
    %scan3A = arith.constant 0 : i32
    %scan3A_1 = arith.constant 80 : i32
    %scan3A_2 = arith.addi %scan3A, %scan3A_1 : i32
    %scan3A_3 = arith.constant 1 : i32
    scf.for %scan3A_8 = %scan3A to %scan3A_2 step %scan3A_3  : i32 {
      "tpu.region"() ({
        %run_scoped3A = tpu.sem_alloc : memref<!tpu.dma_semaphore, #tpu.memory_space<semaphore_mem>>
        %dma_start3A = arith.constant 0 : i32
        %dma_start3A_9 = tpu.memref_slice %arg6[%scan3A_8, %dma_start3A] : memref<80x128xi32, #tpu.memory_space<vmem>> -> memref<1x128xi32, #tpu.memory_space<vmem>>
        %dma_start3A_10 = tpu.memref_squeeze %dma_start3A_9 : memref<1x128xi32, #tpu.memory_space<vmem>> -> memref<128xi32, #tpu.memory_space<vmem>>
        %dma_start3A_11 = arith.constant 0 : i32
        %dma_start3A_12 = tpu.memref_slice %arg8[%dma_start3A_11] : memref<10240xf32, #tpu.memory_space<vmem_shared>> -> memref<10240xf32, #tpu.memory_space<vmem_shared>>
        tpu.enqueue_indirect_dma source(%arg7 : memref<128xf32, #tpu.memory_space<vmem>>) target(%dma_start3A_12 : memref<10240xf32, #tpu.memory_space<vmem_shared>>) offsets(%dma_start3A_10 : memref<128xi32, #tpu.memory_space<vmem>>) semaphore(%run_scoped3A : memref<!tpu.dma_semaphore, #tpu.memory_space<semaphore_mem>>) {add = true}
        %dma_wait3A = arith.constant 0 : i32
        %dma_wait3A_13 = tpu.memref_slice %arg6[%scan3A_8, %dma_wait3A] : memref<80x128xi32, #tpu.memory_space<vmem>> -> memref<1x128xi32, #tpu.memory_space<vmem>>
        %dma_wait3A_14 = tpu.memref_squeeze %dma_wait3A_13 : memref<1x128xi32, #tpu.memory_space<vmem>> -> memref<128xi32, #tpu.memory_space<vmem>>
        %dma_wait3A_15 = arith.constant 0 : i32
        %dma_wait3A_16 = tpu.memref_slice %arg8[%dma_wait3A_15] : memref<10240xf32, #tpu.memory_space<vmem_shared>> -> memref<10240xf32, #tpu.memory_space<vmem_shared>>
        tpu.wait_indirect_dma semaphore(%run_scoped3A : memref<!tpu.dma_semaphore, #tpu.memory_space<semaphore_mem>>) src(%arg7 : memref<128xf32, #tpu.memory_space<vmem>>) dst(%dma_wait3A_16 : memref<10240xf32, #tpu.memory_space<vmem_shared>>)
        tpu.yield
      }) : () -> ()
    }
    %scan3A_4 = arith.constant 80 : i32
    %barrier3A_5 = arith.constant 0 : index
    tpu.barrier barrier_id(%barrier3A_5)
    %eq3A = arith.constant 0 : i32
    %eq3A_6 = arith.cmpi eq, %arg1, %eq3A : i32
    %convert_element_type3A = arith.extui %eq3A_6 : i1 to i32
    %cond3A = arith.constant 0 : i32
    %cond3A_7 = arith.cmpi ne, %convert_element_type3A, %cond3A : i32
    scf.if %cond3A_7 {
      "tpu.region"() ({
        %run_scoped3A = tpu.sem_alloc : memref<!tpu.dma_semaphore, #tpu.memory_space<semaphore_mem>>
        %dma_start3A = arith.constant 0 : i32
        %dma_start3A_8 = tpu.memref_slice %arg5[%arg0, %dma_start3A] : memref<2x10240xf32, #tpu.memory_space<hbm>> -> memref<1x10240xf32, #tpu.memory_space<hbm>>
        %dma_start3A_9 = tpu.memref_squeeze %dma_start3A_8 : memref<1x10240xf32, #tpu.memory_space<hbm>> -> memref<10240xf32, #tpu.memory_space<hbm>>
        tpu.enqueue_dma source(%arg8 : memref<10240xf32, #tpu.memory_space<vmem_shared>>) target(%dma_start3A_9 : memref<10240xf32, #tpu.memory_space<hbm>>) target_semaphore(%run_scoped3A : memref<!tpu.dma_semaphore, #tpu.memory_space<semaphore_mem>>)
        %dma_wait3A = arith.constant 0 : i32
        %dma_wait3A_10 = tpu.memref_slice %arg5[%arg0, %dma_wait3A] : memref<2x10240xf32, #tpu.memory_space<hbm>> -> memref<1x10240xf32, #tpu.memory_space<hbm>>
        %dma_wait3A_11 = tpu.memref_squeeze %dma_wait3A_10 : memref<1x10240xf32, #tpu.memory_space<hbm>> -> memref<10240xf32, #tpu.memory_space<hbm>>
        tpu.wait_dma2 semaphore(%run_scoped3A : memref<!tpu.dma_semaphore, #tpu.memory_space<semaphore_mem>>) src(%arg8 : memref<10240xf32, #tpu.memory_space<vmem_shared>>) dst(%dma_wait3A_11 : memref<10240xf32, #tpu.memory_space<hbm>>)
        tpu.yield
      }) : () -> ()
    } else {
    }
    return
  }
}

#map = affine_map<(d0, d1) -> (0, 0)>
#map1 = affine_map<(d0, d1) -> (0, 0, 0, 0)>
#map2 = affine_map<(d0, d1) -> (0, 0, 0)>
module attributes {stable_mosaic.version = 14 : i64} {
  func.func @agg(%arg0: i32, %arg1: i32, %arg2: memref<20480x128xf32, #tpu.memory_space<hbm>>, %arg3: memref<2x16x80x128xi32, #tpu.memory_space<hbm>>, %arg4: memref<16x80x128xi32, #tpu.memory_space<hbm>>, %arg5: memref<640x128xf32, #tpu.memory_space<hbm>>, %arg6: memref<1x2x10240x128xf32, #tpu.memory_space<hbm>>, %arg7: memref<40x128xi32, #tpu.memory_space<vmem>>, %arg8: memref<40x128xi32, #tpu.memory_space<vmem>>, %arg9: memref<2x128x128xf32, #tpu.memory_space<vmem>>, %arg10: memref<10240x128xf32, #tpu.memory_space<vmem_shared>>, %arg11: memref<!tpu.dma_semaphore, #tpu.memory_space<semaphore_mem>>, %arg12: memref<!tpu.dma_semaphore, #tpu.memory_space<semaphore_mem>>) attributes {dimension_semantics = [#tpu.dimension_semantics<core_parallel>, #tpu.dimension_semantics<subcore_parallel>], iteration_bounds = array<i64: 2, 16>, scalar_prefetch = 0 : i64, scratch_operands = 6 : i64, tpu.core_type = #tpu.core_type<sc_vector_subcore>, window_params = [{transform_indices = #map}, {transform_indices = #map1}, {transform_indices = #map2}, {transform_indices = #map}, {transform_indices = #map1}]} {
    %mul3A = arith.constant 640 : i32
    %mul3A_0 = arith.muli %arg1, %mul3A : i32
    "tpu.region"() ({
      %run_scoped3A_133 = tpu.sem_alloc : memref<!tpu.dma_semaphore, #tpu.memory_space<semaphore_mem>>
      %dma_start3A_134 = arith.constant 0 : i32
      %dma_start3A_135 = tpu.memref_slice %arg10[%mul3A_0, %dma_start3A_134] : memref<10240x128xf32, #tpu.memory_space<vmem_shared>> -> memref<640x128xf32, #tpu.memory_space<vmem_shared>>
      tpu.enqueue_dma source(%arg5 : memref<640x128xf32, #tpu.memory_space<hbm>>) target(%dma_start3A_135 : memref<640x128xf32, #tpu.memory_space<vmem_shared>>) target_semaphore(%run_scoped3A_133 : memref<!tpu.dma_semaphore, #tpu.memory_space<semaphore_mem>>)
      %dma_wait3A_136 = arith.constant 0 : i32
      %dma_wait3A_137 = tpu.memref_slice %arg10[%mul3A_0, %dma_wait3A_136] : memref<10240x128xf32, #tpu.memory_space<vmem_shared>> -> memref<640x128xf32, #tpu.memory_space<vmem_shared>>
      tpu.wait_dma2 semaphore(%run_scoped3A_133 : memref<!tpu.dma_semaphore, #tpu.memory_space<semaphore_mem>>) src(%arg5 : memref<640x128xf32, #tpu.memory_space<hbm>>) dst(%dma_wait3A_137 : memref<640x128xf32, #tpu.memory_space<vmem_shared>>)
      tpu.yield
    }) : () -> ()
    %barrier3A = arith.constant 0 : index
    tpu.barrier barrier_id(%barrier3A)
    "tpu.region"() ({
      %run_scoped3A_133 = tpu.sem_alloc : memref<!tpu.dma_semaphore, #tpu.memory_space<semaphore_mem>>
      %dma_start3A_134 = arith.constant 0 : i32
      %dma_start3A_135 = arith.constant 0 : i32
      %dma_start3A_136 = tpu.memref_slice %arg3[%arg0, %arg1, %dma_start3A_134, %dma_start3A_135] : memref<2x16x80x128xi32, #tpu.memory_space<hbm>> -> memref<1x1x40x128xi32, #tpu.memory_space<hbm>>
      %dma_start3A_137 = tpu.memref_squeeze %dma_start3A_136 : memref<1x1x40x128xi32, #tpu.memory_space<hbm>> -> memref<40x128xi32, #tpu.memory_space<hbm>>
      %dma_start3A_138 = arith.constant 0 : i32
      %dma_start3A_139 = arith.constant 0 : i32
      %dma_start3A_140 = tpu.memref_slice %arg3[%arg0, %arg1, %dma_start3A_138, %dma_start3A_139] : memref<2x16x80x128xi32, #tpu.memory_space<hbm>> -> memref<1x1x40x128xi32, #tpu.memory_space<hbm>>
      %dma_start3A_141 = tpu.memref_squeeze %dma_start3A_140 : memref<1x1x40x128xi32, #tpu.memory_space<hbm>> -> memref<40x128xi32, #tpu.memory_space<hbm>>
      tpu.enqueue_dma source(%dma_start3A_141 : memref<40x128xi32, #tpu.memory_space<hbm>>) target(%arg7 : memref<40x128xi32, #tpu.memory_space<vmem>>) target_semaphore(%run_scoped3A_133 : memref<!tpu.dma_semaphore, #tpu.memory_space<semaphore_mem>>)
      %dma_wait3A_142 = arith.constant 0 : i32
      %dma_wait3A_143 = arith.constant 0 : i32
      %dma_wait3A_144 = tpu.memref_slice %arg3[%arg0, %arg1, %dma_wait3A_142, %dma_wait3A_143] : memref<2x16x80x128xi32, #tpu.memory_space<hbm>> -> memref<1x1x40x128xi32, #tpu.memory_space<hbm>>
      %dma_wait3A_145 = tpu.memref_squeeze %dma_wait3A_144 : memref<1x1x40x128xi32, #tpu.memory_space<hbm>> -> memref<40x128xi32, #tpu.memory_space<hbm>>
      %dma_wait3A_146 = arith.constant 0 : i32
      %dma_wait3A_147 = arith.constant 0 : i32
      %dma_wait3A_148 = tpu.memref_slice %arg3[%arg0, %arg1, %dma_wait3A_146, %dma_wait3A_147] : memref<2x16x80x128xi32, #tpu.memory_space<hbm>> -> memref<1x1x40x128xi32, #tpu.memory_space<hbm>>
      %dma_wait3A_149 = tpu.memref_squeeze %dma_wait3A_148 : memref<1x1x40x128xi32, #tpu.memory_space<hbm>> -> memref<40x128xi32, #tpu.memory_space<hbm>>
      tpu.wait_dma2 semaphore(%run_scoped3A_133 : memref<!tpu.dma_semaphore, #tpu.memory_space<semaphore_mem>>) src(%dma_wait3A_149 : memref<40x128xi32, #tpu.memory_space<hbm>>) dst(%arg7 : memref<40x128xi32, #tpu.memory_space<vmem>>)
      tpu.yield
    }) : () -> ()
    "tpu.region"() ({
      %run_scoped3A_133 = tpu.sem_alloc : memref<!tpu.dma_semaphore, #tpu.memory_space<semaphore_mem>>
      %dma_start3A_134 = arith.constant 0 : i32
      %dma_start3A_135 = arith.constant 0 : i32
      %dma_start3A_136 = tpu.memref_slice %arg4[%arg1, %dma_start3A_134, %dma_start3A_135] : memref<16x80x128xi32, #tpu.memory_space<hbm>> -> memref<1x40x128xi32, #tpu.memory_space<hbm>>
      %dma_start3A_137 = tpu.memref_squeeze %dma_start3A_136 : memref<1x40x128xi32, #tpu.memory_space<hbm>> -> memref<40x128xi32, #tpu.memory_space<hbm>>
      %dma_start3A_138 = arith.constant 0 : i32
      %dma_start3A_139 = arith.constant 0 : i32
      %dma_start3A_140 = tpu.memref_slice %arg4[%arg1, %dma_start3A_138, %dma_start3A_139] : memref<16x80x128xi32, #tpu.memory_space<hbm>> -> memref<1x40x128xi32, #tpu.memory_space<hbm>>
      %dma_start3A_141 = tpu.memref_squeeze %dma_start3A_140 : memref<1x40x128xi32, #tpu.memory_space<hbm>> -> memref<40x128xi32, #tpu.memory_space<hbm>>
      tpu.enqueue_dma source(%dma_start3A_141 : memref<40x128xi32, #tpu.memory_space<hbm>>) target(%arg8 : memref<40x128xi32, #tpu.memory_space<vmem>>) target_semaphore(%run_scoped3A_133 : memref<!tpu.dma_semaphore, #tpu.memory_space<semaphore_mem>>)
      %dma_wait3A_142 = arith.constant 0 : i32
      %dma_wait3A_143 = arith.constant 0 : i32
      %dma_wait3A_144 = tpu.memref_slice %arg4[%arg1, %dma_wait3A_142, %dma_wait3A_143] : memref<16x80x128xi32, #tpu.memory_space<hbm>> -> memref<1x40x128xi32, #tpu.memory_space<hbm>>
      %dma_wait3A_145 = tpu.memref_squeeze %dma_wait3A_144 : memref<1x40x128xi32, #tpu.memory_space<hbm>> -> memref<40x128xi32, #tpu.memory_space<hbm>>
      %dma_wait3A_146 = arith.constant 0 : i32
      %dma_wait3A_147 = arith.constant 0 : i32
      %dma_wait3A_148 = tpu.memref_slice %arg4[%arg1, %dma_wait3A_146, %dma_wait3A_147] : memref<16x80x128xi32, #tpu.memory_space<hbm>> -> memref<1x40x128xi32, #tpu.memory_space<hbm>>
      %dma_wait3A_149 = tpu.memref_squeeze %dma_wait3A_148 : memref<1x40x128xi32, #tpu.memory_space<hbm>> -> memref<40x128xi32, #tpu.memory_space<hbm>>
      tpu.wait_dma2 semaphore(%run_scoped3A_133 : memref<!tpu.dma_semaphore, #tpu.memory_space<semaphore_mem>>) src(%dma_wait3A_149 : memref<40x128xi32, #tpu.memory_space<hbm>>) dst(%arg8 : memref<40x128xi32, #tpu.memory_space<vmem>>)
      tpu.yield
    }) : () -> ()
    %dma_start3A = arith.constant 0 : i32
    %dma_start3A_1 = arith.constant 0 : i32
    %dma_start3A_2 = arith.constant 0 : i32
    %dma_start3A_3 = arith.constant 0 : i32
    %dma_start3A_4 = tpu.memref_slice %arg9[%dma_start3A_1, %dma_start3A_2, %dma_start3A_3] : memref<2x128x128xf32, #tpu.memory_space<vmem>> -> memref<1x32x128xf32, #tpu.memory_space<vmem>>
    %dma_start3A_5 = tpu.memref_squeeze %dma_start3A_4 : memref<1x32x128xf32, #tpu.memory_space<vmem>> -> memref<32x128xf32, #tpu.memory_space<vmem>>
    %dma_start3A_6 = arith.constant 0 : i32
    %dma_start3A_7 = tpu.memref_slice %arg7[%dma_start3A, %dma_start3A_6] : memref<40x128xi32, #tpu.memory_space<vmem>> -> memref<1x32xi32, #tpu.memory_space<vmem>>
    %dma_start3A_8 = tpu.memref_squeeze %dma_start3A_7 : memref<1x32xi32, #tpu.memory_space<vmem>> -> memref<32xi32, #tpu.memory_space<vmem>>
    %dma_start3A_9 = arith.constant 0 : i32
    %dma_start3A_10 = arith.constant 0 : i32
    %dma_start3A_11 = tpu.memref_slice %arg2[%dma_start3A_9, %dma_start3A_10] : memref<20480x128xf32, #tpu.memory_space<hbm>> -> memref<20480x128xf32, #tpu.memory_space<hbm>>
    tpu.enqueue_indirect_dma source(%dma_start3A_11 : memref<20480x128xf32, #tpu.memory_space<hbm>>) target(%dma_start3A_5 : memref<32x128xf32, #tpu.memory_space<vmem>>) offsets(%dma_start3A_8 : memref<32xi32, #tpu.memory_space<vmem>>) semaphore(%arg11 : memref<!tpu.dma_semaphore, #tpu.memory_space<semaphore_mem>>)
    %dma_start3A_12 = arith.constant 0 : i32
    %dma_start3A_13 = arith.constant 0 : i32
    %dma_start3A_14 = arith.constant 32 : i32
    %dma_start3A_15 = arith.constant 0 : i32
    %dma_start3A_16 = tpu.memref_slice %arg9[%dma_start3A_13, %dma_start3A_14, %dma_start3A_15] : memref<2x128x128xf32, #tpu.memory_space<vmem>> -> memref<1x32x128xf32, #tpu.memory_space<vmem>>
    %dma_start3A_17 = tpu.memref_squeeze %dma_start3A_16 : memref<1x32x128xf32, #tpu.memory_space<vmem>> -> memref<32x128xf32, #tpu.memory_space<vmem>>
    %dma_start3A_18 = arith.constant 32 : i32
    %dma_start3A_19 = tpu.memref_slice %arg7[%dma_start3A_12, %dma_start3A_18] : memref<40x128xi32, #tpu.memory_space<vmem>> -> memref<1x32xi32, #tpu.memory_space<vmem>>
    %dma_start3A_20 = tpu.memref_squeeze %dma_start3A_19 : memref<1x32xi32, #tpu.memory_space<vmem>> -> memref<32xi32, #tpu.memory_space<vmem>>
    %dma_start3A_21 = arith.constant 0 : i32
    %dma_start3A_22 = arith.constant 0 : i32
    %dma_start3A_23 = tpu.memref_slice %arg2[%dma_start3A_21, %dma_start3A_22] : memref<20480x128xf32, #tpu.memory_space<hbm>> -> memref<20480x128xf32, #tpu.memory_space<hbm>>
    tpu.enqueue_indirect_dma source(%dma_start3A_23 : memref<20480x128xf32, #tpu.memory_space<hbm>>) target(%dma_start3A_17 : memref<32x128xf32, #tpu.memory_space<vmem>>) offsets(%dma_start3A_20 : memref<32xi32, #tpu.memory_space<vmem>>) semaphore(%arg11 : memref<!tpu.dma_semaphore, #tpu.memory_space<semaphore_mem>>)
    %dma_start3A_24 = arith.constant 0 : i32
    %dma_start3A_25 = arith.constant 0 : i32
    %dma_start3A_26 = arith.constant 64 : i32
    %dma_start3A_27 = arith.constant 0 : i32
    %dma_start3A_28 = tpu.memref_slice %arg9[%dma_start3A_25, %dma_start3A_26, %dma_start3A_27] : memref<2x128x128xf32, #tpu.memory_space<vmem>> -> memref<1x32x128xf32, #tpu.memory_space<vmem>>
    %dma_start3A_29 = tpu.memref_squeeze %dma_start3A_28 : memref<1x32x128xf32, #tpu.memory_space<vmem>> -> memref<32x128xf32, #tpu.memory_space<vmem>>
    %dma_start3A_30 = arith.constant 64 : i32
    %dma_start3A_31 = tpu.memref_slice %arg7[%dma_start3A_24, %dma_start3A_30] : memref<40x128xi32, #tpu.memory_space<vmem>> -> memref<1x32xi32, #tpu.memory_space<vmem>>
    %dma_start3A_32 = tpu.memref_squeeze %dma_start3A_31 : memref<1x32xi32, #tpu.memory_space<vmem>> -> memref<32xi32, #tpu.memory_space<vmem>>
    %dma_start3A_33 = arith.constant 0 : i32
    %dma_start3A_34 = arith.constant 0 : i32
    %dma_start3A_35 = tpu.memref_slice %arg2[%dma_start3A_33, %dma_start3A_34] : memref<20480x128xf32, #tpu.memory_space<hbm>> -> memref<20480x128xf32, #tpu.memory_space<hbm>>
    tpu.enqueue_indirect_dma source(%dma_start3A_35 : memref<20480x128xf32, #tpu.memory_space<hbm>>) target(%dma_start3A_29 : memref<32x128xf32, #tpu.memory_space<vmem>>) offsets(%dma_start3A_32 : memref<32xi32, #tpu.memory_space<vmem>>) semaphore(%arg11 : memref<!tpu.dma_semaphore, #tpu.memory_space<semaphore_mem>>)
    %dma_start3A_36 = arith.constant 0 : i32
    %dma_start3A_37 = arith.constant 0 : i32
    %dma_start3A_38 = arith.constant 96 : i32
    %dma_start3A_39 = arith.constant 0 : i32
    %dma_start3A_40 = tpu.memref_slice %arg9[%dma_start3A_37, %dma_start3A_38, %dma_start3A_39] : memref<2x128x128xf32, #tpu.memory_space<vmem>> -> memref<1x32x128xf32, #tpu.memory_space<vmem>>
    %dma_start3A_41 = tpu.memref_squeeze %dma_start3A_40 : memref<1x32x128xf32, #tpu.memory_space<vmem>> -> memref<32x128xf32, #tpu.memory_space<vmem>>
    %dma_start3A_42 = arith.constant 96 : i32
    %dma_start3A_43 = tpu.memref_slice %arg7[%dma_start3A_36, %dma_start3A_42] : memref<40x128xi32, #tpu.memory_space<vmem>> -> memref<1x32xi32, #tpu.memory_space<vmem>>
    %dma_start3A_44 = tpu.memref_squeeze %dma_start3A_43 : memref<1x32xi32, #tpu.memory_space<vmem>> -> memref<32xi32, #tpu.memory_space<vmem>>
    %dma_start3A_45 = arith.constant 0 : i32
    %dma_start3A_46 = arith.constant 0 : i32
    %dma_start3A_47 = tpu.memref_slice %arg2[%dma_start3A_45, %dma_start3A_46] : memref<20480x128xf32, #tpu.memory_space<hbm>> -> memref<20480x128xf32, #tpu.memory_space<hbm>>
    tpu.enqueue_indirect_dma source(%dma_start3A_47 : memref<20480x128xf32, #tpu.memory_space<hbm>>) target(%dma_start3A_41 : memref<32x128xf32, #tpu.memory_space<vmem>>) offsets(%dma_start3A_44 : memref<32xi32, #tpu.memory_space<vmem>>) semaphore(%arg11 : memref<!tpu.dma_semaphore, #tpu.memory_space<semaphore_mem>>)
    %scan3A = arith.constant 0 : i32
    %scan3A_48 = arith.constant 40 : i32
    %scan3A_49 = arith.addi %scan3A, %scan3A_48 : i32
    %scan3A_50 = arith.constant 1 : i32
    scf.for %scan3A_133 = %scan3A to %scan3A_49 step %scan3A_50  : i32 {
      %rem3A = arith.constant 2 : i32
      %rem3A_134 = arith.remsi %scan3A_133, %rem3A : i32
      %add3A = arith.constant 1 : i32
      %add3A_135 = arith.addi %scan3A_133, %add3A : i32
      %rem3A_136 = arith.constant 2 : i32
      %rem3A_137 = arith.remsi %add3A_135, %rem3A_136 : i32
      %gt3A = arith.constant 0 : i32
      %gt3A_138 = arith.cmpi sgt, %scan3A_133, %gt3A : i32
      %convert_element_type3A = arith.extui %gt3A_138 : i1 to i32
      %cond3A = arith.constant 0 : i32
      %cond3A_139 = arith.cmpi ne, %convert_element_type3A, %cond3A : i32
      scf.if %cond3A_139 {
        %sub3A = arith.constant 1 : i32
        %sub3A_166 = arith.subi %scan3A_133, %sub3A : i32
        %dma_wait3A_167 = arith.constant 0 : i32
        %dma_wait3A_168 = arith.constant 0 : i32
        %dma_wait3A_169 = tpu.memref_slice %arg9[%rem3A_137, %dma_wait3A_167, %dma_wait3A_168] : memref<2x128x128xf32, #tpu.memory_space<vmem>> -> memref<1x128x128xf32, #tpu.memory_space<vmem>>
        %dma_wait3A_170 = tpu.memref_squeeze %dma_wait3A_169 : memref<1x128x128xf32, #tpu.memory_space<vmem>> -> memref<128x128xf32, #tpu.memory_space<vmem>>
        %dma_wait3A_171 = arith.constant 0 : i32
        %dma_wait3A_172 = tpu.memref_slice %arg8[%sub3A_166, %dma_wait3A_171] : memref<40x128xi32, #tpu.memory_space<vmem>> -> memref<1x128xi32, #tpu.memory_space<vmem>>
        %dma_wait3A_173 = tpu.memref_squeeze %dma_wait3A_172 : memref<1x128xi32, #tpu.memory_space<vmem>> -> memref<128xi32, #tpu.memory_space<vmem>>
        %dma_wait3A_174 = arith.constant 0 : i32
        %dma_wait3A_175 = arith.constant 0 : i32
        %dma_wait3A_176 = tpu.memref_slice %arg10[%dma_wait3A_174, %dma_wait3A_175] : memref<10240x128xf32, #tpu.memory_space<vmem_shared>> -> memref<10240x128xf32, #tpu.memory_space<vmem_shared>>
        tpu.wait_indirect_dma semaphore(%arg12 : memref<!tpu.dma_semaphore, #tpu.memory_space<semaphore_mem>>) src(%dma_wait3A_170 : memref<128x128xf32, #tpu.memory_space<vmem>>) dst(%dma_wait3A_176 : memref<10240x128xf32, #tpu.memory_space<vmem_shared>>)
      } else {
      }
      %add3A_140 = arith.constant 1 : i32
      %add3A_141 = arith.addi %scan3A_133, %add3A_140 : i32
      %lt3A = arith.constant 40 : i32
      %lt3A_142 = arith.cmpi slt, %add3A_141, %lt3A : i32
      %convert_element_type3A_143 = arith.extui %lt3A_142 : i1 to i32
      %cond3A_144 = arith.constant 0 : i32
      %cond3A_145 = arith.cmpi ne, %convert_element_type3A_143, %cond3A_144 : i32
      scf.if %cond3A_145 {
        %add3A_166 = arith.constant 1 : i32
        %add3A_167 = arith.addi %scan3A_133, %add3A_166 : i32
        %dma_start3A_168 = arith.constant 0 : i32
        %dma_start3A_169 = arith.constant 0 : i32
        %dma_start3A_170 = tpu.memref_slice %arg9[%rem3A_137, %dma_start3A_168, %dma_start3A_169] : memref<2x128x128xf32, #tpu.memory_space<vmem>> -> memref<1x32x128xf32, #tpu.memory_space<vmem>>
        %dma_start3A_171 = tpu.memref_squeeze %dma_start3A_170 : memref<1x32x128xf32, #tpu.memory_space<vmem>> -> memref<32x128xf32, #tpu.memory_space<vmem>>
        %dma_start3A_172 = arith.constant 0 : i32
        %dma_start3A_173 = tpu.memref_slice %arg7[%add3A_167, %dma_start3A_172] : memref<40x128xi32, #tpu.memory_space<vmem>> -> memref<1x32xi32, #tpu.memory_space<vmem>>
        %dma_start3A_174 = tpu.memref_squeeze %dma_start3A_173 : memref<1x32xi32, #tpu.memory_space<vmem>> -> memref<32xi32, #tpu.memory_space<vmem>>
        %dma_start3A_175 = arith.constant 0 : i32
        %dma_start3A_176 = arith.constant 0 : i32
        %dma_start3A_177 = tpu.memref_slice %arg2[%dma_start3A_175, %dma_start3A_176] : memref<20480x128xf32, #tpu.memory_space<hbm>> -> memref<20480x128xf32, #tpu.memory_space<hbm>>
        tpu.enqueue_indirect_dma source(%dma_start3A_177 : memref<20480x128xf32, #tpu.memory_space<hbm>>) target(%dma_start3A_171 : memref<32x128xf32, #tpu.memory_space<vmem>>) offsets(%dma_start3A_174 : memref<32xi32, #tpu.memory_space<vmem>>) semaphore(%arg11 : memref<!tpu.dma_semaphore, #tpu.memory_space<semaphore_mem>>)
        %add3A_178 = arith.constant 1 : i32
        %add3A_179 = arith.addi %scan3A_133, %add3A_178 : i32
        %dma_start3A_180 = arith.constant 32 : i32
        %dma_start3A_181 = arith.constant 0 : i32
        %dma_start3A_182 = tpu.memref_slice %arg9[%rem3A_137, %dma_start3A_180, %dma_start3A_181] : memref<2x128x128xf32, #tpu.memory_space<vmem>> -> memref<1x32x128xf32, #tpu.memory_space<vmem>>
        %dma_start3A_183 = tpu.memref_squeeze %dma_start3A_182 : memref<1x32x128xf32, #tpu.memory_space<vmem>> -> memref<32x128xf32, #tpu.memory_space<vmem>>
        %dma_start3A_184 = arith.constant 32 : i32
        %dma_start3A_185 = tpu.memref_slice %arg7[%add3A_179, %dma_start3A_184] : memref<40x128xi32, #tpu.memory_space<vmem>> -> memref<1x32xi32, #tpu.memory_space<vmem>>
        %dma_start3A_186 = tpu.memref_squeeze %dma_start3A_185 : memref<1x32xi32, #tpu.memory_space<vmem>> -> memref<32xi32, #tpu.memory_space<vmem>>
        %dma_start3A_187 = arith.constant 0 : i32
        %dma_start3A_188 = arith.constant 0 : i32
        %dma_start3A_189 = tpu.memref_slice %arg2[%dma_start3A_187, %dma_start3A_188] : memref<20480x128xf32, #tpu.memory_space<hbm>> -> memref<20480x128xf32, #tpu.memory_space<hbm>>
        tpu.enqueue_indirect_dma source(%dma_start3A_189 : memref<20480x128xf32, #tpu.memory_space<hbm>>) target(%dma_start3A_183 : memref<32x128xf32, #tpu.memory_space<vmem>>) offsets(%dma_start3A_186 : memref<32xi32, #tpu.memory_space<vmem>>) semaphore(%arg11 : memref<!tpu.dma_semaphore, #tpu.memory_space<semaphore_mem>>)
        %add3A_190 = arith.constant 1 : i32
        %add3A_191 = arith.addi %scan3A_133, %add3A_190 : i32
        %dma_start3A_192 = arith.constant 64 : i32
        %dma_start3A_193 = arith.constant 0 : i32
        %dma_start3A_194 = tpu.memref_slice %arg9[%rem3A_137, %dma_start3A_192, %dma_start3A_193] : memref<2x128x128xf32, #tpu.memory_space<vmem>> -> memref<1x32x128xf32, #tpu.memory_space<vmem>>
        %dma_start3A_195 = tpu.memref_squeeze %dma_start3A_194 : memref<1x32x128xf32, #tpu.memory_space<vmem>> -> memref<32x128xf32, #tpu.memory_space<vmem>>
        %dma_start3A_196 = arith.constant 64 : i32
        %dma_start3A_197 = tpu.memref_slice %arg7[%add3A_191, %dma_start3A_196] : memref<40x128xi32, #tpu.memory_space<vmem>> -> memref<1x32xi32, #tpu.memory_space<vmem>>
        %dma_start3A_198 = tpu.memref_squeeze %dma_start3A_197 : memref<1x32xi32, #tpu.memory_space<vmem>> -> memref<32xi32, #tpu.memory_space<vmem>>
        %dma_start3A_199 = arith.constant 0 : i32
        %dma_start3A_200 = arith.constant 0 : i32
        %dma_start3A_201 = tpu.memref_slice %arg2[%dma_start3A_199, %dma_start3A_200] : memref<20480x128xf32, #tpu.memory_space<hbm>> -> memref<20480x128xf32, #tpu.memory_space<hbm>>
        tpu.enqueue_indirect_dma source(%dma_start3A_201 : memref<20480x128xf32, #tpu.memory_space<hbm>>) target(%dma_start3A_195 : memref<32x128xf32, #tpu.memory_space<vmem>>) offsets(%dma_start3A_198 : memref<32xi32, #tpu.memory_space<vmem>>) semaphore(%arg11 : memref<!tpu.dma_semaphore, #tpu.memory_space<semaphore_mem>>)
        %add3A_202 = arith.constant 1 : i32
        %add3A_203 = arith.addi %scan3A_133, %add3A_202 : i32
        %dma_start3A_204 = arith.constant 96 : i32
        %dma_start3A_205 = arith.constant 0 : i32
        %dma_start3A_206 = tpu.memref_slice %arg9[%rem3A_137, %dma_start3A_204, %dma_start3A_205] : memref<2x128x128xf32, #tpu.memory_space<vmem>> -> memref<1x32x128xf32, #tpu.memory_space<vmem>>
        %dma_start3A_207 = tpu.memref_squeeze %dma_start3A_206 : memref<1x32x128xf32, #tpu.memory_space<vmem>> -> memref<32x128xf32, #tpu.memory_space<vmem>>
        %dma_start3A_208 = arith.constant 96 : i32
        %dma_start3A_209 = tpu.memref_slice %arg7[%add3A_203, %dma_start3A_208] : memref<40x128xi32, #tpu.memory_space<vmem>> -> memref<1x32xi32, #tpu.memory_space<vmem>>
        %dma_start3A_210 = tpu.memref_squeeze %dma_start3A_209 : memref<1x32xi32, #tpu.memory_space<vmem>> -> memref<32xi32, #tpu.memory_space<vmem>>
        %dma_start3A_211 = arith.constant 0 : i32
        %dma_start3A_212 = arith.constant 0 : i32
        %dma_start3A_213 = tpu.memref_slice %arg2[%dma_start3A_211, %dma_start3A_212] : memref<20480x128xf32, #tpu.memory_space<hbm>> -> memref<20480x128xf32, #tpu.memory_space<hbm>>
        tpu.enqueue_indirect_dma source(%dma_start3A_213 : memref<20480x128xf32, #tpu.memory_space<hbm>>) target(%dma_start3A_207 : memref<32x128xf32, #tpu.memory_space<vmem>>) offsets(%dma_start3A_210 : memref<32xi32, #tpu.memory_space<vmem>>) semaphore(%arg11 : memref<!tpu.dma_semaphore, #tpu.memory_space<semaphore_mem>>)
      } else {
      }
      %dma_wait3A_146 = arith.constant 0 : i32
      %dma_wait3A_147 = arith.constant 0 : i32
      %dma_wait3A_148 = tpu.memref_slice %arg9[%rem3A_134, %dma_wait3A_146, %dma_wait3A_147] : memref<2x128x128xf32, #tpu.memory_space<vmem>> -> memref<1x128x128xf32, #tpu.memory_space<vmem>>
      %dma_wait3A_149 = tpu.memref_squeeze %dma_wait3A_148 : memref<1x128x128xf32, #tpu.memory_space<vmem>> -> memref<128x128xf32, #tpu.memory_space<vmem>>
      %dma_wait3A_150 = arith.constant 0 : i32
      %dma_wait3A_151 = tpu.memref_slice %arg7[%scan3A_133, %dma_wait3A_150] : memref<40x128xi32, #tpu.memory_space<vmem>> -> memref<1x128xi32, #tpu.memory_space<vmem>>
      %dma_wait3A_152 = tpu.memref_squeeze %dma_wait3A_151 : memref<1x128xi32, #tpu.memory_space<vmem>> -> memref<128xi32, #tpu.memory_space<vmem>>
      %dma_wait3A_153 = arith.constant 0 : i32
      %dma_wait3A_154 = arith.constant 0 : i32
      %dma_wait3A_155 = tpu.memref_slice %arg2[%dma_wait3A_153, %dma_wait3A_154] : memref<20480x128xf32, #tpu.memory_space<hbm>> -> memref<20480x128xf32, #tpu.memory_space<hbm>>
      tpu.wait_indirect_dma semaphore(%arg11 : memref<!tpu.dma_semaphore, #tpu.memory_space<semaphore_mem>>) src(%dma_wait3A_155 : memref<20480x128xf32, #tpu.memory_space<hbm>>) dst(%dma_wait3A_149 : memref<128x128xf32, #tpu.memory_space<vmem>>)
      %dma_start3A_156 = arith.constant 0 : i32
      %dma_start3A_157 = arith.constant 0 : i32
      %dma_start3A_158 = tpu.memref_slice %arg9[%rem3A_134, %dma_start3A_156, %dma_start3A_157] : memref<2x128x128xf32, #tpu.memory_space<vmem>> -> memref<1x128x128xf32, #tpu.memory_space<vmem>>
      %dma_start3A_159 = tpu.memref_squeeze %dma_start3A_158 : memref<1x128x128xf32, #tpu.memory_space<vmem>> -> memref<128x128xf32, #tpu.memory_space<vmem>>
      %dma_start3A_160 = arith.constant 0 : i32
      %dma_start3A_161 = tpu.memref_slice %arg8[%scan3A_133, %dma_start3A_160] : memref<40x128xi32, #tpu.memory_space<vmem>> -> memref<1x128xi32, #tpu.memory_space<vmem>>
      %dma_start3A_162 = tpu.memref_squeeze %dma_start3A_161 : memref<1x128xi32, #tpu.memory_space<vmem>> -> memref<128xi32, #tpu.memory_space<vmem>>
      %dma_start3A_163 = arith.constant 0 : i32
      %dma_start3A_164 = arith.constant 0 : i32
      %dma_start3A_165 = tpu.memref_slice %arg10[%dma_start3A_163, %dma_start3A_164] : memref<10240x128xf32, #tpu.memory_space<vmem_shared>> -> memref<10240x128xf32, #tpu.memory_space<vmem_shared>>
      tpu.enqueue_indirect_dma source(%dma_start3A_159 : memref<128x128xf32, #tpu.memory_space<vmem>>) target(%dma_start3A_165 : memref<10240x128xf32, #tpu.memory_space<vmem_shared>>) offsets(%dma_start3A_162 : memref<128xi32, #tpu.memory_space<vmem>>) semaphore(%arg12 : memref<!tpu.dma_semaphore, #tpu.memory_space<semaphore_mem>>) {add = true}
    }
    %scan3A_51 = arith.constant 40 : i32
    %dma_wait3A = arith.constant 1 : i32
    %dma_wait3A_52 = arith.constant 39 : i32
    %dma_wait3A_53 = arith.constant 0 : i32
    %dma_wait3A_54 = arith.constant 0 : i32
    %dma_wait3A_55 = tpu.memref_slice %arg9[%dma_wait3A, %dma_wait3A_53, %dma_wait3A_54] : memref<2x128x128xf32, #tpu.memory_space<vmem>> -> memref<1x128x128xf32, #tpu.memory_space<vmem>>
    %dma_wait3A_56 = tpu.memref_squeeze %dma_wait3A_55 : memref<1x128x128xf32, #tpu.memory_space<vmem>> -> memref<128x128xf32, #tpu.memory_space<vmem>>
    %dma_wait3A_57 = arith.constant 0 : i32
    %dma_wait3A_58 = tpu.memref_slice %arg8[%dma_wait3A_52, %dma_wait3A_57] : memref<40x128xi32, #tpu.memory_space<vmem>> -> memref<1x128xi32, #tpu.memory_space<vmem>>
    %dma_wait3A_59 = tpu.memref_squeeze %dma_wait3A_58 : memref<1x128xi32, #tpu.memory_space<vmem>> -> memref<128xi32, #tpu.memory_space<vmem>>
    %dma_wait3A_60 = arith.constant 0 : i32
    %dma_wait3A_61 = arith.constant 0 : i32
    %dma_wait3A_62 = tpu.memref_slice %arg10[%dma_wait3A_60, %dma_wait3A_61] : memref<10240x128xf32, #tpu.memory_space<vmem_shared>> -> memref<10240x128xf32, #tpu.memory_space<vmem_shared>>
    tpu.wait_indirect_dma semaphore(%arg12 : memref<!tpu.dma_semaphore, #tpu.memory_space<semaphore_mem>>) src(%dma_wait3A_56 : memref<128x128xf32, #tpu.memory_space<vmem>>) dst(%dma_wait3A_62 : memref<10240x128xf32, #tpu.memory_space<vmem_shared>>)
    "tpu.region"() ({
      %run_scoped3A_133 = tpu.sem_alloc : memref<!tpu.dma_semaphore, #tpu.memory_space<semaphore_mem>>
      %dma_start3A_134 = arith.constant 40 : i32
      %dma_start3A_135 = arith.constant 0 : i32
      %dma_start3A_136 = tpu.memref_slice %arg3[%arg0, %arg1, %dma_start3A_134, %dma_start3A_135] : memref<2x16x80x128xi32, #tpu.memory_space<hbm>> -> memref<1x1x40x128xi32, #tpu.memory_space<hbm>>
      %dma_start3A_137 = tpu.memref_squeeze %dma_start3A_136 : memref<1x1x40x128xi32, #tpu.memory_space<hbm>> -> memref<40x128xi32, #tpu.memory_space<hbm>>
      %dma_start3A_138 = arith.constant 40 : i32
      %dma_start3A_139 = arith.constant 0 : i32
      %dma_start3A_140 = tpu.memref_slice %arg3[%arg0, %arg1, %dma_start3A_138, %dma_start3A_139] : memref<2x16x80x128xi32, #tpu.memory_space<hbm>> -> memref<1x1x40x128xi32, #tpu.memory_space<hbm>>
      %dma_start3A_141 = tpu.memref_squeeze %dma_start3A_140 : memref<1x1x40x128xi32, #tpu.memory_space<hbm>> -> memref<40x128xi32, #tpu.memory_space<hbm>>
      tpu.enqueue_dma source(%dma_start3A_141 : memref<40x128xi32, #tpu.memory_space<hbm>>) target(%arg7 : memref<40x128xi32, #tpu.memory_space<vmem>>) target_semaphore(%run_scoped3A_133 : memref<!tpu.dma_semaphore, #tpu.memory_space<semaphore_mem>>)
      %dma_wait3A_142 = arith.constant 40 : i32
      %dma_wait3A_143 = arith.constant 0 : i32
      %dma_wait3A_144 = tpu.memref_slice %arg3[%arg0, %arg1, %dma_wait3A_142, %dma_wait3A_143] : memref<2x16x80x128xi32, #tpu.memory_space<hbm>> -> memref<1x1x40x128xi32, #tpu.memory_space<hbm>>
      %dma_wait3A_145 = tpu.memref_squeeze %dma_wait3A_144 : memref<1x1x40x128xi32, #tpu.memory_space<hbm>> -> memref<40x128xi32, #tpu.memory_space<hbm>>
      %dma_wait3A_146 = arith.constant 40 : i32
      %dma_wait3A_147 = arith.constant 0 : i32
      %dma_wait3A_148 = tpu.memref_slice %arg3[%arg0, %arg1, %dma_wait3A_146, %dma_wait3A_147] : memref<2x16x80x128xi32, #tpu.memory_space<hbm>> -> memref<1x1x40x128xi32, #tpu.memory_space<hbm>>
      %dma_wait3A_149 = tpu.memref_squeeze %dma_wait3A_148 : memref<1x1x40x128xi32, #tpu.memory_space<hbm>> -> memref<40x128xi32, #tpu.memory_space<hbm>>
      tpu.wait_dma2 semaphore(%run_scoped3A_133 : memref<!tpu.dma_semaphore, #tpu.memory_space<semaphore_mem>>) src(%dma_wait3A_149 : memref<40x128xi32, #tpu.memory_space<hbm>>) dst(%arg7 : memref<40x128xi32, #tpu.memory_space<vmem>>)
      tpu.yield
    }) : () -> ()
    "tpu.region"() ({
      %run_scoped3A_133 = tpu.sem_alloc : memref<!tpu.dma_semaphore, #tpu.memory_space<semaphore_mem>>
      %dma_start3A_134 = arith.constant 40 : i32
      %dma_start3A_135 = arith.constant 0 : i32
      %dma_start3A_136 = tpu.memref_slice %arg4[%arg1, %dma_start3A_134, %dma_start3A_135] : memref<16x80x128xi32, #tpu.memory_space<hbm>> -> memref<1x40x128xi32, #tpu.memory_space<hbm>>
      %dma_start3A_137 = tpu.memref_squeeze %dma_start3A_136 : memref<1x40x128xi32, #tpu.memory_space<hbm>> -> memref<40x128xi32, #tpu.memory_space<hbm>>
      %dma_start3A_138 = arith.constant 40 : i32
      %dma_start3A_139 = arith.constant 0 : i32
      %dma_start3A_140 = tpu.memref_slice %arg4[%arg1, %dma_start3A_138, %dma_start3A_139] : memref<16x80x128xi32, #tpu.memory_space<hbm>> -> memref<1x40x128xi32, #tpu.memory_space<hbm>>
      %dma_start3A_141 = tpu.memref_squeeze %dma_start3A_140 : memref<1x40x128xi32, #tpu.memory_space<hbm>> -> memref<40x128xi32, #tpu.memory_space<hbm>>
      tpu.enqueue_dma source(%dma_start3A_141 : memref<40x128xi32, #tpu.memory_space<hbm>>) target(%arg8 : memref<40x128xi32, #tpu.memory_space<vmem>>) target_semaphore(%run_scoped3A_133 : memref<!tpu.dma_semaphore, #tpu.memory_space<semaphore_mem>>)
      %dma_wait3A_142 = arith.constant 40 : i32
      %dma_wait3A_143 = arith.constant 0 : i32
      %dma_wait3A_144 = tpu.memref_slice %arg4[%arg1, %dma_wait3A_142, %dma_wait3A_143] : memref<16x80x128xi32, #tpu.memory_space<hbm>> -> memref<1x40x128xi32, #tpu.memory_space<hbm>>
      %dma_wait3A_145 = tpu.memref_squeeze %dma_wait3A_144 : memref<1x40x128xi32, #tpu.memory_space<hbm>> -> memref<40x128xi32, #tpu.memory_space<hbm>>
      %dma_wait3A_146 = arith.constant 40 : i32
      %dma_wait3A_147 = arith.constant 0 : i32
      %dma_wait3A_148 = tpu.memref_slice %arg4[%arg1, %dma_wait3A_146, %dma_wait3A_147] : memref<16x80x128xi32, #tpu.memory_space<hbm>> -> memref<1x40x128xi32, #tpu.memory_space<hbm>>
      %dma_wait3A_149 = tpu.memref_squeeze %dma_wait3A_148 : memref<1x40x128xi32, #tpu.memory_space<hbm>> -> memref<40x128xi32, #tpu.memory_space<hbm>>
      tpu.wait_dma2 semaphore(%run_scoped3A_133 : memref<!tpu.dma_semaphore, #tpu.memory_space<semaphore_mem>>) src(%dma_wait3A_149 : memref<40x128xi32, #tpu.memory_space<hbm>>) dst(%arg8 : memref<40x128xi32, #tpu.memory_space<vmem>>)
      tpu.yield
    }) : () -> ()
    %dma_start3A_63 = arith.constant 0 : i32
    %dma_start3A_64 = arith.constant 0 : i32
    %dma_start3A_65 = arith.constant 0 : i32
    %dma_start3A_66 = arith.constant 0 : i32
    %dma_start3A_67 = tpu.memref_slice %arg9[%dma_start3A_64, %dma_start3A_65, %dma_start3A_66] : memref<2x128x128xf32, #tpu.memory_space<vmem>> -> memref<1x32x128xf32, #tpu.memory_space<vmem>>
    %dma_start3A_68 = tpu.memref_squeeze %dma_start3A_67 : memref<1x32x128xf32, #tpu.memory_space<vmem>> -> memref<32x128xf32, #tpu.memory_space<vmem>>
    %dma_start3A_69 = arith.constant 0 : i32
    %dma_start3A_70 = tpu.memref_slice %arg7[%dma_start3A_63, %dma_start3A_69] : memref<40x128xi32, #tpu.memory_space<vmem>> -> memref<1x32xi32, #tpu.memory_space<vmem>>
    %dma_start3A_71 = tpu.memref_squeeze %dma_start3A_70 : memref<1x32xi32, #tpu.memory_space<vmem>> -> memref<32xi32, #tpu.memory_space<vmem>>
    %dma_start3A_72 = arith.constant 0 : i32
    %dma_start3A_73 = arith.constant 0 : i32
    %dma_start3A_74 = tpu.memref_slice %arg2[%dma_start3A_72, %dma_start3A_73] : memref<20480x128xf32, #tpu.memory_space<hbm>> -> memref<20480x128xf32, #tpu.memory_space<hbm>>
    tpu.enqueue_indirect_dma source(%dma_start3A_74 : memref<20480x128xf32, #tpu.memory_space<hbm>>) target(%dma_start3A_68 : memref<32x128xf32, #tpu.memory_space<vmem>>) offsets(%dma_start3A_71 : memref<32xi32, #tpu.memory_space<vmem>>) semaphore(%arg11 : memref<!tpu.dma_semaphore, #tpu.memory_space<semaphore_mem>>)
    %dma_start3A_75 = arith.constant 0 : i32
    %dma_start3A_76 = arith.constant 0 : i32
    %dma_start3A_77 = arith.constant 32 : i32
    %dma_start3A_78 = arith.constant 0 : i32
    %dma_start3A_79 = tpu.memref_slice %arg9[%dma_start3A_76, %dma_start3A_77, %dma_start3A_78] : memref<2x128x128xf32, #tpu.memory_space<vmem>> -> memref<1x32x128xf32, #tpu.memory_space<vmem>>
    %dma_start3A_80 = tpu.memref_squeeze %dma_start3A_79 : memref<1x32x128xf32, #tpu.memory_space<vmem>> -> memref<32x128xf32, #tpu.memory_space<vmem>>
    %dma_start3A_81 = arith.constant 32 : i32
    %dma_start3A_82 = tpu.memref_slice %arg7[%dma_start3A_75, %dma_start3A_81] : memref<40x128xi32, #tpu.memory_space<vmem>> -> memref<1x32xi32, #tpu.memory_space<vmem>>
    %dma_start3A_83 = tpu.memref_squeeze %dma_start3A_82 : memref<1x32xi32, #tpu.memory_space<vmem>> -> memref<32xi32, #tpu.memory_space<vmem>>
    %dma_start3A_84 = arith.constant 0 : i32
    %dma_start3A_85 = arith.constant 0 : i32
    %dma_start3A_86 = tpu.memref_slice %arg2[%dma_start3A_84, %dma_start3A_85] : memref<20480x128xf32, #tpu.memory_space<hbm>> -> memref<20480x128xf32, #tpu.memory_space<hbm>>
    tpu.enqueue_indirect_dma source(%dma_start3A_86 : memref<20480x128xf32, #tpu.memory_space<hbm>>) target(%dma_start3A_80 : memref<32x128xf32, #tpu.memory_space<vmem>>) offsets(%dma_start3A_83 : memref<32xi32, #tpu.memory_space<vmem>>) semaphore(%arg11 : memref<!tpu.dma_semaphore, #tpu.memory_space<semaphore_mem>>)
    %dma_start3A_87 = arith.constant 0 : i32
    %dma_start3A_88 = arith.constant 0 : i32
    %dma_start3A_89 = arith.constant 64 : i32
    %dma_start3A_90 = arith.constant 0 : i32
    %dma_start3A_91 = tpu.memref_slice %arg9[%dma_start3A_88, %dma_start3A_89, %dma_start3A_90] : memref<2x128x128xf32, #tpu.memory_space<vmem>> -> memref<1x32x128xf32, #tpu.memory_space<vmem>>
    %dma_start3A_92 = tpu.memref_squeeze %dma_start3A_91 : memref<1x32x128xf32, #tpu.memory_space<vmem>> -> memref<32x128xf32, #tpu.memory_space<vmem>>
    %dma_start3A_93 = arith.constant 64 : i32
    %dma_start3A_94 = tpu.memref_slice %arg7[%dma_start3A_87, %dma_start3A_93] : memref<40x128xi32, #tpu.memory_space<vmem>> -> memref<1x32xi32, #tpu.memory_space<vmem>>
    %dma_start3A_95 = tpu.memref_squeeze %dma_start3A_94 : memref<1x32xi32, #tpu.memory_space<vmem>> -> memref<32xi32, #tpu.memory_space<vmem>>
    %dma_start3A_96 = arith.constant 0 : i32
    %dma_start3A_97 = arith.constant 0 : i32
    %dma_start3A_98 = tpu.memref_slice %arg2[%dma_start3A_96, %dma_start3A_97] : memref<20480x128xf32, #tpu.memory_space<hbm>> -> memref<20480x128xf32, #tpu.memory_space<hbm>>
    tpu.enqueue_indirect_dma source(%dma_start3A_98 : memref<20480x128xf32, #tpu.memory_space<hbm>>) target(%dma_start3A_92 : memref<32x128xf32, #tpu.memory_space<vmem>>) offsets(%dma_start3A_95 : memref<32xi32, #tpu.memory_space<vmem>>) semaphore(%arg11 : memref<!tpu.dma_semaphore, #tpu.memory_space<semaphore_mem>>)
    %dma_start3A_99 = arith.constant 0 : i32
    %dma_start3A_100 = arith.constant 0 : i32
    %dma_start3A_101 = arith.constant 96 : i32
    %dma_start3A_102 = arith.constant 0 : i32
    %dma_start3A_103 = tpu.memref_slice %arg9[%dma_start3A_100, %dma_start3A_101, %dma_start3A_102] : memref<2x128x128xf32, #tpu.memory_space<vmem>> -> memref<1x32x128xf32, #tpu.memory_space<vmem>>
    %dma_start3A_104 = tpu.memref_squeeze %dma_start3A_103 : memref<1x32x128xf32, #tpu.memory_space<vmem>> -> memref<32x128xf32, #tpu.memory_space<vmem>>
    %dma_start3A_105 = arith.constant 96 : i32
    %dma_start3A_106 = tpu.memref_slice %arg7[%dma_start3A_99, %dma_start3A_105] : memref<40x128xi32, #tpu.memory_space<vmem>> -> memref<1x32xi32, #tpu.memory_space<vmem>>
    %dma_start3A_107 = tpu.memref_squeeze %dma_start3A_106 : memref<1x32xi32, #tpu.memory_space<vmem>> -> memref<32xi32, #tpu.memory_space<vmem>>
    %dma_start3A_108 = arith.constant 0 : i32
    %dma_start3A_109 = arith.constant 0 : i32
    %dma_start3A_110 = tpu.memref_slice %arg2[%dma_start3A_108, %dma_start3A_109] : memref<20480x128xf32, #tpu.memory_space<hbm>> -> memref<20480x128xf32, #tpu.memory_space<hbm>>
    tpu.enqueue_indirect_dma source(%dma_start3A_110 : memref<20480x128xf32, #tpu.memory_space<hbm>>) target(%dma_start3A_104 : memref<32x128xf32, #tpu.memory_space<vmem>>) offsets(%dma_start3A_107 : memref<32xi32, #tpu.memory_space<vmem>>) semaphore(%arg11 : memref<!tpu.dma_semaphore, #tpu.memory_space<semaphore_mem>>)
    %scan3A_111 = arith.constant 0 : i32
    %scan3A_112 = arith.constant 40 : i32
    %scan3A_113 = arith.addi %scan3A_111, %scan3A_112 : i32
    %scan3A_114 = arith.constant 1 : i32
    scf.for %scan3A_133 = %scan3A_111 to %scan3A_113 step %scan3A_114  : i32 {
      %rem3A = arith.constant 2 : i32
      %rem3A_134 = arith.remsi %scan3A_133, %rem3A : i32
      %add3A = arith.constant 1 : i32
      %add3A_135 = arith.addi %scan3A_133, %add3A : i32
      %rem3A_136 = arith.constant 2 : i32
      %rem3A_137 = arith.remsi %add3A_135, %rem3A_136 : i32
      %gt3A = arith.constant 0 : i32
      %gt3A_138 = arith.cmpi sgt, %scan3A_133, %gt3A : i32
      %convert_element_type3A = arith.extui %gt3A_138 : i1 to i32
      %cond3A = arith.constant 0 : i32
      %cond3A_139 = arith.cmpi ne, %convert_element_type3A, %cond3A : i32
      scf.if %cond3A_139 {
        %sub3A = arith.constant 1 : i32
        %sub3A_166 = arith.subi %scan3A_133, %sub3A : i32
        %dma_wait3A_167 = arith.constant 0 : i32
        %dma_wait3A_168 = arith.constant 0 : i32
        %dma_wait3A_169 = tpu.memref_slice %arg9[%rem3A_137, %dma_wait3A_167, %dma_wait3A_168] : memref<2x128x128xf32, #tpu.memory_space<vmem>> -> memref<1x128x128xf32, #tpu.memory_space<vmem>>
        %dma_wait3A_170 = tpu.memref_squeeze %dma_wait3A_169 : memref<1x128x128xf32, #tpu.memory_space<vmem>> -> memref<128x128xf32, #tpu.memory_space<vmem>>
        %dma_wait3A_171 = arith.constant 0 : i32
        %dma_wait3A_172 = tpu.memref_slice %arg8[%sub3A_166, %dma_wait3A_171] : memref<40x128xi32, #tpu.memory_space<vmem>> -> memref<1x128xi32, #tpu.memory_space<vmem>>
        %dma_wait3A_173 = tpu.memref_squeeze %dma_wait3A_172 : memref<1x128xi32, #tpu.memory_space<vmem>> -> memref<128xi32, #tpu.memory_space<vmem>>
        %dma_wait3A_174 = arith.constant 0 : i32
        %dma_wait3A_175 = arith.constant 0 : i32
        %dma_wait3A_176 = tpu.memref_slice %arg10[%dma_wait3A_174, %dma_wait3A_175] : memref<10240x128xf32, #tpu.memory_space<vmem_shared>> -> memref<10240x128xf32, #tpu.memory_space<vmem_shared>>
        tpu.wait_indirect_dma semaphore(%arg12 : memref<!tpu.dma_semaphore, #tpu.memory_space<semaphore_mem>>) src(%dma_wait3A_170 : memref<128x128xf32, #tpu.memory_space<vmem>>) dst(%dma_wait3A_176 : memref<10240x128xf32, #tpu.memory_space<vmem_shared>>)
      } else {
      }
      %add3A_140 = arith.constant 1 : i32
      %add3A_141 = arith.addi %scan3A_133, %add3A_140 : i32
      %lt3A = arith.constant 40 : i32
      %lt3A_142 = arith.cmpi slt, %add3A_141, %lt3A : i32
      %convert_element_type3A_143 = arith.extui %lt3A_142 : i1 to i32
      %cond3A_144 = arith.constant 0 : i32
      %cond3A_145 = arith.cmpi ne, %convert_element_type3A_143, %cond3A_144 : i32
      scf.if %cond3A_145 {
        %add3A_166 = arith.constant 1 : i32
        %add3A_167 = arith.addi %scan3A_133, %add3A_166 : i32
        %dma_start3A_168 = arith.constant 0 : i32
        %dma_start3A_169 = arith.constant 0 : i32
        %dma_start3A_170 = tpu.memref_slice %arg9[%rem3A_137, %dma_start3A_168, %dma_start3A_169] : memref<2x128x128xf32, #tpu.memory_space<vmem>> -> memref<1x32x128xf32, #tpu.memory_space<vmem>>
        %dma_start3A_171 = tpu.memref_squeeze %dma_start3A_170 : memref<1x32x128xf32, #tpu.memory_space<vmem>> -> memref<32x128xf32, #tpu.memory_space<vmem>>
        %dma_start3A_172 = arith.constant 0 : i32
        %dma_start3A_173 = tpu.memref_slice %arg7[%add3A_167, %dma_start3A_172] : memref<40x128xi32, #tpu.memory_space<vmem>> -> memref<1x32xi32, #tpu.memory_space<vmem>>
        %dma_start3A_174 = tpu.memref_squeeze %dma_start3A_173 : memref<1x32xi32, #tpu.memory_space<vmem>> -> memref<32xi32, #tpu.memory_space<vmem>>
        %dma_start3A_175 = arith.constant 0 : i32
        %dma_start3A_176 = arith.constant 0 : i32
        %dma_start3A_177 = tpu.memref_slice %arg2[%dma_start3A_175, %dma_start3A_176] : memref<20480x128xf32, #tpu.memory_space<hbm>> -> memref<20480x128xf32, #tpu.memory_space<hbm>>
        tpu.enqueue_indirect_dma source(%dma_start3A_177 : memref<20480x128xf32, #tpu.memory_space<hbm>>) target(%dma_start3A_171 : memref<32x128xf32, #tpu.memory_space<vmem>>) offsets(%dma_start3A_174 : memref<32xi32, #tpu.memory_space<vmem>>) semaphore(%arg11 : memref<!tpu.dma_semaphore, #tpu.memory_space<semaphore_mem>>)
        %add3A_178 = arith.constant 1 : i32
        %add3A_179 = arith.addi %scan3A_133, %add3A_178 : i32
        %dma_start3A_180 = arith.constant 32 : i32
        %dma_start3A_181 = arith.constant 0 : i32
        %dma_start3A_182 = tpu.memref_slice %arg9[%rem3A_137, %dma_start3A_180, %dma_start3A_181] : memref<2x128x128xf32, #tpu.memory_space<vmem>> -> memref<1x32x128xf32, #tpu.memory_space<vmem>>
        %dma_start3A_183 = tpu.memref_squeeze %dma_start3A_182 : memref<1x32x128xf32, #tpu.memory_space<vmem>> -> memref<32x128xf32, #tpu.memory_space<vmem>>
        %dma_start3A_184 = arith.constant 32 : i32
        %dma_start3A_185 = tpu.memref_slice %arg7[%add3A_179, %dma_start3A_184] : memref<40x128xi32, #tpu.memory_space<vmem>> -> memref<1x32xi32, #tpu.memory_space<vmem>>
        %dma_start3A_186 = tpu.memref_squeeze %dma_start3A_185 : memref<1x32xi32, #tpu.memory_space<vmem>> -> memref<32xi32, #tpu.memory_space<vmem>>
        %dma_start3A_187 = arith.constant 0 : i32
        %dma_start3A_188 = arith.constant 0 : i32
        %dma_start3A_189 = tpu.memref_slice %arg2[%dma_start3A_187, %dma_start3A_188] : memref<20480x128xf32, #tpu.memory_space<hbm>> -> memref<20480x128xf32, #tpu.memory_space<hbm>>
        tpu.enqueue_indirect_dma source(%dma_start3A_189 : memref<20480x128xf32, #tpu.memory_space<hbm>>) target(%dma_start3A_183 : memref<32x128xf32, #tpu.memory_space<vmem>>) offsets(%dma_start3A_186 : memref<32xi32, #tpu.memory_space<vmem>>) semaphore(%arg11 : memref<!tpu.dma_semaphore, #tpu.memory_space<semaphore_mem>>)
        %add3A_190 = arith.constant 1 : i32
        %add3A_191 = arith.addi %scan3A_133, %add3A_190 : i32
        %dma_start3A_192 = arith.constant 64 : i32
        %dma_start3A_193 = arith.constant 0 : i32
        %dma_start3A_194 = tpu.memref_slice %arg9[%rem3A_137, %dma_start3A_192, %dma_start3A_193] : memref<2x128x128xf32, #tpu.memory_space<vmem>> -> memref<1x32x128xf32, #tpu.memory_space<vmem>>
        %dma_start3A_195 = tpu.memref_squeeze %dma_start3A_194 : memref<1x32x128xf32, #tpu.memory_space<vmem>> -> memref<32x128xf32, #tpu.memory_space<vmem>>
        %dma_start3A_196 = arith.constant 64 : i32
        %dma_start3A_197 = tpu.memref_slice %arg7[%add3A_191, %dma_start3A_196] : memref<40x128xi32, #tpu.memory_space<vmem>> -> memref<1x32xi32, #tpu.memory_space<vmem>>
        %dma_start3A_198 = tpu.memref_squeeze %dma_start3A_197 : memref<1x32xi32, #tpu.memory_space<vmem>> -> memref<32xi32, #tpu.memory_space<vmem>>
        %dma_start3A_199 = arith.constant 0 : i32
        %dma_start3A_200 = arith.constant 0 : i32
        %dma_start3A_201 = tpu.memref_slice %arg2[%dma_start3A_199, %dma_start3A_200] : memref<20480x128xf32, #tpu.memory_space<hbm>> -> memref<20480x128xf32, #tpu.memory_space<hbm>>
        tpu.enqueue_indirect_dma source(%dma_start3A_201 : memref<20480x128xf32, #tpu.memory_space<hbm>>) target(%dma_start3A_195 : memref<32x128xf32, #tpu.memory_space<vmem>>) offsets(%dma_start3A_198 : memref<32xi32, #tpu.memory_space<vmem>>) semaphore(%arg11 : memref<!tpu.dma_semaphore, #tpu.memory_space<semaphore_mem>>)
        %add3A_202 = arith.constant 1 : i32
        %add3A_203 = arith.addi %scan3A_133, %add3A_202 : i32
        %dma_start3A_204 = arith.constant 96 : i32
        %dma_start3A_205 = arith.constant 0 : i32
        %dma_start3A_206 = tpu.memref_slice %arg9[%rem3A_137, %dma_start3A_204, %dma_start3A_205] : memref<2x128x128xf32, #tpu.memory_space<vmem>> -> memref<1x32x128xf32, #tpu.memory_space<vmem>>
        %dma_start3A_207 = tpu.memref_squeeze %dma_start3A_206 : memref<1x32x128xf32, #tpu.memory_space<vmem>> -> memref<32x128xf32, #tpu.memory_space<vmem>>
        %dma_start3A_208 = arith.constant 96 : i32
        %dma_start3A_209 = tpu.memref_slice %arg7[%add3A_203, %dma_start3A_208] : memref<40x128xi32, #tpu.memory_space<vmem>> -> memref<1x32xi32, #tpu.memory_space<vmem>>
        %dma_start3A_210 = tpu.memref_squeeze %dma_start3A_209 : memref<1x32xi32, #tpu.memory_space<vmem>> -> memref<32xi32, #tpu.memory_space<vmem>>
        %dma_start3A_211 = arith.constant 0 : i32
        %dma_start3A_212 = arith.constant 0 : i32
        %dma_start3A_213 = tpu.memref_slice %arg2[%dma_start3A_211, %dma_start3A_212] : memref<20480x128xf32, #tpu.memory_space<hbm>> -> memref<20480x128xf32, #tpu.memory_space<hbm>>
        tpu.enqueue_indirect_dma source(%dma_start3A_213 : memref<20480x128xf32, #tpu.memory_space<hbm>>) target(%dma_start3A_207 : memref<32x128xf32, #tpu.memory_space<vmem>>) offsets(%dma_start3A_210 : memref<32xi32, #tpu.memory_space<vmem>>) semaphore(%arg11 : memref<!tpu.dma_semaphore, #tpu.memory_space<semaphore_mem>>)
      } else {
      }
      %dma_wait3A_146 = arith.constant 0 : i32
      %dma_wait3A_147 = arith.constant 0 : i32
      %dma_wait3A_148 = tpu.memref_slice %arg9[%rem3A_134, %dma_wait3A_146, %dma_wait3A_147] : memref<2x128x128xf32, #tpu.memory_space<vmem>> -> memref<1x128x128xf32, #tpu.memory_space<vmem>>
      %dma_wait3A_149 = tpu.memref_squeeze %dma_wait3A_148 : memref<1x128x128xf32, #tpu.memory_space<vmem>> -> memref<128x128xf32, #tpu.memory_space<vmem>>
      %dma_wait3A_150 = arith.constant 0 : i32
      %dma_wait3A_151 = tpu.memref_slice %arg7[%scan3A_133, %dma_wait3A_150] : memref<40x128xi32, #tpu.memory_space<vmem>> -> memref<1x128xi32, #tpu.memory_space<vmem>>
      %dma_wait3A_152 = tpu.memref_squeeze %dma_wait3A_151 : memref<1x128xi32, #tpu.memory_space<vmem>> -> memref<128xi32, #tpu.memory_space<vmem>>
      %dma_wait3A_153 = arith.constant 0 : i32
      %dma_wait3A_154 = arith.constant 0 : i32
      %dma_wait3A_155 = tpu.memref_slice %arg2[%dma_wait3A_153, %dma_wait3A_154] : memref<20480x128xf32, #tpu.memory_space<hbm>> -> memref<20480x128xf32, #tpu.memory_space<hbm>>
      tpu.wait_indirect_dma semaphore(%arg11 : memref<!tpu.dma_semaphore, #tpu.memory_space<semaphore_mem>>) src(%dma_wait3A_155 : memref<20480x128xf32, #tpu.memory_space<hbm>>) dst(%dma_wait3A_149 : memref<128x128xf32, #tpu.memory_space<vmem>>)
      %dma_start3A_156 = arith.constant 0 : i32
      %dma_start3A_157 = arith.constant 0 : i32
      %dma_start3A_158 = tpu.memref_slice %arg9[%rem3A_134, %dma_start3A_156, %dma_start3A_157] : memref<2x128x128xf32, #tpu.memory_space<vmem>> -> memref<1x128x128xf32, #tpu.memory_space<vmem>>
      %dma_start3A_159 = tpu.memref_squeeze %dma_start3A_158 : memref<1x128x128xf32, #tpu.memory_space<vmem>> -> memref<128x128xf32, #tpu.memory_space<vmem>>
      %dma_start3A_160 = arith.constant 0 : i32
      %dma_start3A_161 = tpu.memref_slice %arg8[%scan3A_133, %dma_start3A_160] : memref<40x128xi32, #tpu.memory_space<vmem>> -> memref<1x128xi32, #tpu.memory_space<vmem>>
      %dma_start3A_162 = tpu.memref_squeeze %dma_start3A_161 : memref<1x128xi32, #tpu.memory_space<vmem>> -> memref<128xi32, #tpu.memory_space<vmem>>
      %dma_start3A_163 = arith.constant 0 : i32
      %dma_start3A_164 = arith.constant 0 : i32
      %dma_start3A_165 = tpu.memref_slice %arg10[%dma_start3A_163, %dma_start3A_164] : memref<10240x128xf32, #tpu.memory_space<vmem_shared>> -> memref<10240x128xf32, #tpu.memory_space<vmem_shared>>
      tpu.enqueue_indirect_dma source(%dma_start3A_159 : memref<128x128xf32, #tpu.memory_space<vmem>>) target(%dma_start3A_165 : memref<10240x128xf32, #tpu.memory_space<vmem_shared>>) offsets(%dma_start3A_162 : memref<128xi32, #tpu.memory_space<vmem>>) semaphore(%arg12 : memref<!tpu.dma_semaphore, #tpu.memory_space<semaphore_mem>>) {add = true}
    }
    %scan3A_115 = arith.constant 40 : i32
    %dma_wait3A_116 = arith.constant 1 : i32
    %dma_wait3A_117 = arith.constant 39 : i32
    %dma_wait3A_118 = arith.constant 0 : i32
    %dma_wait3A_119 = arith.constant 0 : i32
    %dma_wait3A_120 = tpu.memref_slice %arg9[%dma_wait3A_116, %dma_wait3A_118, %dma_wait3A_119] : memref<2x128x128xf32, #tpu.memory_space<vmem>> -> memref<1x128x128xf32, #tpu.memory_space<vmem>>
    %dma_wait3A_121 = tpu.memref_squeeze %dma_wait3A_120 : memref<1x128x128xf32, #tpu.memory_space<vmem>> -> memref<128x128xf32, #tpu.memory_space<vmem>>
    %dma_wait3A_122 = arith.constant 0 : i32
    %dma_wait3A_123 = tpu.memref_slice %arg8[%dma_wait3A_117, %dma_wait3A_122] : memref<40x128xi32, #tpu.memory_space<vmem>> -> memref<1x128xi32, #tpu.memory_space<vmem>>
    %dma_wait3A_124 = tpu.memref_squeeze %dma_wait3A_123 : memref<1x128xi32, #tpu.memory_space<vmem>> -> memref<128xi32, #tpu.memory_space<vmem>>
    %dma_wait3A_125 = arith.constant 0 : i32
    %dma_wait3A_126 = arith.constant 0 : i32
    %dma_wait3A_127 = tpu.memref_slice %arg10[%dma_wait3A_125, %dma_wait3A_126] : memref<10240x128xf32, #tpu.memory_space<vmem_shared>> -> memref<10240x128xf32, #tpu.memory_space<vmem_shared>>
    tpu.wait_indirect_dma semaphore(%arg12 : memref<!tpu.dma_semaphore, #tpu.memory_space<semaphore_mem>>) src(%dma_wait3A_121 : memref<128x128xf32, #tpu.memory_space<vmem>>) dst(%dma_wait3A_127 : memref<10240x128xf32, #tpu.memory_space<vmem_shared>>)
    %barrier3A_128 = arith.constant 0 : index
    tpu.barrier barrier_id(%barrier3A_128)
    %mul3A_129 = arith.constant 640 : i32
    %mul3A_130 = arith.muli %arg1, %mul3A_129 : i32
    %mul3A_131 = arith.constant 640 : i32
    %mul3A_132 = arith.muli %arg1, %mul3A_131 : i32
    %run_scoped3A = arith.constant 0 : i32
    "tpu.region"() ({
      %run_scoped3A_133 = tpu.sem_alloc : memref<!tpu.dma_semaphore, #tpu.memory_space<semaphore_mem>>
      %dma_start3A_134 = arith.constant 0 : i32
      %dma_start3A_135 = tpu.memref_slice %arg6[%run_scoped3A, %arg0, %mul3A_132, %dma_start3A_134] : memref<1x2x10240x128xf32, #tpu.memory_space<hbm>> -> memref<1x1x640x128xf32, #tpu.memory_space<hbm>>
      %dma_start3A_136 = tpu.memref_squeeze %dma_start3A_135 : memref<1x1x640x128xf32, #tpu.memory_space<hbm>> -> memref<640x128xf32, #tpu.memory_space<hbm>>
      %dma_start3A_137 = arith.constant 0 : i32
      %dma_start3A_138 = tpu.memref_slice %arg10[%mul3A_130, %dma_start3A_137] : memref<10240x128xf32, #tpu.memory_space<vmem_shared>> -> memref<640x128xf32, #tpu.memory_space<vmem_shared>>
      tpu.enqueue_dma source(%dma_start3A_138 : memref<640x128xf32, #tpu.memory_space<vmem_shared>>) target(%dma_start3A_136 : memref<640x128xf32, #tpu.memory_space<hbm>>) target_semaphore(%run_scoped3A_133 : memref<!tpu.dma_semaphore, #tpu.memory_space<semaphore_mem>>)
      %dma_wait3A_139 = arith.constant 0 : i32
      %dma_wait3A_140 = tpu.memref_slice %arg6[%run_scoped3A, %arg0, %mul3A_132, %dma_wait3A_139] : memref<1x2x10240x128xf32, #tpu.memory_space<hbm>> -> memref<1x1x640x128xf32, #tpu.memory_space<hbm>>
      %dma_wait3A_141 = tpu.memref_squeeze %dma_wait3A_140 : memref<1x1x640x128xf32, #tpu.memory_space<hbm>> -> memref<640x128xf32, #tpu.memory_space<hbm>>
      %dma_wait3A_142 = arith.constant 0 : i32
      %dma_wait3A_143 = tpu.memref_slice %arg10[%mul3A_130, %dma_wait3A_142] : memref<10240x128xf32, #tpu.memory_space<vmem_shared>> -> memref<640x128xf32, #tpu.memory_space<vmem_shared>>
      tpu.wait_dma2 semaphore(%run_scoped3A_133 : memref<!tpu.dma_semaphore, #tpu.memory_space<semaphore_mem>>) src(%dma_wait3A_143 : memref<640x128xf32, #tpu.memory_space<vmem_shared>>) dst(%dma_wait3A_141 : memref<640x128xf32, #tpu.memory_space<hbm>>)
      tpu.yield
    }) : () -> ()
    return
  }
}

#map = affine_map<(d0, d1) -> (0, 0)>
#map1 = affine_map<(d0, d1) -> (0, 0, 0, 0)>
#map2 = affine_map<(d0, d1) -> (0, 0, 0)>
module attributes {stable_mosaic.version = 14 : i64} {
  func.func @agg(%arg0: i32, %arg1: i32, %arg2: memref<20480x128xf32, #tpu.memory_space<hbm>>, %arg3: memref<20480x128xf32, #tpu.memory_space<hbm>>, %arg4: memref<2x16x80x128xi32, #tpu.memory_space<hbm>>, %arg5: memref<16x80x128xi32, #tpu.memory_space<hbm>>, %arg6: memref<640x128xf32, #tpu.memory_space<hbm>>, %arg7: memref<2x2x10240x128xf32, #tpu.memory_space<hbm>>, %arg8: memref<40x128xi32, #tpu.memory_space<vmem>>, %arg9: memref<40x128xi32, #tpu.memory_space<vmem>>, %arg10: memref<2x128x128xf32, #tpu.memory_space<vmem>>, %arg11: memref<10240x128xf32, #tpu.memory_space<vmem_shared>>, %arg12: memref<!tpu.dma_semaphore, #tpu.memory_space<semaphore_mem>>, %arg13: memref<!tpu.dma_semaphore, #tpu.memory_space<semaphore_mem>>) attributes {dimension_semantics = [#tpu.dimension_semantics<core_parallel>, #tpu.dimension_semantics<subcore_parallel>], iteration_bounds = array<i64: 2, 16>, scalar_prefetch = 0 : i64, scratch_operands = 6 : i64, tpu.core_type = #tpu.core_type<sc_vector_subcore>, window_params = [{transform_indices = #map}, {transform_indices = #map}, {transform_indices = #map1}, {transform_indices = #map2}, {transform_indices = #map}, {transform_indices = #map1}]} {
    %mul3A = arith.constant 640 : i32
    %mul3A_0 = arith.muli %arg1, %mul3A : i32
    "tpu.region"() ({
      %run_scoped3A_272 = tpu.sem_alloc : memref<!tpu.dma_semaphore, #tpu.memory_space<semaphore_mem>>
      %dma_start3A_273 = arith.constant 0 : i32
      %dma_start3A_274 = tpu.memref_slice %arg11[%mul3A_0, %dma_start3A_273] : memref<10240x128xf32, #tpu.memory_space<vmem_shared>> -> memref<640x128xf32, #tpu.memory_space<vmem_shared>>
      tpu.enqueue_dma source(%arg6 : memref<640x128xf32, #tpu.memory_space<hbm>>) target(%dma_start3A_274 : memref<640x128xf32, #tpu.memory_space<vmem_shared>>) target_semaphore(%run_scoped3A_272 : memref<!tpu.dma_semaphore, #tpu.memory_space<semaphore_mem>>)
      %dma_wait3A_275 = arith.constant 0 : i32
      %dma_wait3A_276 = tpu.memref_slice %arg11[%mul3A_0, %dma_wait3A_275] : memref<10240x128xf32, #tpu.memory_space<vmem_shared>> -> memref<640x128xf32, #tpu.memory_space<vmem_shared>>
      tpu.wait_dma2 semaphore(%run_scoped3A_272 : memref<!tpu.dma_semaphore, #tpu.memory_space<semaphore_mem>>) src(%arg6 : memref<640x128xf32, #tpu.memory_space<hbm>>) dst(%dma_wait3A_276 : memref<640x128xf32, #tpu.memory_space<vmem_shared>>)
      tpu.yield
    }) : () -> ()
    %barrier3A = arith.constant 0 : index
    tpu.barrier barrier_id(%barrier3A)
    "tpu.region"() ({
      %run_scoped3A_272 = tpu.sem_alloc : memref<!tpu.dma_semaphore, #tpu.memory_space<semaphore_mem>>
      %dma_start3A_273 = arith.constant 0 : i32
      %dma_start3A_274 = arith.constant 0 : i32
      %dma_start3A_275 = tpu.memref_slice %arg4[%arg0, %arg1, %dma_start3A_273, %dma_start3A_274] : memref<2x16x80x128xi32, #tpu.memory_space<hbm>> -> memref<1x1x40x128xi32, #tpu.memory_space<hbm>>
      %dma_start3A_276 = tpu.memref_squeeze %dma_start3A_275 : memref<1x1x40x128xi32, #tpu.memory_space<hbm>> -> memref<40x128xi32, #tpu.memory_space<hbm>>
      %dma_start3A_277 = arith.constant 0 : i32
      %dma_start3A_278 = arith.constant 0 : i32
      %dma_start3A_279 = tpu.memref_slice %arg4[%arg0, %arg1, %dma_start3A_277, %dma_start3A_278] : memref<2x16x80x128xi32, #tpu.memory_space<hbm>> -> memref<1x1x40x128xi32, #tpu.memory_space<hbm>>
      %dma_start3A_280 = tpu.memref_squeeze %dma_start3A_279 : memref<1x1x40x128xi32, #tpu.memory_space<hbm>> -> memref<40x128xi32, #tpu.memory_space<hbm>>
      tpu.enqueue_dma source(%dma_start3A_280 : memref<40x128xi32, #tpu.memory_space<hbm>>) target(%arg8 : memref<40x128xi32, #tpu.memory_space<vmem>>) target_semaphore(%run_scoped3A_272 : memref<!tpu.dma_semaphore, #tpu.memory_space<semaphore_mem>>)
      %dma_wait3A_281 = arith.constant 0 : i32
      %dma_wait3A_282 = arith.constant 0 : i32
      %dma_wait3A_283 = tpu.memref_slice %arg4[%arg0, %arg1, %dma_wait3A_281, %dma_wait3A_282] : memref<2x16x80x128xi32, #tpu.memory_space<hbm>> -> memref<1x1x40x128xi32, #tpu.memory_space<hbm>>
      %dma_wait3A_284 = tpu.memref_squeeze %dma_wait3A_283 : memref<1x1x40x128xi32, #tpu.memory_space<hbm>> -> memref<40x128xi32, #tpu.memory_space<hbm>>
      %dma_wait3A_285 = arith.constant 0 : i32
      %dma_wait3A_286 = arith.constant 0 : i32
      %dma_wait3A_287 = tpu.memref_slice %arg4[%arg0, %arg1, %dma_wait3A_285, %dma_wait3A_286] : memref<2x16x80x128xi32, #tpu.memory_space<hbm>> -> memref<1x1x40x128xi32, #tpu.memory_space<hbm>>
      %dma_wait3A_288 = tpu.memref_squeeze %dma_wait3A_287 : memref<1x1x40x128xi32, #tpu.memory_space<hbm>> -> memref<40x128xi32, #tpu.memory_space<hbm>>
      tpu.wait_dma2 semaphore(%run_scoped3A_272 : memref<!tpu.dma_semaphore, #tpu.memory_space<semaphore_mem>>) src(%dma_wait3A_288 : memref<40x128xi32, #tpu.memory_space<hbm>>) dst(%arg8 : memref<40x128xi32, #tpu.memory_space<vmem>>)
      tpu.yield
    }) : () -> ()
    "tpu.region"() ({
      %run_scoped3A_272 = tpu.sem_alloc : memref<!tpu.dma_semaphore, #tpu.memory_space<semaphore_mem>>
      %dma_start3A_273 = arith.constant 0 : i32
      %dma_start3A_274 = arith.constant 0 : i32
      %dma_start3A_275 = tpu.memref_slice %arg5[%arg1, %dma_start3A_273, %dma_start3A_274] : memref<16x80x128xi32, #tpu.memory_space<hbm>> -> memref<1x40x128xi32, #tpu.memory_space<hbm>>
      %dma_start3A_276 = tpu.memref_squeeze %dma_start3A_275 : memref<1x40x128xi32, #tpu.memory_space<hbm>> -> memref<40x128xi32, #tpu.memory_space<hbm>>
      %dma_start3A_277 = arith.constant 0 : i32
      %dma_start3A_278 = arith.constant 0 : i32
      %dma_start3A_279 = tpu.memref_slice %arg5[%arg1, %dma_start3A_277, %dma_start3A_278] : memref<16x80x128xi32, #tpu.memory_space<hbm>> -> memref<1x40x128xi32, #tpu.memory_space<hbm>>
      %dma_start3A_280 = tpu.memref_squeeze %dma_start3A_279 : memref<1x40x128xi32, #tpu.memory_space<hbm>> -> memref<40x128xi32, #tpu.memory_space<hbm>>
      tpu.enqueue_dma source(%dma_start3A_280 : memref<40x128xi32, #tpu.memory_space<hbm>>) target(%arg9 : memref<40x128xi32, #tpu.memory_space<vmem>>) target_semaphore(%run_scoped3A_272 : memref<!tpu.dma_semaphore, #tpu.memory_space<semaphore_mem>>)
      %dma_wait3A_281 = arith.constant 0 : i32
      %dma_wait3A_282 = arith.constant 0 : i32
      %dma_wait3A_283 = tpu.memref_slice %arg5[%arg1, %dma_wait3A_281, %dma_wait3A_282] : memref<16x80x128xi32, #tpu.memory_space<hbm>> -> memref<1x40x128xi32, #tpu.memory_space<hbm>>
      %dma_wait3A_284 = tpu.memref_squeeze %dma_wait3A_283 : memref<1x40x128xi32, #tpu.memory_space<hbm>> -> memref<40x128xi32, #tpu.memory_space<hbm>>
      %dma_wait3A_285 = arith.constant 0 : i32
      %dma_wait3A_286 = arith.constant 0 : i32
      %dma_wait3A_287 = tpu.memref_slice %arg5[%arg1, %dma_wait3A_285, %dma_wait3A_286] : memref<16x80x128xi32, #tpu.memory_space<hbm>> -> memref<1x40x128xi32, #tpu.memory_space<hbm>>
      %dma_wait3A_288 = tpu.memref_squeeze %dma_wait3A_287 : memref<1x40x128xi32, #tpu.memory_space<hbm>> -> memref<40x128xi32, #tpu.memory_space<hbm>>
      tpu.wait_dma2 semaphore(%run_scoped3A_272 : memref<!tpu.dma_semaphore, #tpu.memory_space<semaphore_mem>>) src(%dma_wait3A_288 : memref<40x128xi32, #tpu.memory_space<hbm>>) dst(%arg9 : memref<40x128xi32, #tpu.memory_space<vmem>>)
      tpu.yield
    }) : () -> ()
    %dma_start3A = arith.constant 0 : i32
    %dma_start3A_1 = arith.constant 0 : i32
    %dma_start3A_2 = arith.constant 0 : i32
    %dma_start3A_3 = arith.constant 0 : i32
    %dma_start3A_4 = tpu.memref_slice %arg10[%dma_start3A_1, %dma_start3A_2, %dma_start3A_3] : memref<2x128x128xf32, #tpu.memory_space<vmem>> -> memref<1x32x128xf32, #tpu.memory_space<vmem>>
    %dma_start3A_5 = tpu.memref_squeeze %dma_start3A_4 : memref<1x32x128xf32, #tpu.memory_space<vmem>> -> memref<32x128xf32, #tpu.memory_space<vmem>>
    %dma_start3A_6 = arith.constant 0 : i32
    %dma_start3A_7 = tpu.memref_slice %arg8[%dma_start3A, %dma_start3A_6] : memref<40x128xi32, #tpu.memory_space<vmem>> -> memref<1x32xi32, #tpu.memory_space<vmem>>
    %dma_start3A_8 = tpu.memref_squeeze %dma_start3A_7 : memref<1x32xi32, #tpu.memory_space<vmem>> -> memref<32xi32, #tpu.memory_space<vmem>>
    %dma_start3A_9 = arith.constant 0 : i32
    %dma_start3A_10 = arith.constant 0 : i32
    %dma_start3A_11 = tpu.memref_slice %arg2[%dma_start3A_9, %dma_start3A_10] : memref<20480x128xf32, #tpu.memory_space<hbm>> -> memref<20480x128xf32, #tpu.memory_space<hbm>>
    tpu.enqueue_indirect_dma source(%dma_start3A_11 : memref<20480x128xf32, #tpu.memory_space<hbm>>) target(%dma_start3A_5 : memref<32x128xf32, #tpu.memory_space<vmem>>) offsets(%dma_start3A_8 : memref<32xi32, #tpu.memory_space<vmem>>) semaphore(%arg12 : memref<!tpu.dma_semaphore, #tpu.memory_space<semaphore_mem>>)
    %dma_start3A_12 = arith.constant 0 : i32
    %dma_start3A_13 = arith.constant 0 : i32
    %dma_start3A_14 = arith.constant 32 : i32
    %dma_start3A_15 = arith.constant 0 : i32
    %dma_start3A_16 = tpu.memref_slice %arg10[%dma_start3A_13, %dma_start3A_14, %dma_start3A_15] : memref<2x128x128xf32, #tpu.memory_space<vmem>> -> memref<1x32x128xf32, #tpu.memory_space<vmem>>
    %dma_start3A_17 = tpu.memref_squeeze %dma_start3A_16 : memref<1x32x128xf32, #tpu.memory_space<vmem>> -> memref<32x128xf32, #tpu.memory_space<vmem>>
    %dma_start3A_18 = arith.constant 32 : i32
    %dma_start3A_19 = tpu.memref_slice %arg8[%dma_start3A_12, %dma_start3A_18] : memref<40x128xi32, #tpu.memory_space<vmem>> -> memref<1x32xi32, #tpu.memory_space<vmem>>
    %dma_start3A_20 = tpu.memref_squeeze %dma_start3A_19 : memref<1x32xi32, #tpu.memory_space<vmem>> -> memref<32xi32, #tpu.memory_space<vmem>>
    %dma_start3A_21 = arith.constant 0 : i32
    %dma_start3A_22 = arith.constant 0 : i32
    %dma_start3A_23 = tpu.memref_slice %arg2[%dma_start3A_21, %dma_start3A_22] : memref<20480x128xf32, #tpu.memory_space<hbm>> -> memref<20480x128xf32, #tpu.memory_space<hbm>>
    tpu.enqueue_indirect_dma source(%dma_start3A_23 : memref<20480x128xf32, #tpu.memory_space<hbm>>) target(%dma_start3A_17 : memref<32x128xf32, #tpu.memory_space<vmem>>) offsets(%dma_start3A_20 : memref<32xi32, #tpu.memory_space<vmem>>) semaphore(%arg12 : memref<!tpu.dma_semaphore, #tpu.memory_space<semaphore_mem>>)
    %dma_start3A_24 = arith.constant 0 : i32
    %dma_start3A_25 = arith.constant 0 : i32
    %dma_start3A_26 = arith.constant 64 : i32
    %dma_start3A_27 = arith.constant 0 : i32
    %dma_start3A_28 = tpu.memref_slice %arg10[%dma_start3A_25, %dma_start3A_26, %dma_start3A_27] : memref<2x128x128xf32, #tpu.memory_space<vmem>> -> memref<1x32x128xf32, #tpu.memory_space<vmem>>
    %dma_start3A_29 = tpu.memref_squeeze %dma_start3A_28 : memref<1x32x128xf32, #tpu.memory_space<vmem>> -> memref<32x128xf32, #tpu.memory_space<vmem>>
    %dma_start3A_30 = arith.constant 64 : i32
    %dma_start3A_31 = tpu.memref_slice %arg8[%dma_start3A_24, %dma_start3A_30] : memref<40x128xi32, #tpu.memory_space<vmem>> -> memref<1x32xi32, #tpu.memory_space<vmem>>
    %dma_start3A_32 = tpu.memref_squeeze %dma_start3A_31 : memref<1x32xi32, #tpu.memory_space<vmem>> -> memref<32xi32, #tpu.memory_space<vmem>>
    %dma_start3A_33 = arith.constant 0 : i32
    %dma_start3A_34 = arith.constant 0 : i32
    %dma_start3A_35 = tpu.memref_slice %arg2[%dma_start3A_33, %dma_start3A_34] : memref<20480x128xf32, #tpu.memory_space<hbm>> -> memref<20480x128xf32, #tpu.memory_space<hbm>>
    tpu.enqueue_indirect_dma source(%dma_start3A_35 : memref<20480x128xf32, #tpu.memory_space<hbm>>) target(%dma_start3A_29 : memref<32x128xf32, #tpu.memory_space<vmem>>) offsets(%dma_start3A_32 : memref<32xi32, #tpu.memory_space<vmem>>) semaphore(%arg12 : memref<!tpu.dma_semaphore, #tpu.memory_space<semaphore_mem>>)
    %dma_start3A_36 = arith.constant 0 : i32
    %dma_start3A_37 = arith.constant 0 : i32
    %dma_start3A_38 = arith.constant 96 : i32
    %dma_start3A_39 = arith.constant 0 : i32
    %dma_start3A_40 = tpu.memref_slice %arg10[%dma_start3A_37, %dma_start3A_38, %dma_start3A_39] : memref<2x128x128xf32, #tpu.memory_space<vmem>> -> memref<1x32x128xf32, #tpu.memory_space<vmem>>
    %dma_start3A_41 = tpu.memref_squeeze %dma_start3A_40 : memref<1x32x128xf32, #tpu.memory_space<vmem>> -> memref<32x128xf32, #tpu.memory_space<vmem>>
    %dma_start3A_42 = arith.constant 96 : i32
    %dma_start3A_43 = tpu.memref_slice %arg8[%dma_start3A_36, %dma_start3A_42] : memref<40x128xi32, #tpu.memory_space<vmem>> -> memref<1x32xi32, #tpu.memory_space<vmem>>
    %dma_start3A_44 = tpu.memref_squeeze %dma_start3A_43 : memref<1x32xi32, #tpu.memory_space<vmem>> -> memref<32xi32, #tpu.memory_space<vmem>>
    %dma_start3A_45 = arith.constant 0 : i32
    %dma_start3A_46 = arith.constant 0 : i32
    %dma_start3A_47 = tpu.memref_slice %arg2[%dma_start3A_45, %dma_start3A_46] : memref<20480x128xf32, #tpu.memory_space<hbm>> -> memref<20480x128xf32, #tpu.memory_space<hbm>>
    tpu.enqueue_indirect_dma source(%dma_start3A_47 : memref<20480x128xf32, #tpu.memory_space<hbm>>) target(%dma_start3A_41 : memref<32x128xf32, #tpu.memory_space<vmem>>) offsets(%dma_start3A_44 : memref<32xi32, #tpu.memory_space<vmem>>) semaphore(%arg12 : memref<!tpu.dma_semaphore, #tpu.memory_space<semaphore_mem>>)
    %scan3A = arith.constant 0 : i32
    %scan3A_48 = arith.constant 40 : i32
    %scan3A_49 = arith.addi %scan3A, %scan3A_48 : i32
    %scan3A_50 = arith.constant 1 : i32
    scf.for %scan3A_272 = %scan3A to %scan3A_49 step %scan3A_50  : i32 {
      %rem3A = arith.constant 2 : i32
      %rem3A_273 = arith.remsi %scan3A_272, %rem3A : i32
      %add3A = arith.constant 1 : i32
      %add3A_274 = arith.addi %scan3A_272, %add3A : i32
      %rem3A_275 = arith.constant 2 : i32
      %rem3A_276 = arith.remsi %add3A_274, %rem3A_275 : i32
      %gt3A = arith.constant 0 : i32
      %gt3A_277 = arith.cmpi sgt, %scan3A_272, %gt3A : i32
      %convert_element_type3A = arith.extui %gt3A_277 : i1 to i32
      %cond3A = arith.constant 0 : i32
      %cond3A_278 = arith.cmpi ne, %convert_element_type3A, %cond3A : i32
      scf.if %cond3A_278 {
        %sub3A = arith.constant 1 : i32
        %sub3A_305 = arith.subi %scan3A_272, %sub3A : i32
        %dma_wait3A_306 = arith.constant 0 : i32
        %dma_wait3A_307 = arith.constant 0 : i32
        %dma_wait3A_308 = tpu.memref_slice %arg10[%rem3A_276, %dma_wait3A_306, %dma_wait3A_307] : memref<2x128x128xf32, #tpu.memory_space<vmem>> -> memref<1x128x128xf32, #tpu.memory_space<vmem>>
        %dma_wait3A_309 = tpu.memref_squeeze %dma_wait3A_308 : memref<1x128x128xf32, #tpu.memory_space<vmem>> -> memref<128x128xf32, #tpu.memory_space<vmem>>
        %dma_wait3A_310 = arith.constant 0 : i32
        %dma_wait3A_311 = tpu.memref_slice %arg9[%sub3A_305, %dma_wait3A_310] : memref<40x128xi32, #tpu.memory_space<vmem>> -> memref<1x128xi32, #tpu.memory_space<vmem>>
        %dma_wait3A_312 = tpu.memref_squeeze %dma_wait3A_311 : memref<1x128xi32, #tpu.memory_space<vmem>> -> memref<128xi32, #tpu.memory_space<vmem>>
        %dma_wait3A_313 = arith.constant 0 : i32
        %dma_wait3A_314 = arith.constant 0 : i32
        %dma_wait3A_315 = tpu.memref_slice %arg11[%dma_wait3A_313, %dma_wait3A_314] : memref<10240x128xf32, #tpu.memory_space<vmem_shared>> -> memref<10240x128xf32, #tpu.memory_space<vmem_shared>>
        tpu.wait_indirect_dma semaphore(%arg13 : memref<!tpu.dma_semaphore, #tpu.memory_space<semaphore_mem>>) src(%dma_wait3A_309 : memref<128x128xf32, #tpu.memory_space<vmem>>) dst(%dma_wait3A_315 : memref<10240x128xf32, #tpu.memory_space<vmem_shared>>)
      } else {
      }
      %add3A_279 = arith.constant 1 : i32
      %add3A_280 = arith.addi %scan3A_272, %add3A_279 : i32
      %lt3A = arith.constant 40 : i32
      %lt3A_281 = arith.cmpi slt, %add3A_280, %lt3A : i32
      %convert_element_type3A_282 = arith.extui %lt3A_281 : i1 to i32
      %cond3A_283 = arith.constant 0 : i32
      %cond3A_284 = arith.cmpi ne, %convert_element_type3A_282, %cond3A_283 : i32
      scf.if %cond3A_284 {
        %add3A_305 = arith.constant 1 : i32
        %add3A_306 = arith.addi %scan3A_272, %add3A_305 : i32
        %dma_start3A_307 = arith.constant 0 : i32
        %dma_start3A_308 = arith.constant 0 : i32
        %dma_start3A_309 = tpu.memref_slice %arg10[%rem3A_276, %dma_start3A_307, %dma_start3A_308] : memref<2x128x128xf32, #tpu.memory_space<vmem>> -> memref<1x32x128xf32, #tpu.memory_space<vmem>>
        %dma_start3A_310 = tpu.memref_squeeze %dma_start3A_309 : memref<1x32x128xf32, #tpu.memory_space<vmem>> -> memref<32x128xf32, #tpu.memory_space<vmem>>
        %dma_start3A_311 = arith.constant 0 : i32
        %dma_start3A_312 = tpu.memref_slice %arg8[%add3A_306, %dma_start3A_311] : memref<40x128xi32, #tpu.memory_space<vmem>> -> memref<1x32xi32, #tpu.memory_space<vmem>>
        %dma_start3A_313 = tpu.memref_squeeze %dma_start3A_312 : memref<1x32xi32, #tpu.memory_space<vmem>> -> memref<32xi32, #tpu.memory_space<vmem>>
        %dma_start3A_314 = arith.constant 0 : i32
        %dma_start3A_315 = arith.constant 0 : i32
        %dma_start3A_316 = tpu.memref_slice %arg2[%dma_start3A_314, %dma_start3A_315] : memref<20480x128xf32, #tpu.memory_space<hbm>> -> memref<20480x128xf32, #tpu.memory_space<hbm>>
        tpu.enqueue_indirect_dma source(%dma_start3A_316 : memref<20480x128xf32, #tpu.memory_space<hbm>>) target(%dma_start3A_310 : memref<32x128xf32, #tpu.memory_space<vmem>>) offsets(%dma_start3A_313 : memref<32xi32, #tpu.memory_space<vmem>>) semaphore(%arg12 : memref<!tpu.dma_semaphore, #tpu.memory_space<semaphore_mem>>)
        %add3A_317 = arith.constant 1 : i32
        %add3A_318 = arith.addi %scan3A_272, %add3A_317 : i32
        %dma_start3A_319 = arith.constant 32 : i32
        %dma_start3A_320 = arith.constant 0 : i32
        %dma_start3A_321 = tpu.memref_slice %arg10[%rem3A_276, %dma_start3A_319, %dma_start3A_320] : memref<2x128x128xf32, #tpu.memory_space<vmem>> -> memref<1x32x128xf32, #tpu.memory_space<vmem>>
        %dma_start3A_322 = tpu.memref_squeeze %dma_start3A_321 : memref<1x32x128xf32, #tpu.memory_space<vmem>> -> memref<32x128xf32, #tpu.memory_space<vmem>>
        %dma_start3A_323 = arith.constant 32 : i32
        %dma_start3A_324 = tpu.memref_slice %arg8[%add3A_318, %dma_start3A_323] : memref<40x128xi32, #tpu.memory_space<vmem>> -> memref<1x32xi32, #tpu.memory_space<vmem>>
        %dma_start3A_325 = tpu.memref_squeeze %dma_start3A_324 : memref<1x32xi32, #tpu.memory_space<vmem>> -> memref<32xi32, #tpu.memory_space<vmem>>
        %dma_start3A_326 = arith.constant 0 : i32
        %dma_start3A_327 = arith.constant 0 : i32
        %dma_start3A_328 = tpu.memref_slice %arg2[%dma_start3A_326, %dma_start3A_327] : memref<20480x128xf32, #tpu.memory_space<hbm>> -> memref<20480x128xf32, #tpu.memory_space<hbm>>
        tpu.enqueue_indirect_dma source(%dma_start3A_328 : memref<20480x128xf32, #tpu.memory_space<hbm>>) target(%dma_start3A_322 : memref<32x128xf32, #tpu.memory_space<vmem>>) offsets(%dma_start3A_325 : memref<32xi32, #tpu.memory_space<vmem>>) semaphore(%arg12 : memref<!tpu.dma_semaphore, #tpu.memory_space<semaphore_mem>>)
        %add3A_329 = arith.constant 1 : i32
        %add3A_330 = arith.addi %scan3A_272, %add3A_329 : i32
        %dma_start3A_331 = arith.constant 64 : i32
        %dma_start3A_332 = arith.constant 0 : i32
        %dma_start3A_333 = tpu.memref_slice %arg10[%rem3A_276, %dma_start3A_331, %dma_start3A_332] : memref<2x128x128xf32, #tpu.memory_space<vmem>> -> memref<1x32x128xf32, #tpu.memory_space<vmem>>
        %dma_start3A_334 = tpu.memref_squeeze %dma_start3A_333 : memref<1x32x128xf32, #tpu.memory_space<vmem>> -> memref<32x128xf32, #tpu.memory_space<vmem>>
        %dma_start3A_335 = arith.constant 64 : i32
        %dma_start3A_336 = tpu.memref_slice %arg8[%add3A_330, %dma_start3A_335] : memref<40x128xi32, #tpu.memory_space<vmem>> -> memref<1x32xi32, #tpu.memory_space<vmem>>
        %dma_start3A_337 = tpu.memref_squeeze %dma_start3A_336 : memref<1x32xi32, #tpu.memory_space<vmem>> -> memref<32xi32, #tpu.memory_space<vmem>>
        %dma_start3A_338 = arith.constant 0 : i32
        %dma_start3A_339 = arith.constant 0 : i32
        %dma_start3A_340 = tpu.memref_slice %arg2[%dma_start3A_338, %dma_start3A_339] : memref<20480x128xf32, #tpu.memory_space<hbm>> -> memref<20480x128xf32, #tpu.memory_space<hbm>>
        tpu.enqueue_indirect_dma source(%dma_start3A_340 : memref<20480x128xf32, #tpu.memory_space<hbm>>) target(%dma_start3A_334 : memref<32x128xf32, #tpu.memory_space<vmem>>) offsets(%dma_start3A_337 : memref<32xi32, #tpu.memory_space<vmem>>) semaphore(%arg12 : memref<!tpu.dma_semaphore, #tpu.memory_space<semaphore_mem>>)
        %add3A_341 = arith.constant 1 : i32
        %add3A_342 = arith.addi %scan3A_272, %add3A_341 : i32
        %dma_start3A_343 = arith.constant 96 : i32
        %dma_start3A_344 = arith.constant 0 : i32
        %dma_start3A_345 = tpu.memref_slice %arg10[%rem3A_276, %dma_start3A_343, %dma_start3A_344] : memref<2x128x128xf32, #tpu.memory_space<vmem>> -> memref<1x32x128xf32, #tpu.memory_space<vmem>>
        %dma_start3A_346 = tpu.memref_squeeze %dma_start3A_345 : memref<1x32x128xf32, #tpu.memory_space<vmem>> -> memref<32x128xf32, #tpu.memory_space<vmem>>
        %dma_start3A_347 = arith.constant 96 : i32
        %dma_start3A_348 = tpu.memref_slice %arg8[%add3A_342, %dma_start3A_347] : memref<40x128xi32, #tpu.memory_space<vmem>> -> memref<1x32xi32, #tpu.memory_space<vmem>>
        %dma_start3A_349 = tpu.memref_squeeze %dma_start3A_348 : memref<1x32xi32, #tpu.memory_space<vmem>> -> memref<32xi32, #tpu.memory_space<vmem>>
        %dma_start3A_350 = arith.constant 0 : i32
        %dma_start3A_351 = arith.constant 0 : i32
        %dma_start3A_352 = tpu.memref_slice %arg2[%dma_start3A_350, %dma_start3A_351] : memref<20480x128xf32, #tpu.memory_space<hbm>> -> memref<20480x128xf32, #tpu.memory_space<hbm>>
        tpu.enqueue_indirect_dma source(%dma_start3A_352 : memref<20480x128xf32, #tpu.memory_space<hbm>>) target(%dma_start3A_346 : memref<32x128xf32, #tpu.memory_space<vmem>>) offsets(%dma_start3A_349 : memref<32xi32, #tpu.memory_space<vmem>>) semaphore(%arg12 : memref<!tpu.dma_semaphore, #tpu.memory_space<semaphore_mem>>)
      } else {
      }
      %dma_wait3A_285 = arith.constant 0 : i32
      %dma_wait3A_286 = arith.constant 0 : i32
      %dma_wait3A_287 = tpu.memref_slice %arg10[%rem3A_273, %dma_wait3A_285, %dma_wait3A_286] : memref<2x128x128xf32, #tpu.memory_space<vmem>> -> memref<1x128x128xf32, #tpu.memory_space<vmem>>
      %dma_wait3A_288 = tpu.memref_squeeze %dma_wait3A_287 : memref<1x128x128xf32, #tpu.memory_space<vmem>> -> memref<128x128xf32, #tpu.memory_space<vmem>>
      %dma_wait3A_289 = arith.constant 0 : i32
      %dma_wait3A_290 = tpu.memref_slice %arg8[%scan3A_272, %dma_wait3A_289] : memref<40x128xi32, #tpu.memory_space<vmem>> -> memref<1x128xi32, #tpu.memory_space<vmem>>
      %dma_wait3A_291 = tpu.memref_squeeze %dma_wait3A_290 : memref<1x128xi32, #tpu.memory_space<vmem>> -> memref<128xi32, #tpu.memory_space<vmem>>
      %dma_wait3A_292 = arith.constant 0 : i32
      %dma_wait3A_293 = arith.constant 0 : i32
      %dma_wait3A_294 = tpu.memref_slice %arg2[%dma_wait3A_292, %dma_wait3A_293] : memref<20480x128xf32, #tpu.memory_space<hbm>> -> memref<20480x128xf32, #tpu.memory_space<hbm>>
      tpu.wait_indirect_dma semaphore(%arg12 : memref<!tpu.dma_semaphore, #tpu.memory_space<semaphore_mem>>) src(%dma_wait3A_294 : memref<20480x128xf32, #tpu.memory_space<hbm>>) dst(%dma_wait3A_288 : memref<128x128xf32, #tpu.memory_space<vmem>>)
      %dma_start3A_295 = arith.constant 0 : i32
      %dma_start3A_296 = arith.constant 0 : i32
      %dma_start3A_297 = tpu.memref_slice %arg10[%rem3A_273, %dma_start3A_295, %dma_start3A_296] : memref<2x128x128xf32, #tpu.memory_space<vmem>> -> memref<1x128x128xf32, #tpu.memory_space<vmem>>
      %dma_start3A_298 = tpu.memref_squeeze %dma_start3A_297 : memref<1x128x128xf32, #tpu.memory_space<vmem>> -> memref<128x128xf32, #tpu.memory_space<vmem>>
      %dma_start3A_299 = arith.constant 0 : i32
      %dma_start3A_300 = tpu.memref_slice %arg9[%scan3A_272, %dma_start3A_299] : memref<40x128xi32, #tpu.memory_space<vmem>> -> memref<1x128xi32, #tpu.memory_space<vmem>>
      %dma_start3A_301 = tpu.memref_squeeze %dma_start3A_300 : memref<1x128xi32, #tpu.memory_space<vmem>> -> memref<128xi32, #tpu.memory_space<vmem>>
      %dma_start3A_302 = arith.constant 0 : i32
      %dma_start3A_303 = arith.constant 0 : i32
      %dma_start3A_304 = tpu.memref_slice %arg11[%dma_start3A_302, %dma_start3A_303] : memref<10240x128xf32, #tpu.memory_space<vmem_shared>> -> memref<10240x128xf32, #tpu.memory_space<vmem_shared>>
      tpu.enqueue_indirect_dma source(%dma_start3A_298 : memref<128x128xf32, #tpu.memory_space<vmem>>) target(%dma_start3A_304 : memref<10240x128xf32, #tpu.memory_space<vmem_shared>>) offsets(%dma_start3A_301 : memref<128xi32, #tpu.memory_space<vmem>>) semaphore(%arg13 : memref<!tpu.dma_semaphore, #tpu.memory_space<semaphore_mem>>) {add = true}
    }
    %scan3A_51 = arith.constant 40 : i32
    %dma_wait3A = arith.constant 1 : i32
    %dma_wait3A_52 = arith.constant 39 : i32
    %dma_wait3A_53 = arith.constant 0 : i32
    %dma_wait3A_54 = arith.constant 0 : i32
    %dma_wait3A_55 = tpu.memref_slice %arg10[%dma_wait3A, %dma_wait3A_53, %dma_wait3A_54] : memref<2x128x128xf32, #tpu.memory_space<vmem>> -> memref<1x128x128xf32, #tpu.memory_space<vmem>>
    %dma_wait3A_56 = tpu.memref_squeeze %dma_wait3A_55 : memref<1x128x128xf32, #tpu.memory_space<vmem>> -> memref<128x128xf32, #tpu.memory_space<vmem>>
    %dma_wait3A_57 = arith.constant 0 : i32
    %dma_wait3A_58 = tpu.memref_slice %arg9[%dma_wait3A_52, %dma_wait3A_57] : memref<40x128xi32, #tpu.memory_space<vmem>> -> memref<1x128xi32, #tpu.memory_space<vmem>>
    %dma_wait3A_59 = tpu.memref_squeeze %dma_wait3A_58 : memref<1x128xi32, #tpu.memory_space<vmem>> -> memref<128xi32, #tpu.memory_space<vmem>>
    %dma_wait3A_60 = arith.constant 0 : i32
    %dma_wait3A_61 = arith.constant 0 : i32
    %dma_wait3A_62 = tpu.memref_slice %arg11[%dma_wait3A_60, %dma_wait3A_61] : memref<10240x128xf32, #tpu.memory_space<vmem_shared>> -> memref<10240x128xf32, #tpu.memory_space<vmem_shared>>
    tpu.wait_indirect_dma semaphore(%arg13 : memref<!tpu.dma_semaphore, #tpu.memory_space<semaphore_mem>>) src(%dma_wait3A_56 : memref<128x128xf32, #tpu.memory_space<vmem>>) dst(%dma_wait3A_62 : memref<10240x128xf32, #tpu.memory_space<vmem_shared>>)
    "tpu.region"() ({
      %run_scoped3A_272 = tpu.sem_alloc : memref<!tpu.dma_semaphore, #tpu.memory_space<semaphore_mem>>
      %dma_start3A_273 = arith.constant 40 : i32
      %dma_start3A_274 = arith.constant 0 : i32
      %dma_start3A_275 = tpu.memref_slice %arg4[%arg0, %arg1, %dma_start3A_273, %dma_start3A_274] : memref<2x16x80x128xi32, #tpu.memory_space<hbm>> -> memref<1x1x40x128xi32, #tpu.memory_space<hbm>>
      %dma_start3A_276 = tpu.memref_squeeze %dma_start3A_275 : memref<1x1x40x128xi32, #tpu.memory_space<hbm>> -> memref<40x128xi32, #tpu.memory_space<hbm>>
      %dma_start3A_277 = arith.constant 40 : i32
      %dma_start3A_278 = arith.constant 0 : i32
      %dma_start3A_279 = tpu.memref_slice %arg4[%arg0, %arg1, %dma_start3A_277, %dma_start3A_278] : memref<2x16x80x128xi32, #tpu.memory_space<hbm>> -> memref<1x1x40x128xi32, #tpu.memory_space<hbm>>
      %dma_start3A_280 = tpu.memref_squeeze %dma_start3A_279 : memref<1x1x40x128xi32, #tpu.memory_space<hbm>> -> memref<40x128xi32, #tpu.memory_space<hbm>>
      tpu.enqueue_dma source(%dma_start3A_280 : memref<40x128xi32, #tpu.memory_space<hbm>>) target(%arg8 : memref<40x128xi32, #tpu.memory_space<vmem>>) target_semaphore(%run_scoped3A_272 : memref<!tpu.dma_semaphore, #tpu.memory_space<semaphore_mem>>)
      %dma_wait3A_281 = arith.constant 40 : i32
      %dma_wait3A_282 = arith.constant 0 : i32
      %dma_wait3A_283 = tpu.memref_slice %arg4[%arg0, %arg1, %dma_wait3A_281, %dma_wait3A_282] : memref<2x16x80x128xi32, #tpu.memory_space<hbm>> -> memref<1x1x40x128xi32, #tpu.memory_space<hbm>>
      %dma_wait3A_284 = tpu.memref_squeeze %dma_wait3A_283 : memref<1x1x40x128xi32, #tpu.memory_space<hbm>> -> memref<40x128xi32, #tpu.memory_space<hbm>>
      %dma_wait3A_285 = arith.constant 40 : i32
      %dma_wait3A_286 = arith.constant 0 : i32
      %dma_wait3A_287 = tpu.memref_slice %arg4[%arg0, %arg1, %dma_wait3A_285, %dma_wait3A_286] : memref<2x16x80x128xi32, #tpu.memory_space<hbm>> -> memref<1x1x40x128xi32, #tpu.memory_space<hbm>>
      %dma_wait3A_288 = tpu.memref_squeeze %dma_wait3A_287 : memref<1x1x40x128xi32, #tpu.memory_space<hbm>> -> memref<40x128xi32, #tpu.memory_space<hbm>>
      tpu.wait_dma2 semaphore(%run_scoped3A_272 : memref<!tpu.dma_semaphore, #tpu.memory_space<semaphore_mem>>) src(%dma_wait3A_288 : memref<40x128xi32, #tpu.memory_space<hbm>>) dst(%arg8 : memref<40x128xi32, #tpu.memory_space<vmem>>)
      tpu.yield
    }) : () -> ()
    "tpu.region"() ({
      %run_scoped3A_272 = tpu.sem_alloc : memref<!tpu.dma_semaphore, #tpu.memory_space<semaphore_mem>>
      %dma_start3A_273 = arith.constant 40 : i32
      %dma_start3A_274 = arith.constant 0 : i32
      %dma_start3A_275 = tpu.memref_slice %arg5[%arg1, %dma_start3A_273, %dma_start3A_274] : memref<16x80x128xi32, #tpu.memory_space<hbm>> -> memref<1x40x128xi32, #tpu.memory_space<hbm>>
      %dma_start3A_276 = tpu.memref_squeeze %dma_start3A_275 : memref<1x40x128xi32, #tpu.memory_space<hbm>> -> memref<40x128xi32, #tpu.memory_space<hbm>>
      %dma_start3A_277 = arith.constant 40 : i32
      %dma_start3A_278 = arith.constant 0 : i32
      %dma_start3A_279 = tpu.memref_slice %arg5[%arg1, %dma_start3A_277, %dma_start3A_278] : memref<16x80x128xi32, #tpu.memory_space<hbm>> -> memref<1x40x128xi32, #tpu.memory_space<hbm>>
      %dma_start3A_280 = tpu.memref_squeeze %dma_start3A_279 : memref<1x40x128xi32, #tpu.memory_space<hbm>> -> memref<40x128xi32, #tpu.memory_space<hbm>>
      tpu.enqueue_dma source(%dma_start3A_280 : memref<40x128xi32, #tpu.memory_space<hbm>>) target(%arg9 : memref<40x128xi32, #tpu.memory_space<vmem>>) target_semaphore(%run_scoped3A_272 : memref<!tpu.dma_semaphore, #tpu.memory_space<semaphore_mem>>)
      %dma_wait3A_281 = arith.constant 40 : i32
      %dma_wait3A_282 = arith.constant 0 : i32
      %dma_wait3A_283 = tpu.memref_slice %arg5[%arg1, %dma_wait3A_281, %dma_wait3A_282] : memref<16x80x128xi32, #tpu.memory_space<hbm>> -> memref<1x40x128xi32, #tpu.memory_space<hbm>>
      %dma_wait3A_284 = tpu.memref_squeeze %dma_wait3A_283 : memref<1x40x128xi32, #tpu.memory_space<hbm>> -> memref<40x128xi32, #tpu.memory_space<hbm>>
      %dma_wait3A_285 = arith.constant 40 : i32
      %dma_wait3A_286 = arith.constant 0 : i32
      %dma_wait3A_287 = tpu.memref_slice %arg5[%arg1, %dma_wait3A_285, %dma_wait3A_286] : memref<16x80x128xi32, #tpu.memory_space<hbm>> -> memref<1x40x128xi32, #tpu.memory_space<hbm>>
      %dma_wait3A_288 = tpu.memref_squeeze %dma_wait3A_287 : memref<1x40x128xi32, #tpu.memory_space<hbm>> -> memref<40x128xi32, #tpu.memory_space<hbm>>
      tpu.wait_dma2 semaphore(%run_scoped3A_272 : memref<!tpu.dma_semaphore, #tpu.memory_space<semaphore_mem>>) src(%dma_wait3A_288 : memref<40x128xi32, #tpu.memory_space<hbm>>) dst(%arg9 : memref<40x128xi32, #tpu.memory_space<vmem>>)
      tpu.yield
    }) : () -> ()
    %dma_start3A_63 = arith.constant 0 : i32
    %dma_start3A_64 = arith.constant 0 : i32
    %dma_start3A_65 = arith.constant 0 : i32
    %dma_start3A_66 = arith.constant 0 : i32
    %dma_start3A_67 = tpu.memref_slice %arg10[%dma_start3A_64, %dma_start3A_65, %dma_start3A_66] : memref<2x128x128xf32, #tpu.memory_space<vmem>> -> memref<1x32x128xf32, #tpu.memory_space<vmem>>
    %dma_start3A_68 = tpu.memref_squeeze %dma_start3A_67 : memref<1x32x128xf32, #tpu.memory_space<vmem>> -> memref<32x128xf32, #tpu.memory_space<vmem>>
    %dma_start3A_69 = arith.constant 0 : i32
    %dma_start3A_70 = tpu.memref_slice %arg8[%dma_start3A_63, %dma_start3A_69] : memref<40x128xi32, #tpu.memory_space<vmem>> -> memref<1x32xi32, #tpu.memory_space<vmem>>
    %dma_start3A_71 = tpu.memref_squeeze %dma_start3A_70 : memref<1x32xi32, #tpu.memory_space<vmem>> -> memref<32xi32, #tpu.memory_space<vmem>>
    %dma_start3A_72 = arith.constant 0 : i32
    %dma_start3A_73 = arith.constant 0 : i32
    %dma_start3A_74 = tpu.memref_slice %arg2[%dma_start3A_72, %dma_start3A_73] : memref<20480x128xf32, #tpu.memory_space<hbm>> -> memref<20480x128xf32, #tpu.memory_space<hbm>>
    tpu.enqueue_indirect_dma source(%dma_start3A_74 : memref<20480x128xf32, #tpu.memory_space<hbm>>) target(%dma_start3A_68 : memref<32x128xf32, #tpu.memory_space<vmem>>) offsets(%dma_start3A_71 : memref<32xi32, #tpu.memory_space<vmem>>) semaphore(%arg12 : memref<!tpu.dma_semaphore, #tpu.memory_space<semaphore_mem>>)
    %dma_start3A_75 = arith.constant 0 : i32
    %dma_start3A_76 = arith.constant 0 : i32
    %dma_start3A_77 = arith.constant 32 : i32
    %dma_start3A_78 = arith.constant 0 : i32
    %dma_start3A_79 = tpu.memref_slice %arg10[%dma_start3A_76, %dma_start3A_77, %dma_start3A_78] : memref<2x128x128xf32, #tpu.memory_space<vmem>> -> memref<1x32x128xf32, #tpu.memory_space<vmem>>
    %dma_start3A_80 = tpu.memref_squeeze %dma_start3A_79 : memref<1x32x128xf32, #tpu.memory_space<vmem>> -> memref<32x128xf32, #tpu.memory_space<vmem>>
    %dma_start3A_81 = arith.constant 32 : i32
    %dma_start3A_82 = tpu.memref_slice %arg8[%dma_start3A_75, %dma_start3A_81] : memref<40x128xi32, #tpu.memory_space<vmem>> -> memref<1x32xi32, #tpu.memory_space<vmem>>
    %dma_start3A_83 = tpu.memref_squeeze %dma_start3A_82 : memref<1x32xi32, #tpu.memory_space<vmem>> -> memref<32xi32, #tpu.memory_space<vmem>>
    %dma_start3A_84 = arith.constant 0 : i32
    %dma_start3A_85 = arith.constant 0 : i32
    %dma_start3A_86 = tpu.memref_slice %arg2[%dma_start3A_84, %dma_start3A_85] : memref<20480x128xf32, #tpu.memory_space<hbm>> -> memref<20480x128xf32, #tpu.memory_space<hbm>>
    tpu.enqueue_indirect_dma source(%dma_start3A_86 : memref<20480x128xf32, #tpu.memory_space<hbm>>) target(%dma_start3A_80 : memref<32x128xf32, #tpu.memory_space<vmem>>) offsets(%dma_start3A_83 : memref<32xi32, #tpu.memory_space<vmem>>) semaphore(%arg12 : memref<!tpu.dma_semaphore, #tpu.memory_space<semaphore_mem>>)
    %dma_start3A_87 = arith.constant 0 : i32
    %dma_start3A_88 = arith.constant 0 : i32
    %dma_start3A_89 = arith.constant 64 : i32
    %dma_start3A_90 = arith.constant 0 : i32
    %dma_start3A_91 = tpu.memref_slice %arg10[%dma_start3A_88, %dma_start3A_89, %dma_start3A_90] : memref<2x128x128xf32, #tpu.memory_space<vmem>> -> memref<1x32x128xf32, #tpu.memory_space<vmem>>
    %dma_start3A_92 = tpu.memref_squeeze %dma_start3A_91 : memref<1x32x128xf32, #tpu.memory_space<vmem>> -> memref<32x128xf32, #tpu.memory_space<vmem>>
    %dma_start3A_93 = arith.constant 64 : i32
    %dma_start3A_94 = tpu.memref_slice %arg8[%dma_start3A_87, %dma_start3A_93] : memref<40x128xi32, #tpu.memory_space<vmem>> -> memref<1x32xi32, #tpu.memory_space<vmem>>
    %dma_start3A_95 = tpu.memref_squeeze %dma_start3A_94 : memref<1x32xi32, #tpu.memory_space<vmem>> -> memref<32xi32, #tpu.memory_space<vmem>>
    %dma_start3A_96 = arith.constant 0 : i32
    %dma_start3A_97 = arith.constant 0 : i32
    %dma_start3A_98 = tpu.memref_slice %arg2[%dma_start3A_96, %dma_start3A_97] : memref<20480x128xf32, #tpu.memory_space<hbm>> -> memref<20480x128xf32, #tpu.memory_space<hbm>>
    tpu.enqueue_indirect_dma source(%dma_start3A_98 : memref<20480x128xf32, #tpu.memory_space<hbm>>) target(%dma_start3A_92 : memref<32x128xf32, #tpu.memory_space<vmem>>) offsets(%dma_start3A_95 : memref<32xi32, #tpu.memory_space<vmem>>) semaphore(%arg12 : memref<!tpu.dma_semaphore, #tpu.memory_space<semaphore_mem>>)
    %dma_start3A_99 = arith.constant 0 : i32
    %dma_start3A_100 = arith.constant 0 : i32
    %dma_start3A_101 = arith.constant 96 : i32
    %dma_start3A_102 = arith.constant 0 : i32
    %dma_start3A_103 = tpu.memref_slice %arg10[%dma_start3A_100, %dma_start3A_101, %dma_start3A_102] : memref<2x128x128xf32, #tpu.memory_space<vmem>> -> memref<1x32x128xf32, #tpu.memory_space<vmem>>
    %dma_start3A_104 = tpu.memref_squeeze %dma_start3A_103 : memref<1x32x128xf32, #tpu.memory_space<vmem>> -> memref<32x128xf32, #tpu.memory_space<vmem>>
    %dma_start3A_105 = arith.constant 96 : i32
    %dma_start3A_106 = tpu.memref_slice %arg8[%dma_start3A_99, %dma_start3A_105] : memref<40x128xi32, #tpu.memory_space<vmem>> -> memref<1x32xi32, #tpu.memory_space<vmem>>
    %dma_start3A_107 = tpu.memref_squeeze %dma_start3A_106 : memref<1x32xi32, #tpu.memory_space<vmem>> -> memref<32xi32, #tpu.memory_space<vmem>>
    %dma_start3A_108 = arith.constant 0 : i32
    %dma_start3A_109 = arith.constant 0 : i32
    %dma_start3A_110 = tpu.memref_slice %arg2[%dma_start3A_108, %dma_start3A_109] : memref<20480x128xf32, #tpu.memory_space<hbm>> -> memref<20480x128xf32, #tpu.memory_space<hbm>>
    tpu.enqueue_indirect_dma source(%dma_start3A_110 : memref<20480x128xf32, #tpu.memory_space<hbm>>) target(%dma_start3A_104 : memref<32x128xf32, #tpu.memory_space<vmem>>) offsets(%dma_start3A_107 : memref<32xi32, #tpu.memory_space<vmem>>) semaphore(%arg12 : memref<!tpu.dma_semaphore, #tpu.memory_space<semaphore_mem>>)
    %scan3A_111 = arith.constant 0 : i32
    %scan3A_112 = arith.constant 40 : i32
    %scan3A_113 = arith.addi %scan3A_111, %scan3A_112 : i32
    %scan3A_114 = arith.constant 1 : i32
    scf.for %scan3A_272 = %scan3A_111 to %scan3A_113 step %scan3A_114  : i32 {
      %rem3A = arith.constant 2 : i32
      %rem3A_273 = arith.remsi %scan3A_272, %rem3A : i32
      %add3A = arith.constant 1 : i32
      %add3A_274 = arith.addi %scan3A_272, %add3A : i32
      %rem3A_275 = arith.constant 2 : i32
      %rem3A_276 = arith.remsi %add3A_274, %rem3A_275 : i32
      %gt3A = arith.constant 0 : i32
      %gt3A_277 = arith.cmpi sgt, %scan3A_272, %gt3A : i32
      %convert_element_type3A = arith.extui %gt3A_277 : i1 to i32
      %cond3A = arith.constant 0 : i32
      %cond3A_278 = arith.cmpi ne, %convert_element_type3A, %cond3A : i32
      scf.if %cond3A_278 {
        %sub3A = arith.constant 1 : i32
        %sub3A_305 = arith.subi %scan3A_272, %sub3A : i32
        %dma_wait3A_306 = arith.constant 0 : i32
        %dma_wait3A_307 = arith.constant 0 : i32
        %dma_wait3A_308 = tpu.memref_slice %arg10[%rem3A_276, %dma_wait3A_306, %dma_wait3A_307] : memref<2x128x128xf32, #tpu.memory_space<vmem>> -> memref<1x128x128xf32, #tpu.memory_space<vmem>>
        %dma_wait3A_309 = tpu.memref_squeeze %dma_wait3A_308 : memref<1x128x128xf32, #tpu.memory_space<vmem>> -> memref<128x128xf32, #tpu.memory_space<vmem>>
        %dma_wait3A_310 = arith.constant 0 : i32
        %dma_wait3A_311 = tpu.memref_slice %arg9[%sub3A_305, %dma_wait3A_310] : memref<40x128xi32, #tpu.memory_space<vmem>> -> memref<1x128xi32, #tpu.memory_space<vmem>>
        %dma_wait3A_312 = tpu.memref_squeeze %dma_wait3A_311 : memref<1x128xi32, #tpu.memory_space<vmem>> -> memref<128xi32, #tpu.memory_space<vmem>>
        %dma_wait3A_313 = arith.constant 0 : i32
        %dma_wait3A_314 = arith.constant 0 : i32
        %dma_wait3A_315 = tpu.memref_slice %arg11[%dma_wait3A_313, %dma_wait3A_314] : memref<10240x128xf32, #tpu.memory_space<vmem_shared>> -> memref<10240x128xf32, #tpu.memory_space<vmem_shared>>
        tpu.wait_indirect_dma semaphore(%arg13 : memref<!tpu.dma_semaphore, #tpu.memory_space<semaphore_mem>>) src(%dma_wait3A_309 : memref<128x128xf32, #tpu.memory_space<vmem>>) dst(%dma_wait3A_315 : memref<10240x128xf32, #tpu.memory_space<vmem_shared>>)
      } else {
      }
      %add3A_279 = arith.constant 1 : i32
      %add3A_280 = arith.addi %scan3A_272, %add3A_279 : i32
      %lt3A = arith.constant 40 : i32
      %lt3A_281 = arith.cmpi slt, %add3A_280, %lt3A : i32
      %convert_element_type3A_282 = arith.extui %lt3A_281 : i1 to i32
      %cond3A_283 = arith.constant 0 : i32
      %cond3A_284 = arith.cmpi ne, %convert_element_type3A_282, %cond3A_283 : i32
      scf.if %cond3A_284 {
        %add3A_305 = arith.constant 1 : i32
        %add3A_306 = arith.addi %scan3A_272, %add3A_305 : i32
        %dma_start3A_307 = arith.constant 0 : i32
        %dma_start3A_308 = arith.constant 0 : i32
        %dma_start3A_309 = tpu.memref_slice %arg10[%rem3A_276, %dma_start3A_307, %dma_start3A_308] : memref<2x128x128xf32, #tpu.memory_space<vmem>> -> memref<1x32x128xf32, #tpu.memory_space<vmem>>
        %dma_start3A_310 = tpu.memref_squeeze %dma_start3A_309 : memref<1x32x128xf32, #tpu.memory_space<vmem>> -> memref<32x128xf32, #tpu.memory_space<vmem>>
        %dma_start3A_311 = arith.constant 0 : i32
        %dma_start3A_312 = tpu.memref_slice %arg8[%add3A_306, %dma_start3A_311] : memref<40x128xi32, #tpu.memory_space<vmem>> -> memref<1x32xi32, #tpu.memory_space<vmem>>
        %dma_start3A_313 = tpu.memref_squeeze %dma_start3A_312 : memref<1x32xi32, #tpu.memory_space<vmem>> -> memref<32xi32, #tpu.memory_space<vmem>>
        %dma_start3A_314 = arith.constant 0 : i32
        %dma_start3A_315 = arith.constant 0 : i32
        %dma_start3A_316 = tpu.memref_slice %arg2[%dma_start3A_314, %dma_start3A_315] : memref<20480x128xf32, #tpu.memory_space<hbm>> -> memref<20480x128xf32, #tpu.memory_space<hbm>>
        tpu.enqueue_indirect_dma source(%dma_start3A_316 : memref<20480x128xf32, #tpu.memory_space<hbm>>) target(%dma_start3A_310 : memref<32x128xf32, #tpu.memory_space<vmem>>) offsets(%dma_start3A_313 : memref<32xi32, #tpu.memory_space<vmem>>) semaphore(%arg12 : memref<!tpu.dma_semaphore, #tpu.memory_space<semaphore_mem>>)
        %add3A_317 = arith.constant 1 : i32
        %add3A_318 = arith.addi %scan3A_272, %add3A_317 : i32
        %dma_start3A_319 = arith.constant 32 : i32
        %dma_start3A_320 = arith.constant 0 : i32
        %dma_start3A_321 = tpu.memref_slice %arg10[%rem3A_276, %dma_start3A_319, %dma_start3A_320] : memref<2x128x128xf32, #tpu.memory_space<vmem>> -> memref<1x32x128xf32, #tpu.memory_space<vmem>>
        %dma_start3A_322 = tpu.memref_squeeze %dma_start3A_321 : memref<1x32x128xf32, #tpu.memory_space<vmem>> -> memref<32x128xf32, #tpu.memory_space<vmem>>
        %dma_start3A_323 = arith.constant 32 : i32
        %dma_start3A_324 = tpu.memref_slice %arg8[%add3A_318, %dma_start3A_323] : memref<40x128xi32, #tpu.memory_space<vmem>> -> memref<1x32xi32, #tpu.memory_space<vmem>>
        %dma_start3A_325 = tpu.memref_squeeze %dma_start3A_324 : memref<1x32xi32, #tpu.memory_space<vmem>> -> memref<32xi32, #tpu.memory_space<vmem>>
        %dma_start3A_326 = arith.constant 0 : i32
        %dma_start3A_327 = arith.constant 0 : i32
        %dma_start3A_328 = tpu.memref_slice %arg2[%dma_start3A_326, %dma_start3A_327] : memref<20480x128xf32, #tpu.memory_space<hbm>> -> memref<20480x128xf32, #tpu.memory_space<hbm>>
        tpu.enqueue_indirect_dma source(%dma_start3A_328 : memref<20480x128xf32, #tpu.memory_space<hbm>>) target(%dma_start3A_322 : memref<32x128xf32, #tpu.memory_space<vmem>>) offsets(%dma_start3A_325 : memref<32xi32, #tpu.memory_space<vmem>>) semaphore(%arg12 : memref<!tpu.dma_semaphore, #tpu.memory_space<semaphore_mem>>)
        %add3A_329 = arith.constant 1 : i32
        %add3A_330 = arith.addi %scan3A_272, %add3A_329 : i32
        %dma_start3A_331 = arith.constant 64 : i32
        %dma_start3A_332 = arith.constant 0 : i32
        %dma_start3A_333 = tpu.memref_slice %arg10[%rem3A_276, %dma_start3A_331, %dma_start3A_332] : memref<2x128x128xf32, #tpu.memory_space<vmem>> -> memref<1x32x128xf32, #tpu.memory_space<vmem>>
        %dma_start3A_334 = tpu.memref_squeeze %dma_start3A_333 : memref<1x32x128xf32, #tpu.memory_space<vmem>> -> memref<32x128xf32, #tpu.memory_space<vmem>>
        %dma_start3A_335 = arith.constant 64 : i32
        %dma_start3A_336 = tpu.memref_slice %arg8[%add3A_330, %dma_start3A_335] : memref<40x128xi32, #tpu.memory_space<vmem>> -> memref<1x32xi32, #tpu.memory_space<vmem>>
        %dma_start3A_337 = tpu.memref_squeeze %dma_start3A_336 : memref<1x32xi32, #tpu.memory_space<vmem>> -> memref<32xi32, #tpu.memory_space<vmem>>
        %dma_start3A_338 = arith.constant 0 : i32
        %dma_start3A_339 = arith.constant 0 : i32
        %dma_start3A_340 = tpu.memref_slice %arg2[%dma_start3A_338, %dma_start3A_339] : memref<20480x128xf32, #tpu.memory_space<hbm>> -> memref<20480x128xf32, #tpu.memory_space<hbm>>
        tpu.enqueue_indirect_dma source(%dma_start3A_340 : memref<20480x128xf32, #tpu.memory_space<hbm>>) target(%dma_start3A_334 : memref<32x128xf32, #tpu.memory_space<vmem>>) offsets(%dma_start3A_337 : memref<32xi32, #tpu.memory_space<vmem>>) semaphore(%arg12 : memref<!tpu.dma_semaphore, #tpu.memory_space<semaphore_mem>>)
        %add3A_341 = arith.constant 1 : i32
        %add3A_342 = arith.addi %scan3A_272, %add3A_341 : i32
        %dma_start3A_343 = arith.constant 96 : i32
        %dma_start3A_344 = arith.constant 0 : i32
        %dma_start3A_345 = tpu.memref_slice %arg10[%rem3A_276, %dma_start3A_343, %dma_start3A_344] : memref<2x128x128xf32, #tpu.memory_space<vmem>> -> memref<1x32x128xf32, #tpu.memory_space<vmem>>
        %dma_start3A_346 = tpu.memref_squeeze %dma_start3A_345 : memref<1x32x128xf32, #tpu.memory_space<vmem>> -> memref<32x128xf32, #tpu.memory_space<vmem>>
        %dma_start3A_347 = arith.constant 96 : i32
        %dma_start3A_348 = tpu.memref_slice %arg8[%add3A_342, %dma_start3A_347] : memref<40x128xi32, #tpu.memory_space<vmem>> -> memref<1x32xi32, #tpu.memory_space<vmem>>
        %dma_start3A_349 = tpu.memref_squeeze %dma_start3A_348 : memref<1x32xi32, #tpu.memory_space<vmem>> -> memref<32xi32, #tpu.memory_space<vmem>>
        %dma_start3A_350 = arith.constant 0 : i32
        %dma_start3A_351 = arith.constant 0 : i32
        %dma_start3A_352 = tpu.memref_slice %arg2[%dma_start3A_350, %dma_start3A_351] : memref<20480x128xf32, #tpu.memory_space<hbm>> -> memref<20480x128xf32, #tpu.memory_space<hbm>>
        tpu.enqueue_indirect_dma source(%dma_start3A_352 : memref<20480x128xf32, #tpu.memory_space<hbm>>) target(%dma_start3A_346 : memref<32x128xf32, #tpu.memory_space<vmem>>) offsets(%dma_start3A_349 : memref<32xi32, #tpu.memory_space<vmem>>) semaphore(%arg12 : memref<!tpu.dma_semaphore, #tpu.memory_space<semaphore_mem>>)
      } else {
      }
      %dma_wait3A_285 = arith.constant 0 : i32
      %dma_wait3A_286 = arith.constant 0 : i32
      %dma_wait3A_287 = tpu.memref_slice %arg10[%rem3A_273, %dma_wait3A_285, %dma_wait3A_286] : memref<2x128x128xf32, #tpu.memory_space<vmem>> -> memref<1x128x128xf32, #tpu.memory_space<vmem>>
      %dma_wait3A_288 = tpu.memref_squeeze %dma_wait3A_287 : memref<1x128x128xf32, #tpu.memory_space<vmem>> -> memref<128x128xf32, #tpu.memory_space<vmem>>
      %dma_wait3A_289 = arith.constant 0 : i32
      %dma_wait3A_290 = tpu.memref_slice %arg8[%scan3A_272, %dma_wait3A_289] : memref<40x128xi32, #tpu.memory_space<vmem>> -> memref<1x128xi32, #tpu.memory_space<vmem>>
      %dma_wait3A_291 = tpu.memref_squeeze %dma_wait3A_290 : memref<1x128xi32, #tpu.memory_space<vmem>> -> memref<128xi32, #tpu.memory_space<vmem>>
      %dma_wait3A_292 = arith.constant 0 : i32
      %dma_wait3A_293 = arith.constant 0 : i32
      %dma_wait3A_294 = tpu.memref_slice %arg2[%dma_wait3A_292, %dma_wait3A_293] : memref<20480x128xf32, #tpu.memory_space<hbm>> -> memref<20480x128xf32, #tpu.memory_space<hbm>>
      tpu.wait_indirect_dma semaphore(%arg12 : memref<!tpu.dma_semaphore, #tpu.memory_space<semaphore_mem>>) src(%dma_wait3A_294 : memref<20480x128xf32, #tpu.memory_space<hbm>>) dst(%dma_wait3A_288 : memref<128x128xf32, #tpu.memory_space<vmem>>)
      %dma_start3A_295 = arith.constant 0 : i32
      %dma_start3A_296 = arith.constant 0 : i32
      %dma_start3A_297 = tpu.memref_slice %arg10[%rem3A_273, %dma_start3A_295, %dma_start3A_296] : memref<2x128x128xf32, #tpu.memory_space<vmem>> -> memref<1x128x128xf32, #tpu.memory_space<vmem>>
      %dma_start3A_298 = tpu.memref_squeeze %dma_start3A_297 : memref<1x128x128xf32, #tpu.memory_space<vmem>> -> memref<128x128xf32, #tpu.memory_space<vmem>>
      %dma_start3A_299 = arith.constant 0 : i32
      %dma_start3A_300 = tpu.memref_slice %arg9[%scan3A_272, %dma_start3A_299] : memref<40x128xi32, #tpu.memory_space<vmem>> -> memref<1x128xi32, #tpu.memory_space<vmem>>
      %dma_start3A_301 = tpu.memref_squeeze %dma_start3A_300 : memref<1x128xi32, #tpu.memory_space<vmem>> -> memref<128xi32, #tpu.memory_space<vmem>>
      %dma_start3A_302 = arith.constant 0 : i32
      %dma_start3A_303 = arith.constant 0 : i32
      %dma_start3A_304 = tpu.memref_slice %arg11[%dma_start3A_302, %dma_start3A_303] : memref<10240x128xf32, #tpu.memory_space<vmem_shared>> -> memref<10240x128xf32, #tpu.memory_space<vmem_shared>>
      tpu.enqueue_indirect_dma source(%dma_start3A_298 : memref<128x128xf32, #tpu.memory_space<vmem>>) target(%dma_start3A_304 : memref<10240x128xf32, #tpu.memory_space<vmem_shared>>) offsets(%dma_start3A_301 : memref<128xi32, #tpu.memory_space<vmem>>) semaphore(%arg13 : memref<!tpu.dma_semaphore, #tpu.memory_space<semaphore_mem>>) {add = true}
    }
    %scan3A_115 = arith.constant 40 : i32
    %dma_wait3A_116 = arith.constant 1 : i32
    %dma_wait3A_117 = arith.constant 39 : i32
    %dma_wait3A_118 = arith.constant 0 : i32
    %dma_wait3A_119 = arith.constant 0 : i32
    %dma_wait3A_120 = tpu.memref_slice %arg10[%dma_wait3A_116, %dma_wait3A_118, %dma_wait3A_119] : memref<2x128x128xf32, #tpu.memory_space<vmem>> -> memref<1x128x128xf32, #tpu.memory_space<vmem>>
    %dma_wait3A_121 = tpu.memref_squeeze %dma_wait3A_120 : memref<1x128x128xf32, #tpu.memory_space<vmem>> -> memref<128x128xf32, #tpu.memory_space<vmem>>
    %dma_wait3A_122 = arith.constant 0 : i32
    %dma_wait3A_123 = tpu.memref_slice %arg9[%dma_wait3A_117, %dma_wait3A_122] : memref<40x128xi32, #tpu.memory_space<vmem>> -> memref<1x128xi32, #tpu.memory_space<vmem>>
    %dma_wait3A_124 = tpu.memref_squeeze %dma_wait3A_123 : memref<1x128xi32, #tpu.memory_space<vmem>> -> memref<128xi32, #tpu.memory_space<vmem>>
    %dma_wait3A_125 = arith.constant 0 : i32
    %dma_wait3A_126 = arith.constant 0 : i32
    %dma_wait3A_127 = tpu.memref_slice %arg11[%dma_wait3A_125, %dma_wait3A_126] : memref<10240x128xf32, #tpu.memory_space<vmem_shared>> -> memref<10240x128xf32, #tpu.memory_space<vmem_shared>>
    tpu.wait_indirect_dma semaphore(%arg13 : memref<!tpu.dma_semaphore, #tpu.memory_space<semaphore_mem>>) src(%dma_wait3A_121 : memref<128x128xf32, #tpu.memory_space<vmem>>) dst(%dma_wait3A_127 : memref<10240x128xf32, #tpu.memory_space<vmem_shared>>)
    %barrier3A_128 = arith.constant 0 : index
    tpu.barrier barrier_id(%barrier3A_128)
    %mul3A_129 = arith.constant 640 : i32
    %mul3A_130 = arith.muli %arg1, %mul3A_129 : i32
    %mul3A_131 = arith.constant 640 : i32
    %mul3A_132 = arith.muli %arg1, %mul3A_131 : i32
    %run_scoped3A = arith.constant 0 : i32
    "tpu.region"() ({
      %run_scoped3A_272 = tpu.sem_alloc : memref<!tpu.dma_semaphore, #tpu.memory_space<semaphore_mem>>
      %dma_start3A_273 = arith.constant 0 : i32
      %dma_start3A_274 = tpu.memref_slice %arg7[%run_scoped3A, %arg0, %mul3A_132, %dma_start3A_273] : memref<2x2x10240x128xf32, #tpu.memory_space<hbm>> -> memref<1x1x640x128xf32, #tpu.memory_space<hbm>>
      %dma_start3A_275 = tpu.memref_squeeze %dma_start3A_274 : memref<1x1x640x128xf32, #tpu.memory_space<hbm>> -> memref<640x128xf32, #tpu.memory_space<hbm>>
      %dma_start3A_276 = arith.constant 0 : i32
      %dma_start3A_277 = tpu.memref_slice %arg11[%mul3A_130, %dma_start3A_276] : memref<10240x128xf32, #tpu.memory_space<vmem_shared>> -> memref<640x128xf32, #tpu.memory_space<vmem_shared>>
      tpu.enqueue_dma source(%dma_start3A_277 : memref<640x128xf32, #tpu.memory_space<vmem_shared>>) target(%dma_start3A_275 : memref<640x128xf32, #tpu.memory_space<hbm>>) target_semaphore(%run_scoped3A_272 : memref<!tpu.dma_semaphore, #tpu.memory_space<semaphore_mem>>)
      %dma_wait3A_278 = arith.constant 0 : i32
      %dma_wait3A_279 = tpu.memref_slice %arg7[%run_scoped3A, %arg0, %mul3A_132, %dma_wait3A_278] : memref<2x2x10240x128xf32, #tpu.memory_space<hbm>> -> memref<1x1x640x128xf32, #tpu.memory_space<hbm>>
      %dma_wait3A_280 = tpu.memref_squeeze %dma_wait3A_279 : memref<1x1x640x128xf32, #tpu.memory_space<hbm>> -> memref<640x128xf32, #tpu.memory_space<hbm>>
      %dma_wait3A_281 = arith.constant 0 : i32
      %dma_wait3A_282 = tpu.memref_slice %arg11[%mul3A_130, %dma_wait3A_281] : memref<10240x128xf32, #tpu.memory_space<vmem_shared>> -> memref<640x128xf32, #tpu.memory_space<vmem_shared>>
      tpu.wait_dma2 semaphore(%run_scoped3A_272 : memref<!tpu.dma_semaphore, #tpu.memory_space<semaphore_mem>>) src(%dma_wait3A_282 : memref<640x128xf32, #tpu.memory_space<vmem_shared>>) dst(%dma_wait3A_280 : memref<640x128xf32, #tpu.memory_space<hbm>>)
      tpu.yield
    }) : () -> ()
    %mul3A_133 = arith.constant 640 : i32
    %mul3A_134 = arith.muli %arg1, %mul3A_133 : i32
    "tpu.region"() ({
      %run_scoped3A_272 = tpu.sem_alloc : memref<!tpu.dma_semaphore, #tpu.memory_space<semaphore_mem>>
      %dma_start3A_273 = arith.constant 0 : i32
      %dma_start3A_274 = tpu.memref_slice %arg11[%mul3A_134, %dma_start3A_273] : memref<10240x128xf32, #tpu.memory_space<vmem_shared>> -> memref<640x128xf32, #tpu.memory_space<vmem_shared>>
      tpu.enqueue_dma source(%arg6 : memref<640x128xf32, #tpu.memory_space<hbm>>) target(%dma_start3A_274 : memref<640x128xf32, #tpu.memory_space<vmem_shared>>) target_semaphore(%run_scoped3A_272 : memref<!tpu.dma_semaphore, #tpu.memory_space<semaphore_mem>>)
      %dma_wait3A_275 = arith.constant 0 : i32
      %dma_wait3A_276 = tpu.memref_slice %arg11[%mul3A_134, %dma_wait3A_275] : memref<10240x128xf32, #tpu.memory_space<vmem_shared>> -> memref<640x128xf32, #tpu.memory_space<vmem_shared>>
      tpu.wait_dma2 semaphore(%run_scoped3A_272 : memref<!tpu.dma_semaphore, #tpu.memory_space<semaphore_mem>>) src(%arg6 : memref<640x128xf32, #tpu.memory_space<hbm>>) dst(%dma_wait3A_276 : memref<640x128xf32, #tpu.memory_space<vmem_shared>>)
      tpu.yield
    }) : () -> ()
    %barrier3A_135 = arith.constant 0 : index
    tpu.barrier barrier_id(%barrier3A_135)
    "tpu.region"() ({
      %run_scoped3A_272 = tpu.sem_alloc : memref<!tpu.dma_semaphore, #tpu.memory_space<semaphore_mem>>
      %dma_start3A_273 = arith.constant 0 : i32
      %dma_start3A_274 = arith.constant 0 : i32
      %dma_start3A_275 = tpu.memref_slice %arg4[%arg0, %arg1, %dma_start3A_273, %dma_start3A_274] : memref<2x16x80x128xi32, #tpu.memory_space<hbm>> -> memref<1x1x40x128xi32, #tpu.memory_space<hbm>>
      %dma_start3A_276 = tpu.memref_squeeze %dma_start3A_275 : memref<1x1x40x128xi32, #tpu.memory_space<hbm>> -> memref<40x128xi32, #tpu.memory_space<hbm>>
      %dma_start3A_277 = arith.constant 0 : i32
      %dma_start3A_278 = arith.constant 0 : i32
      %dma_start3A_279 = tpu.memref_slice %arg4[%arg0, %arg1, %dma_start3A_277, %dma_start3A_278] : memref<2x16x80x128xi32, #tpu.memory_space<hbm>> -> memref<1x1x40x128xi32, #tpu.memory_space<hbm>>
      %dma_start3A_280 = tpu.memref_squeeze %dma_start3A_279 : memref<1x1x40x128xi32, #tpu.memory_space<hbm>> -> memref<40x128xi32, #tpu.memory_space<hbm>>
      tpu.enqueue_dma source(%dma_start3A_280 : memref<40x128xi32, #tpu.memory_space<hbm>>) target(%arg8 : memref<40x128xi32, #tpu.memory_space<vmem>>) target_semaphore(%run_scoped3A_272 : memref<!tpu.dma_semaphore, #tpu.memory_space<semaphore_mem>>)
      %dma_wait3A_281 = arith.constant 0 : i32
      %dma_wait3A_282 = arith.constant 0 : i32
      %dma_wait3A_283 = tpu.memref_slice %arg4[%arg0, %arg1, %dma_wait3A_281, %dma_wait3A_282] : memref<2x16x80x128xi32, #tpu.memory_space<hbm>> -> memref<1x1x40x128xi32, #tpu.memory_space<hbm>>
      %dma_wait3A_284 = tpu.memref_squeeze %dma_wait3A_283 : memref<1x1x40x128xi32, #tpu.memory_space<hbm>> -> memref<40x128xi32, #tpu.memory_space<hbm>>
      %dma_wait3A_285 = arith.constant 0 : i32
      %dma_wait3A_286 = arith.constant 0 : i32
      %dma_wait3A_287 = tpu.memref_slice %arg4[%arg0, %arg1, %dma_wait3A_285, %dma_wait3A_286] : memref<2x16x80x128xi32, #tpu.memory_space<hbm>> -> memref<1x1x40x128xi32, #tpu.memory_space<hbm>>
      %dma_wait3A_288 = tpu.memref_squeeze %dma_wait3A_287 : memref<1x1x40x128xi32, #tpu.memory_space<hbm>> -> memref<40x128xi32, #tpu.memory_space<hbm>>
      tpu.wait_dma2 semaphore(%run_scoped3A_272 : memref<!tpu.dma_semaphore, #tpu.memory_space<semaphore_mem>>) src(%dma_wait3A_288 : memref<40x128xi32, #tpu.memory_space<hbm>>) dst(%arg8 : memref<40x128xi32, #tpu.memory_space<vmem>>)
      tpu.yield
    }) : () -> ()
    "tpu.region"() ({
      %run_scoped3A_272 = tpu.sem_alloc : memref<!tpu.dma_semaphore, #tpu.memory_space<semaphore_mem>>
      %dma_start3A_273 = arith.constant 0 : i32
      %dma_start3A_274 = arith.constant 0 : i32
      %dma_start3A_275 = tpu.memref_slice %arg5[%arg1, %dma_start3A_273, %dma_start3A_274] : memref<16x80x128xi32, #tpu.memory_space<hbm>> -> memref<1x40x128xi32, #tpu.memory_space<hbm>>
      %dma_start3A_276 = tpu.memref_squeeze %dma_start3A_275 : memref<1x40x128xi32, #tpu.memory_space<hbm>> -> memref<40x128xi32, #tpu.memory_space<hbm>>
      %dma_start3A_277 = arith.constant 0 : i32
      %dma_start3A_278 = arith.constant 0 : i32
      %dma_start3A_279 = tpu.memref_slice %arg5[%arg1, %dma_start3A_277, %dma_start3A_278] : memref<16x80x128xi32, #tpu.memory_space<hbm>> -> memref<1x40x128xi32, #tpu.memory_space<hbm>>
      %dma_start3A_280 = tpu.memref_squeeze %dma_start3A_279 : memref<1x40x128xi32, #tpu.memory_space<hbm>> -> memref<40x128xi32, #tpu.memory_space<hbm>>
      tpu.enqueue_dma source(%dma_start3A_280 : memref<40x128xi32, #tpu.memory_space<hbm>>) target(%arg9 : memref<40x128xi32, #tpu.memory_space<vmem>>) target_semaphore(%run_scoped3A_272 : memref<!tpu.dma_semaphore, #tpu.memory_space<semaphore_mem>>)
      %dma_wait3A_281 = arith.constant 0 : i32
      %dma_wait3A_282 = arith.constant 0 : i32
      %dma_wait3A_283 = tpu.memref_slice %arg5[%arg1, %dma_wait3A_281, %dma_wait3A_282] : memref<16x80x128xi32, #tpu.memory_space<hbm>> -> memref<1x40x128xi32, #tpu.memory_space<hbm>>
      %dma_wait3A_284 = tpu.memref_squeeze %dma_wait3A_283 : memref<1x40x128xi32, #tpu.memory_space<hbm>> -> memref<40x128xi32, #tpu.memory_space<hbm>>
      %dma_wait3A_285 = arith.constant 0 : i32
      %dma_wait3A_286 = arith.constant 0 : i32
      %dma_wait3A_287 = tpu.memref_slice %arg5[%arg1, %dma_wait3A_285, %dma_wait3A_286] : memref<16x80x128xi32, #tpu.memory_space<hbm>> -> memref<1x40x128xi32, #tpu.memory_space<hbm>>
      %dma_wait3A_288 = tpu.memref_squeeze %dma_wait3A_287 : memref<1x40x128xi32, #tpu.memory_space<hbm>> -> memref<40x128xi32, #tpu.memory_space<hbm>>
      tpu.wait_dma2 semaphore(%run_scoped3A_272 : memref<!tpu.dma_semaphore, #tpu.memory_space<semaphore_mem>>) src(%dma_wait3A_288 : memref<40x128xi32, #tpu.memory_space<hbm>>) dst(%arg9 : memref<40x128xi32, #tpu.memory_space<vmem>>)
      tpu.yield
    }) : () -> ()
    %dma_start3A_136 = arith.constant 0 : i32
    %dma_start3A_137 = arith.constant 0 : i32
    %dma_start3A_138 = arith.constant 0 : i32
    %dma_start3A_139 = arith.constant 0 : i32
    %dma_start3A_140 = tpu.memref_slice %arg10[%dma_start3A_137, %dma_start3A_138, %dma_start3A_139] : memref<2x128x128xf32, #tpu.memory_space<vmem>> -> memref<1x32x128xf32, #tpu.memory_space<vmem>>
    %dma_start3A_141 = tpu.memref_squeeze %dma_start3A_140 : memref<1x32x128xf32, #tpu.memory_space<vmem>> -> memref<32x128xf32, #tpu.memory_space<vmem>>
    %dma_start3A_142 = arith.constant 0 : i32
    %dma_start3A_143 = tpu.memref_slice %arg8[%dma_start3A_136, %dma_start3A_142] : memref<40x128xi32, #tpu.memory_space<vmem>> -> memref<1x32xi32, #tpu.memory_space<vmem>>
    %dma_start3A_144 = tpu.memref_squeeze %dma_start3A_143 : memref<1x32xi32, #tpu.memory_space<vmem>> -> memref<32xi32, #tpu.memory_space<vmem>>
    %dma_start3A_145 = arith.constant 0 : i32
    %dma_start3A_146 = arith.constant 0 : i32
    %dma_start3A_147 = tpu.memref_slice %arg3[%dma_start3A_145, %dma_start3A_146] : memref<20480x128xf32, #tpu.memory_space<hbm>> -> memref<20480x128xf32, #tpu.memory_space<hbm>>
    tpu.enqueue_indirect_dma source(%dma_start3A_147 : memref<20480x128xf32, #tpu.memory_space<hbm>>) target(%dma_start3A_141 : memref<32x128xf32, #tpu.memory_space<vmem>>) offsets(%dma_start3A_144 : memref<32xi32, #tpu.memory_space<vmem>>) semaphore(%arg12 : memref<!tpu.dma_semaphore, #tpu.memory_space<semaphore_mem>>)
    %dma_start3A_148 = arith.constant 0 : i32
    %dma_start3A_149 = arith.constant 0 : i32
    %dma_start3A_150 = arith.constant 32 : i32
    %dma_start3A_151 = arith.constant 0 : i32
    %dma_start3A_152 = tpu.memref_slice %arg10[%dma_start3A_149, %dma_start3A_150, %dma_start3A_151] : memref<2x128x128xf32, #tpu.memory_space<vmem>> -> memref<1x32x128xf32, #tpu.memory_space<vmem>>
    %dma_start3A_153 = tpu.memref_squeeze %dma_start3A_152 : memref<1x32x128xf32, #tpu.memory_space<vmem>> -> memref<32x128xf32, #tpu.memory_space<vmem>>
    %dma_start3A_154 = arith.constant 32 : i32
    %dma_start3A_155 = tpu.memref_slice %arg8[%dma_start3A_148, %dma_start3A_154] : memref<40x128xi32, #tpu.memory_space<vmem>> -> memref<1x32xi32, #tpu.memory_space<vmem>>
    %dma_start3A_156 = tpu.memref_squeeze %dma_start3A_155 : memref<1x32xi32, #tpu.memory_space<vmem>> -> memref<32xi32, #tpu.memory_space<vmem>>
    %dma_start3A_157 = arith.constant 0 : i32
    %dma_start3A_158 = arith.constant 0 : i32
    %dma_start3A_159 = tpu.memref_slice %arg3[%dma_start3A_157, %dma_start3A_158] : memref<20480x128xf32, #tpu.memory_space<hbm>> -> memref<20480x128xf32, #tpu.memory_space<hbm>>
    tpu.enqueue_indirect_dma source(%dma_start3A_159 : memref<20480x128xf32, #tpu.memory_space<hbm>>) target(%dma_start3A_153 : memref<32x128xf32, #tpu.memory_space<vmem>>) offsets(%dma_start3A_156 : memref<32xi32, #tpu.memory_space<vmem>>) semaphore(%arg12 : memref<!tpu.dma_semaphore, #tpu.memory_space<semaphore_mem>>)
    %dma_start3A_160 = arith.constant 0 : i32
    %dma_start3A_161 = arith.constant 0 : i32
    %dma_start3A_162 = arith.constant 64 : i32
    %dma_start3A_163 = arith.constant 0 : i32
    %dma_start3A_164 = tpu.memref_slice %arg10[%dma_start3A_161, %dma_start3A_162, %dma_start3A_163] : memref<2x128x128xf32, #tpu.memory_space<vmem>> -> memref<1x32x128xf32, #tpu.memory_space<vmem>>
    %dma_start3A_165 = tpu.memref_squeeze %dma_start3A_164 : memref<1x32x128xf32, #tpu.memory_space<vmem>> -> memref<32x128xf32, #tpu.memory_space<vmem>>
    %dma_start3A_166 = arith.constant 64 : i32
    %dma_start3A_167 = tpu.memref_slice %arg8[%dma_start3A_160, %dma_start3A_166] : memref<40x128xi32, #tpu.memory_space<vmem>> -> memref<1x32xi32, #tpu.memory_space<vmem>>
    %dma_start3A_168 = tpu.memref_squeeze %dma_start3A_167 : memref<1x32xi32, #tpu.memory_space<vmem>> -> memref<32xi32, #tpu.memory_space<vmem>>
    %dma_start3A_169 = arith.constant 0 : i32
    %dma_start3A_170 = arith.constant 0 : i32
    %dma_start3A_171 = tpu.memref_slice %arg3[%dma_start3A_169, %dma_start3A_170] : memref<20480x128xf32, #tpu.memory_space<hbm>> -> memref<20480x128xf32, #tpu.memory_space<hbm>>
    tpu.enqueue_indirect_dma source(%dma_start3A_171 : memref<20480x128xf32, #tpu.memory_space<hbm>>) target(%dma_start3A_165 : memref<32x128xf32, #tpu.memory_space<vmem>>) offsets(%dma_start3A_168 : memref<32xi32, #tpu.memory_space<vmem>>) semaphore(%arg12 : memref<!tpu.dma_semaphore, #tpu.memory_space<semaphore_mem>>)
    %dma_start3A_172 = arith.constant 0 : i32
    %dma_start3A_173 = arith.constant 0 : i32
    %dma_start3A_174 = arith.constant 96 : i32
    %dma_start3A_175 = arith.constant 0 : i32
    %dma_start3A_176 = tpu.memref_slice %arg10[%dma_start3A_173, %dma_start3A_174, %dma_start3A_175] : memref<2x128x128xf32, #tpu.memory_space<vmem>> -> memref<1x32x128xf32, #tpu.memory_space<vmem>>
    %dma_start3A_177 = tpu.memref_squeeze %dma_start3A_176 : memref<1x32x128xf32, #tpu.memory_space<vmem>> -> memref<32x128xf32, #tpu.memory_space<vmem>>
    %dma_start3A_178 = arith.constant 96 : i32
    %dma_start3A_179 = tpu.memref_slice %arg8[%dma_start3A_172, %dma_start3A_178] : memref<40x128xi32, #tpu.memory_space<vmem>> -> memref<1x32xi32, #tpu.memory_space<vmem>>
    %dma_start3A_180 = tpu.memref_squeeze %dma_start3A_179 : memref<1x32xi32, #tpu.memory_space<vmem>> -> memref<32xi32, #tpu.memory_space<vmem>>
    %dma_start3A_181 = arith.constant 0 : i32
    %dma_start3A_182 = arith.constant 0 : i32
    %dma_start3A_183 = tpu.memref_slice %arg3[%dma_start3A_181, %dma_start3A_182] : memref<20480x128xf32, #tpu.memory_space<hbm>> -> memref<20480x128xf32, #tpu.memory_space<hbm>>
    tpu.enqueue_indirect_dma source(%dma_start3A_183 : memref<20480x128xf32, #tpu.memory_space<hbm>>) target(%dma_start3A_177 : memref<32x128xf32, #tpu.memory_space<vmem>>) offsets(%dma_start3A_180 : memref<32xi32, #tpu.memory_space<vmem>>) semaphore(%arg12 : memref<!tpu.dma_semaphore, #tpu.memory_space<semaphore_mem>>)
    %scan3A_184 = arith.constant 0 : i32
    %scan3A_185 = arith.constant 40 : i32
    %scan3A_186 = arith.addi %scan3A_184, %scan3A_185 : i32
    %scan3A_187 = arith.constant 1 : i32
    scf.for %scan3A_272 = %scan3A_184 to %scan3A_186 step %scan3A_187  : i32 {
      %rem3A = arith.constant 2 : i32
      %rem3A_273 = arith.remsi %scan3A_272, %rem3A : i32
      %add3A = arith.constant 1 : i32
      %add3A_274 = arith.addi %scan3A_272, %add3A : i32
      %rem3A_275 = arith.constant 2 : i32
      %rem3A_276 = arith.remsi %add3A_274, %rem3A_275 : i32
      %gt3A = arith.constant 0 : i32
      %gt3A_277 = arith.cmpi sgt, %scan3A_272, %gt3A : i32
      %convert_element_type3A = arith.extui %gt3A_277 : i1 to i32
      %cond3A = arith.constant 0 : i32
      %cond3A_278 = arith.cmpi ne, %convert_element_type3A, %cond3A : i32
      scf.if %cond3A_278 {
        %sub3A = arith.constant 1 : i32
        %sub3A_305 = arith.subi %scan3A_272, %sub3A : i32
        %dma_wait3A_306 = arith.constant 0 : i32
        %dma_wait3A_307 = arith.constant 0 : i32
        %dma_wait3A_308 = tpu.memref_slice %arg10[%rem3A_276, %dma_wait3A_306, %dma_wait3A_307] : memref<2x128x128xf32, #tpu.memory_space<vmem>> -> memref<1x128x128xf32, #tpu.memory_space<vmem>>
        %dma_wait3A_309 = tpu.memref_squeeze %dma_wait3A_308 : memref<1x128x128xf32, #tpu.memory_space<vmem>> -> memref<128x128xf32, #tpu.memory_space<vmem>>
        %dma_wait3A_310 = arith.constant 0 : i32
        %dma_wait3A_311 = tpu.memref_slice %arg9[%sub3A_305, %dma_wait3A_310] : memref<40x128xi32, #tpu.memory_space<vmem>> -> memref<1x128xi32, #tpu.memory_space<vmem>>
        %dma_wait3A_312 = tpu.memref_squeeze %dma_wait3A_311 : memref<1x128xi32, #tpu.memory_space<vmem>> -> memref<128xi32, #tpu.memory_space<vmem>>
        %dma_wait3A_313 = arith.constant 0 : i32
        %dma_wait3A_314 = arith.constant 0 : i32
        %dma_wait3A_315 = tpu.memref_slice %arg11[%dma_wait3A_313, %dma_wait3A_314] : memref<10240x128xf32, #tpu.memory_space<vmem_shared>> -> memref<10240x128xf32, #tpu.memory_space<vmem_shared>>
        tpu.wait_indirect_dma semaphore(%arg13 : memref<!tpu.dma_semaphore, #tpu.memory_space<semaphore_mem>>) src(%dma_wait3A_309 : memref<128x128xf32, #tpu.memory_space<vmem>>) dst(%dma_wait3A_315 : memref<10240x128xf32, #tpu.memory_space<vmem_shared>>)
      } else {
      }
      %add3A_279 = arith.constant 1 : i32
      %add3A_280 = arith.addi %scan3A_272, %add3A_279 : i32
      %lt3A = arith.constant 40 : i32
      %lt3A_281 = arith.cmpi slt, %add3A_280, %lt3A : i32
      %convert_element_type3A_282 = arith.extui %lt3A_281 : i1 to i32
      %cond3A_283 = arith.constant 0 : i32
      %cond3A_284 = arith.cmpi ne, %convert_element_type3A_282, %cond3A_283 : i32
      scf.if %cond3A_284 {
        %add3A_305 = arith.constant 1 : i32
        %add3A_306 = arith.addi %scan3A_272, %add3A_305 : i32
        %dma_start3A_307 = arith.constant 0 : i32
        %dma_start3A_308 = arith.constant 0 : i32
        %dma_start3A_309 = tpu.memref_slice %arg10[%rem3A_276, %dma_start3A_307, %dma_start3A_308] : memref<2x128x128xf32, #tpu.memory_space<vmem>> -> memref<1x32x128xf32, #tpu.memory_space<vmem>>
        %dma_start3A_310 = tpu.memref_squeeze %dma_start3A_309 : memref<1x32x128xf32, #tpu.memory_space<vmem>> -> memref<32x128xf32, #tpu.memory_space<vmem>>
        %dma_start3A_311 = arith.constant 0 : i32
        %dma_start3A_312 = tpu.memref_slice %arg8[%add3A_306, %dma_start3A_311] : memref<40x128xi32, #tpu.memory_space<vmem>> -> memref<1x32xi32, #tpu.memory_space<vmem>>
        %dma_start3A_313 = tpu.memref_squeeze %dma_start3A_312 : memref<1x32xi32, #tpu.memory_space<vmem>> -> memref<32xi32, #tpu.memory_space<vmem>>
        %dma_start3A_314 = arith.constant 0 : i32
        %dma_start3A_315 = arith.constant 0 : i32
        %dma_start3A_316 = tpu.memref_slice %arg3[%dma_start3A_314, %dma_start3A_315] : memref<20480x128xf32, #tpu.memory_space<hbm>> -> memref<20480x128xf32, #tpu.memory_space<hbm>>
        tpu.enqueue_indirect_dma source(%dma_start3A_316 : memref<20480x128xf32, #tpu.memory_space<hbm>>) target(%dma_start3A_310 : memref<32x128xf32, #tpu.memory_space<vmem>>) offsets(%dma_start3A_313 : memref<32xi32, #tpu.memory_space<vmem>>) semaphore(%arg12 : memref<!tpu.dma_semaphore, #tpu.memory_space<semaphore_mem>>)
        %add3A_317 = arith.constant 1 : i32
        %add3A_318 = arith.addi %scan3A_272, %add3A_317 : i32
        %dma_start3A_319 = arith.constant 32 : i32
        %dma_start3A_320 = arith.constant 0 : i32
        %dma_start3A_321 = tpu.memref_slice %arg10[%rem3A_276, %dma_start3A_319, %dma_start3A_320] : memref<2x128x128xf32, #tpu.memory_space<vmem>> -> memref<1x32x128xf32, #tpu.memory_space<vmem>>
        %dma_start3A_322 = tpu.memref_squeeze %dma_start3A_321 : memref<1x32x128xf32, #tpu.memory_space<vmem>> -> memref<32x128xf32, #tpu.memory_space<vmem>>
        %dma_start3A_323 = arith.constant 32 : i32
        %dma_start3A_324 = tpu.memref_slice %arg8[%add3A_318, %dma_start3A_323] : memref<40x128xi32, #tpu.memory_space<vmem>> -> memref<1x32xi32, #tpu.memory_space<vmem>>
        %dma_start3A_325 = tpu.memref_squeeze %dma_start3A_324 : memref<1x32xi32, #tpu.memory_space<vmem>> -> memref<32xi32, #tpu.memory_space<vmem>>
        %dma_start3A_326 = arith.constant 0 : i32
        %dma_start3A_327 = arith.constant 0 : i32
        %dma_start3A_328 = tpu.memref_slice %arg3[%dma_start3A_326, %dma_start3A_327] : memref<20480x128xf32, #tpu.memory_space<hbm>> -> memref<20480x128xf32, #tpu.memory_space<hbm>>
        tpu.enqueue_indirect_dma source(%dma_start3A_328 : memref<20480x128xf32, #tpu.memory_space<hbm>>) target(%dma_start3A_322 : memref<32x128xf32, #tpu.memory_space<vmem>>) offsets(%dma_start3A_325 : memref<32xi32, #tpu.memory_space<vmem>>) semaphore(%arg12 : memref<!tpu.dma_semaphore, #tpu.memory_space<semaphore_mem>>)
        %add3A_329 = arith.constant 1 : i32
        %add3A_330 = arith.addi %scan3A_272, %add3A_329 : i32
        %dma_start3A_331 = arith.constant 64 : i32
        %dma_start3A_332 = arith.constant 0 : i32
        %dma_start3A_333 = tpu.memref_slice %arg10[%rem3A_276, %dma_start3A_331, %dma_start3A_332] : memref<2x128x128xf32, #tpu.memory_space<vmem>> -> memref<1x32x128xf32, #tpu.memory_space<vmem>>
        %dma_start3A_334 = tpu.memref_squeeze %dma_start3A_333 : memref<1x32x128xf32, #tpu.memory_space<vmem>> -> memref<32x128xf32, #tpu.memory_space<vmem>>
        %dma_start3A_335 = arith.constant 64 : i32
        %dma_start3A_336 = tpu.memref_slice %arg8[%add3A_330, %dma_start3A_335] : memref<40x128xi32, #tpu.memory_space<vmem>> -> memref<1x32xi32, #tpu.memory_space<vmem>>
        %dma_start3A_337 = tpu.memref_squeeze %dma_start3A_336 : memref<1x32xi32, #tpu.memory_space<vmem>> -> memref<32xi32, #tpu.memory_space<vmem>>
        %dma_start3A_338 = arith.constant 0 : i32
        %dma_start3A_339 = arith.constant 0 : i32
        %dma_start3A_340 = tpu.memref_slice %arg3[%dma_start3A_338, %dma_start3A_339] : memref<20480x128xf32, #tpu.memory_space<hbm>> -> memref<20480x128xf32, #tpu.memory_space<hbm>>
        tpu.enqueue_indirect_dma source(%dma_start3A_340 : memref<20480x128xf32, #tpu.memory_space<hbm>>) target(%dma_start3A_334 : memref<32x128xf32, #tpu.memory_space<vmem>>) offsets(%dma_start3A_337 : memref<32xi32, #tpu.memory_space<vmem>>) semaphore(%arg12 : memref<!tpu.dma_semaphore, #tpu.memory_space<semaphore_mem>>)
        %add3A_341 = arith.constant 1 : i32
        %add3A_342 = arith.addi %scan3A_272, %add3A_341 : i32
        %dma_start3A_343 = arith.constant 96 : i32
        %dma_start3A_344 = arith.constant 0 : i32
        %dma_start3A_345 = tpu.memref_slice %arg10[%rem3A_276, %dma_start3A_343, %dma_start3A_344] : memref<2x128x128xf32, #tpu.memory_space<vmem>> -> memref<1x32x128xf32, #tpu.memory_space<vmem>>
        %dma_start3A_346 = tpu.memref_squeeze %dma_start3A_345 : memref<1x32x128xf32, #tpu.memory_space<vmem>> -> memref<32x128xf32, #tpu.memory_space<vmem>>
        %dma_start3A_347 = arith.constant 96 : i32
        %dma_start3A_348 = tpu.memref_slice %arg8[%add3A_342, %dma_start3A_347] : memref<40x128xi32, #tpu.memory_space<vmem>> -> memref<1x32xi32, #tpu.memory_space<vmem>>
        %dma_start3A_349 = tpu.memref_squeeze %dma_start3A_348 : memref<1x32xi32, #tpu.memory_space<vmem>> -> memref<32xi32, #tpu.memory_space<vmem>>
        %dma_start3A_350 = arith.constant 0 : i32
        %dma_start3A_351 = arith.constant 0 : i32
        %dma_start3A_352 = tpu.memref_slice %arg3[%dma_start3A_350, %dma_start3A_351] : memref<20480x128xf32, #tpu.memory_space<hbm>> -> memref<20480x128xf32, #tpu.memory_space<hbm>>
        tpu.enqueue_indirect_dma source(%dma_start3A_352 : memref<20480x128xf32, #tpu.memory_space<hbm>>) target(%dma_start3A_346 : memref<32x128xf32, #tpu.memory_space<vmem>>) offsets(%dma_start3A_349 : memref<32xi32, #tpu.memory_space<vmem>>) semaphore(%arg12 : memref<!tpu.dma_semaphore, #tpu.memory_space<semaphore_mem>>)
      } else {
      }
      %dma_wait3A_285 = arith.constant 0 : i32
      %dma_wait3A_286 = arith.constant 0 : i32
      %dma_wait3A_287 = tpu.memref_slice %arg10[%rem3A_273, %dma_wait3A_285, %dma_wait3A_286] : memref<2x128x128xf32, #tpu.memory_space<vmem>> -> memref<1x128x128xf32, #tpu.memory_space<vmem>>
      %dma_wait3A_288 = tpu.memref_squeeze %dma_wait3A_287 : memref<1x128x128xf32, #tpu.memory_space<vmem>> -> memref<128x128xf32, #tpu.memory_space<vmem>>
      %dma_wait3A_289 = arith.constant 0 : i32
      %dma_wait3A_290 = tpu.memref_slice %arg8[%scan3A_272, %dma_wait3A_289] : memref<40x128xi32, #tpu.memory_space<vmem>> -> memref<1x128xi32, #tpu.memory_space<vmem>>
      %dma_wait3A_291 = tpu.memref_squeeze %dma_wait3A_290 : memref<1x128xi32, #tpu.memory_space<vmem>> -> memref<128xi32, #tpu.memory_space<vmem>>
      %dma_wait3A_292 = arith.constant 0 : i32
      %dma_wait3A_293 = arith.constant 0 : i32
      %dma_wait3A_294 = tpu.memref_slice %arg3[%dma_wait3A_292, %dma_wait3A_293] : memref<20480x128xf32, #tpu.memory_space<hbm>> -> memref<20480x128xf32, #tpu.memory_space<hbm>>
      tpu.wait_indirect_dma semaphore(%arg12 : memref<!tpu.dma_semaphore, #tpu.memory_space<semaphore_mem>>) src(%dma_wait3A_294 : memref<20480x128xf32, #tpu.memory_space<hbm>>) dst(%dma_wait3A_288 : memref<128x128xf32, #tpu.memory_space<vmem>>)
      %dma_start3A_295 = arith.constant 0 : i32
      %dma_start3A_296 = arith.constant 0 : i32
      %dma_start3A_297 = tpu.memref_slice %arg10[%rem3A_273, %dma_start3A_295, %dma_start3A_296] : memref<2x128x128xf32, #tpu.memory_space<vmem>> -> memref<1x128x128xf32, #tpu.memory_space<vmem>>
      %dma_start3A_298 = tpu.memref_squeeze %dma_start3A_297 : memref<1x128x128xf32, #tpu.memory_space<vmem>> -> memref<128x128xf32, #tpu.memory_space<vmem>>
      %dma_start3A_299 = arith.constant 0 : i32
      %dma_start3A_300 = tpu.memref_slice %arg9[%scan3A_272, %dma_start3A_299] : memref<40x128xi32, #tpu.memory_space<vmem>> -> memref<1x128xi32, #tpu.memory_space<vmem>>
      %dma_start3A_301 = tpu.memref_squeeze %dma_start3A_300 : memref<1x128xi32, #tpu.memory_space<vmem>> -> memref<128xi32, #tpu.memory_space<vmem>>
      %dma_start3A_302 = arith.constant 0 : i32
      %dma_start3A_303 = arith.constant 0 : i32
      %dma_start3A_304 = tpu.memref_slice %arg11[%dma_start3A_302, %dma_start3A_303] : memref<10240x128xf32, #tpu.memory_space<vmem_shared>> -> memref<10240x128xf32, #tpu.memory_space<vmem_shared>>
      tpu.enqueue_indirect_dma source(%dma_start3A_298 : memref<128x128xf32, #tpu.memory_space<vmem>>) target(%dma_start3A_304 : memref<10240x128xf32, #tpu.memory_space<vmem_shared>>) offsets(%dma_start3A_301 : memref<128xi32, #tpu.memory_space<vmem>>) semaphore(%arg13 : memref<!tpu.dma_semaphore, #tpu.memory_space<semaphore_mem>>) {add = true}
    }
    %scan3A_188 = arith.constant 40 : i32
    %dma_wait3A_189 = arith.constant 1 : i32
    %dma_wait3A_190 = arith.constant 39 : i32
    %dma_wait3A_191 = arith.constant 0 : i32
    %dma_wait3A_192 = arith.constant 0 : i32
    %dma_wait3A_193 = tpu.memref_slice %arg10[%dma_wait3A_189, %dma_wait3A_191, %dma_wait3A_192] : memref<2x128x128xf32, #tpu.memory_space<vmem>> -> memref<1x128x128xf32, #tpu.memory_space<vmem>>
    %dma_wait3A_194 = tpu.memref_squeeze %dma_wait3A_193 : memref<1x128x128xf32, #tpu.memory_space<vmem>> -> memref<128x128xf32, #tpu.memory_space<vmem>>
    %dma_wait3A_195 = arith.constant 0 : i32
    %dma_wait3A_196 = tpu.memref_slice %arg9[%dma_wait3A_190, %dma_wait3A_195] : memref<40x128xi32, #tpu.memory_space<vmem>> -> memref<1x128xi32, #tpu.memory_space<vmem>>
    %dma_wait3A_197 = tpu.memref_squeeze %dma_wait3A_196 : memref<1x128xi32, #tpu.memory_space<vmem>> -> memref<128xi32, #tpu.memory_space<vmem>>
    %dma_wait3A_198 = arith.constant 0 : i32
    %dma_wait3A_199 = arith.constant 0 : i32
    %dma_wait3A_200 = tpu.memref_slice %arg11[%dma_wait3A_198, %dma_wait3A_199] : memref<10240x128xf32, #tpu.memory_space<vmem_shared>> -> memref<10240x128xf32, #tpu.memory_space<vmem_shared>>
    tpu.wait_indirect_dma semaphore(%arg13 : memref<!tpu.dma_semaphore, #tpu.memory_space<semaphore_mem>>) src(%dma_wait3A_194 : memref<128x128xf32, #tpu.memory_space<vmem>>) dst(%dma_wait3A_200 : memref<10240x128xf32, #tpu.memory_space<vmem_shared>>)
    "tpu.region"() ({
      %run_scoped3A_272 = tpu.sem_alloc : memref<!tpu.dma_semaphore, #tpu.memory_space<semaphore_mem>>
      %dma_start3A_273 = arith.constant 40 : i32
      %dma_start3A_274 = arith.constant 0 : i32
      %dma_start3A_275 = tpu.memref_slice %arg4[%arg0, %arg1, %dma_start3A_273, %dma_start3A_274] : memref<2x16x80x128xi32, #tpu.memory_space<hbm>> -> memref<1x1x40x128xi32, #tpu.memory_space<hbm>>
      %dma_start3A_276 = tpu.memref_squeeze %dma_start3A_275 : memref<1x1x40x128xi32, #tpu.memory_space<hbm>> -> memref<40x128xi32, #tpu.memory_space<hbm>>
      %dma_start3A_277 = arith.constant 40 : i32
      %dma_start3A_278 = arith.constant 0 : i32
      %dma_start3A_279 = tpu.memref_slice %arg4[%arg0, %arg1, %dma_start3A_277, %dma_start3A_278] : memref<2x16x80x128xi32, #tpu.memory_space<hbm>> -> memref<1x1x40x128xi32, #tpu.memory_space<hbm>>
      %dma_start3A_280 = tpu.memref_squeeze %dma_start3A_279 : memref<1x1x40x128xi32, #tpu.memory_space<hbm>> -> memref<40x128xi32, #tpu.memory_space<hbm>>
      tpu.enqueue_dma source(%dma_start3A_280 : memref<40x128xi32, #tpu.memory_space<hbm>>) target(%arg8 : memref<40x128xi32, #tpu.memory_space<vmem>>) target_semaphore(%run_scoped3A_272 : memref<!tpu.dma_semaphore, #tpu.memory_space<semaphore_mem>>)
      %dma_wait3A_281 = arith.constant 40 : i32
      %dma_wait3A_282 = arith.constant 0 : i32
      %dma_wait3A_283 = tpu.memref_slice %arg4[%arg0, %arg1, %dma_wait3A_281, %dma_wait3A_282] : memref<2x16x80x128xi32, #tpu.memory_space<hbm>> -> memref<1x1x40x128xi32, #tpu.memory_space<hbm>>
      %dma_wait3A_284 = tpu.memref_squeeze %dma_wait3A_283 : memref<1x1x40x128xi32, #tpu.memory_space<hbm>> -> memref<40x128xi32, #tpu.memory_space<hbm>>
      %dma_wait3A_285 = arith.constant 40 : i32
      %dma_wait3A_286 = arith.constant 0 : i32
      %dma_wait3A_287 = tpu.memref_slice %arg4[%arg0, %arg1, %dma_wait3A_285, %dma_wait3A_286] : memref<2x16x80x128xi32, #tpu.memory_space<hbm>> -> memref<1x1x40x128xi32, #tpu.memory_space<hbm>>
      %dma_wait3A_288 = tpu.memref_squeeze %dma_wait3A_287 : memref<1x1x40x128xi32, #tpu.memory_space<hbm>> -> memref<40x128xi32, #tpu.memory_space<hbm>>
      tpu.wait_dma2 semaphore(%run_scoped3A_272 : memref<!tpu.dma_semaphore, #tpu.memory_space<semaphore_mem>>) src(%dma_wait3A_288 : memref<40x128xi32, #tpu.memory_space<hbm>>) dst(%arg8 : memref<40x128xi32, #tpu.memory_space<vmem>>)
      tpu.yield
    }) : () -> ()
    "tpu.region"() ({
      %run_scoped3A_272 = tpu.sem_alloc : memref<!tpu.dma_semaphore, #tpu.memory_space<semaphore_mem>>
      %dma_start3A_273 = arith.constant 40 : i32
      %dma_start3A_274 = arith.constant 0 : i32
      %dma_start3A_275 = tpu.memref_slice %arg5[%arg1, %dma_start3A_273, %dma_start3A_274] : memref<16x80x128xi32, #tpu.memory_space<hbm>> -> memref<1x40x128xi32, #tpu.memory_space<hbm>>
      %dma_start3A_276 = tpu.memref_squeeze %dma_start3A_275 : memref<1x40x128xi32, #tpu.memory_space<hbm>> -> memref<40x128xi32, #tpu.memory_space<hbm>>
      %dma_start3A_277 = arith.constant 40 : i32
      %dma_start3A_278 = arith.constant 0 : i32
      %dma_start3A_279 = tpu.memref_slice %arg5[%arg1, %dma_start3A_277, %dma_start3A_278] : memref<16x80x128xi32, #tpu.memory_space<hbm>> -> memref<1x40x128xi32, #tpu.memory_space<hbm>>
      %dma_start3A_280 = tpu.memref_squeeze %dma_start3A_279 : memref<1x40x128xi32, #tpu.memory_space<hbm>> -> memref<40x128xi32, #tpu.memory_space<hbm>>
      tpu.enqueue_dma source(%dma_start3A_280 : memref<40x128xi32, #tpu.memory_space<hbm>>) target(%arg9 : memref<40x128xi32, #tpu.memory_space<vmem>>) target_semaphore(%run_scoped3A_272 : memref<!tpu.dma_semaphore, #tpu.memory_space<semaphore_mem>>)
      %dma_wait3A_281 = arith.constant 40 : i32
      %dma_wait3A_282 = arith.constant 0 : i32
      %dma_wait3A_283 = tpu.memref_slice %arg5[%arg1, %dma_wait3A_281, %dma_wait3A_282] : memref<16x80x128xi32, #tpu.memory_space<hbm>> -> memref<1x40x128xi32, #tpu.memory_space<hbm>>
      %dma_wait3A_284 = tpu.memref_squeeze %dma_wait3A_283 : memref<1x40x128xi32, #tpu.memory_space<hbm>> -> memref<40x128xi32, #tpu.memory_space<hbm>>
      %dma_wait3A_285 = arith.constant 40 : i32
      %dma_wait3A_286 = arith.constant 0 : i32
      %dma_wait3A_287 = tpu.memref_slice %arg5[%arg1, %dma_wait3A_285, %dma_wait3A_286] : memref<16x80x128xi32, #tpu.memory_space<hbm>> -> memref<1x40x128xi32, #tpu.memory_space<hbm>>
      %dma_wait3A_288 = tpu.memref_squeeze %dma_wait3A_287 : memref<1x40x128xi32, #tpu.memory_space<hbm>> -> memref<40x128xi32, #tpu.memory_space<hbm>>
      tpu.wait_dma2 semaphore(%run_scoped3A_272 : memref<!tpu.dma_semaphore, #tpu.memory_space<semaphore_mem>>) src(%dma_wait3A_288 : memref<40x128xi32, #tpu.memory_space<hbm>>) dst(%arg9 : memref<40x128xi32, #tpu.memory_space<vmem>>)
      tpu.yield
    }) : () -> ()
    %dma_start3A_201 = arith.constant 0 : i32
    %dma_start3A_202 = arith.constant 0 : i32
    %dma_start3A_203 = arith.constant 0 : i32
    %dma_start3A_204 = arith.constant 0 : i32
    %dma_start3A_205 = tpu.memref_slice %arg10[%dma_start3A_202, %dma_start3A_203, %dma_start3A_204] : memref<2x128x128xf32, #tpu.memory_space<vmem>> -> memref<1x32x128xf32, #tpu.memory_space<vmem>>
    %dma_start3A_206 = tpu.memref_squeeze %dma_start3A_205 : memref<1x32x128xf32, #tpu.memory_space<vmem>> -> memref<32x128xf32, #tpu.memory_space<vmem>>
    %dma_start3A_207 = arith.constant 0 : i32
    %dma_start3A_208 = tpu.memref_slice %arg8[%dma_start3A_201, %dma_start3A_207] : memref<40x128xi32, #tpu.memory_space<vmem>> -> memref<1x32xi32, #tpu.memory_space<vmem>>
    %dma_start3A_209 = tpu.memref_squeeze %dma_start3A_208 : memref<1x32xi32, #tpu.memory_space<vmem>> -> memref<32xi32, #tpu.memory_space<vmem>>
    %dma_start3A_210 = arith.constant 0 : i32
    %dma_start3A_211 = arith.constant 0 : i32
    %dma_start3A_212 = tpu.memref_slice %arg3[%dma_start3A_210, %dma_start3A_211] : memref<20480x128xf32, #tpu.memory_space<hbm>> -> memref<20480x128xf32, #tpu.memory_space<hbm>>
    tpu.enqueue_indirect_dma source(%dma_start3A_212 : memref<20480x128xf32, #tpu.memory_space<hbm>>) target(%dma_start3A_206 : memref<32x128xf32, #tpu.memory_space<vmem>>) offsets(%dma_start3A_209 : memref<32xi32, #tpu.memory_space<vmem>>) semaphore(%arg12 : memref<!tpu.dma_semaphore, #tpu.memory_space<semaphore_mem>>)
    %dma_start3A_213 = arith.constant 0 : i32
    %dma_start3A_214 = arith.constant 0 : i32
    %dma_start3A_215 = arith.constant 32 : i32
    %dma_start3A_216 = arith.constant 0 : i32
    %dma_start3A_217 = tpu.memref_slice %arg10[%dma_start3A_214, %dma_start3A_215, %dma_start3A_216] : memref<2x128x128xf32, #tpu.memory_space<vmem>> -> memref<1x32x128xf32, #tpu.memory_space<vmem>>
    %dma_start3A_218 = tpu.memref_squeeze %dma_start3A_217 : memref<1x32x128xf32, #tpu.memory_space<vmem>> -> memref<32x128xf32, #tpu.memory_space<vmem>>
    %dma_start3A_219 = arith.constant 32 : i32
    %dma_start3A_220 = tpu.memref_slice %arg8[%dma_start3A_213, %dma_start3A_219] : memref<40x128xi32, #tpu.memory_space<vmem>> -> memref<1x32xi32, #tpu.memory_space<vmem>>
    %dma_start3A_221 = tpu.memref_squeeze %dma_start3A_220 : memref<1x32xi32, #tpu.memory_space<vmem>> -> memref<32xi32, #tpu.memory_space<vmem>>
    %dma_start3A_222 = arith.constant 0 : i32
    %dma_start3A_223 = arith.constant 0 : i32
    %dma_start3A_224 = tpu.memref_slice %arg3[%dma_start3A_222, %dma_start3A_223] : memref<20480x128xf32, #tpu.memory_space<hbm>> -> memref<20480x128xf32, #tpu.memory_space<hbm>>
    tpu.enqueue_indirect_dma source(%dma_start3A_224 : memref<20480x128xf32, #tpu.memory_space<hbm>>) target(%dma_start3A_218 : memref<32x128xf32, #tpu.memory_space<vmem>>) offsets(%dma_start3A_221 : memref<32xi32, #tpu.memory_space<vmem>>) semaphore(%arg12 : memref<!tpu.dma_semaphore, #tpu.memory_space<semaphore_mem>>)
    %dma_start3A_225 = arith.constant 0 : i32
    %dma_start3A_226 = arith.constant 0 : i32
    %dma_start3A_227 = arith.constant 64 : i32
    %dma_start3A_228 = arith.constant 0 : i32
    %dma_start3A_229 = tpu.memref_slice %arg10[%dma_start3A_226, %dma_start3A_227, %dma_start3A_228] : memref<2x128x128xf32, #tpu.memory_space<vmem>> -> memref<1x32x128xf32, #tpu.memory_space<vmem>>
    %dma_start3A_230 = tpu.memref_squeeze %dma_start3A_229 : memref<1x32x128xf32, #tpu.memory_space<vmem>> -> memref<32x128xf32, #tpu.memory_space<vmem>>
    %dma_start3A_231 = arith.constant 64 : i32
    %dma_start3A_232 = tpu.memref_slice %arg8[%dma_start3A_225, %dma_start3A_231] : memref<40x128xi32, #tpu.memory_space<vmem>> -> memref<1x32xi32, #tpu.memory_space<vmem>>
    %dma_start3A_233 = tpu.memref_squeeze %dma_start3A_232 : memref<1x32xi32, #tpu.memory_space<vmem>> -> memref<32xi32, #tpu.memory_space<vmem>>
    %dma_start3A_234 = arith.constant 0 : i32
    %dma_start3A_235 = arith.constant 0 : i32
    %dma_start3A_236 = tpu.memref_slice %arg3[%dma_start3A_234, %dma_start3A_235] : memref<20480x128xf32, #tpu.memory_space<hbm>> -> memref<20480x128xf32, #tpu.memory_space<hbm>>
    tpu.enqueue_indirect_dma source(%dma_start3A_236 : memref<20480x128xf32, #tpu.memory_space<hbm>>) target(%dma_start3A_230 : memref<32x128xf32, #tpu.memory_space<vmem>>) offsets(%dma_start3A_233 : memref<32xi32, #tpu.memory_space<vmem>>) semaphore(%arg12 : memref<!tpu.dma_semaphore, #tpu.memory_space<semaphore_mem>>)
    %dma_start3A_237 = arith.constant 0 : i32
    %dma_start3A_238 = arith.constant 0 : i32
    %dma_start3A_239 = arith.constant 96 : i32
    %dma_start3A_240 = arith.constant 0 : i32
    %dma_start3A_241 = tpu.memref_slice %arg10[%dma_start3A_238, %dma_start3A_239, %dma_start3A_240] : memref<2x128x128xf32, #tpu.memory_space<vmem>> -> memref<1x32x128xf32, #tpu.memory_space<vmem>>
    %dma_start3A_242 = tpu.memref_squeeze %dma_start3A_241 : memref<1x32x128xf32, #tpu.memory_space<vmem>> -> memref<32x128xf32, #tpu.memory_space<vmem>>
    %dma_start3A_243 = arith.constant 96 : i32
    %dma_start3A_244 = tpu.memref_slice %arg8[%dma_start3A_237, %dma_start3A_243] : memref<40x128xi32, #tpu.memory_space<vmem>> -> memref<1x32xi32, #tpu.memory_space<vmem>>
    %dma_start3A_245 = tpu.memref_squeeze %dma_start3A_244 : memref<1x32xi32, #tpu.memory_space<vmem>> -> memref<32xi32, #tpu.memory_space<vmem>>
    %dma_start3A_246 = arith.constant 0 : i32
    %dma_start3A_247 = arith.constant 0 : i32
    %dma_start3A_248 = tpu.memref_slice %arg3[%dma_start3A_246, %dma_start3A_247] : memref<20480x128xf32, #tpu.memory_space<hbm>> -> memref<20480x128xf32, #tpu.memory_space<hbm>>
    tpu.enqueue_indirect_dma source(%dma_start3A_248 : memref<20480x128xf32, #tpu.memory_space<hbm>>) target(%dma_start3A_242 : memref<32x128xf32, #tpu.memory_space<vmem>>) offsets(%dma_start3A_245 : memref<32xi32, #tpu.memory_space<vmem>>) semaphore(%arg12 : memref<!tpu.dma_semaphore, #tpu.memory_space<semaphore_mem>>)
    %scan3A_249 = arith.constant 0 : i32
    %scan3A_250 = arith.constant 40 : i32
    %scan3A_251 = arith.addi %scan3A_249, %scan3A_250 : i32
    %scan3A_252 = arith.constant 1 : i32
    scf.for %scan3A_272 = %scan3A_249 to %scan3A_251 step %scan3A_252  : i32 {
      %rem3A = arith.constant 2 : i32
      %rem3A_273 = arith.remsi %scan3A_272, %rem3A : i32
      %add3A = arith.constant 1 : i32
      %add3A_274 = arith.addi %scan3A_272, %add3A : i32
      %rem3A_275 = arith.constant 2 : i32
      %rem3A_276 = arith.remsi %add3A_274, %rem3A_275 : i32
      %gt3A = arith.constant 0 : i32
      %gt3A_277 = arith.cmpi sgt, %scan3A_272, %gt3A : i32
      %convert_element_type3A = arith.extui %gt3A_277 : i1 to i32
      %cond3A = arith.constant 0 : i32
      %cond3A_278 = arith.cmpi ne, %convert_element_type3A, %cond3A : i32
      scf.if %cond3A_278 {
        %sub3A = arith.constant 1 : i32
        %sub3A_305 = arith.subi %scan3A_272, %sub3A : i32
        %dma_wait3A_306 = arith.constant 0 : i32
        %dma_wait3A_307 = arith.constant 0 : i32
        %dma_wait3A_308 = tpu.memref_slice %arg10[%rem3A_276, %dma_wait3A_306, %dma_wait3A_307] : memref<2x128x128xf32, #tpu.memory_space<vmem>> -> memref<1x128x128xf32, #tpu.memory_space<vmem>>
        %dma_wait3A_309 = tpu.memref_squeeze %dma_wait3A_308 : memref<1x128x128xf32, #tpu.memory_space<vmem>> -> memref<128x128xf32, #tpu.memory_space<vmem>>
        %dma_wait3A_310 = arith.constant 0 : i32
        %dma_wait3A_311 = tpu.memref_slice %arg9[%sub3A_305, %dma_wait3A_310] : memref<40x128xi32, #tpu.memory_space<vmem>> -> memref<1x128xi32, #tpu.memory_space<vmem>>
        %dma_wait3A_312 = tpu.memref_squeeze %dma_wait3A_311 : memref<1x128xi32, #tpu.memory_space<vmem>> -> memref<128xi32, #tpu.memory_space<vmem>>
        %dma_wait3A_313 = arith.constant 0 : i32
        %dma_wait3A_314 = arith.constant 0 : i32
        %dma_wait3A_315 = tpu.memref_slice %arg11[%dma_wait3A_313, %dma_wait3A_314] : memref<10240x128xf32, #tpu.memory_space<vmem_shared>> -> memref<10240x128xf32, #tpu.memory_space<vmem_shared>>
        tpu.wait_indirect_dma semaphore(%arg13 : memref<!tpu.dma_semaphore, #tpu.memory_space<semaphore_mem>>) src(%dma_wait3A_309 : memref<128x128xf32, #tpu.memory_space<vmem>>) dst(%dma_wait3A_315 : memref<10240x128xf32, #tpu.memory_space<vmem_shared>>)
      } else {
      }
      %add3A_279 = arith.constant 1 : i32
      %add3A_280 = arith.addi %scan3A_272, %add3A_279 : i32
      %lt3A = arith.constant 40 : i32
      %lt3A_281 = arith.cmpi slt, %add3A_280, %lt3A : i32
      %convert_element_type3A_282 = arith.extui %lt3A_281 : i1 to i32
      %cond3A_283 = arith.constant 0 : i32
      %cond3A_284 = arith.cmpi ne, %convert_element_type3A_282, %cond3A_283 : i32
      scf.if %cond3A_284 {
        %add3A_305 = arith.constant 1 : i32
        %add3A_306 = arith.addi %scan3A_272, %add3A_305 : i32
        %dma_start3A_307 = arith.constant 0 : i32
        %dma_start3A_308 = arith.constant 0 : i32
        %dma_start3A_309 = tpu.memref_slice %arg10[%rem3A_276, %dma_start3A_307, %dma_start3A_308] : memref<2x128x128xf32, #tpu.memory_space<vmem>> -> memref<1x32x128xf32, #tpu.memory_space<vmem>>
        %dma_start3A_310 = tpu.memref_squeeze %dma_start3A_309 : memref<1x32x128xf32, #tpu.memory_space<vmem>> -> memref<32x128xf32, #tpu.memory_space<vmem>>
        %dma_start3A_311 = arith.constant 0 : i32
        %dma_start3A_312 = tpu.memref_slice %arg8[%add3A_306, %dma_start3A_311] : memref<40x128xi32, #tpu.memory_space<vmem>> -> memref<1x32xi32, #tpu.memory_space<vmem>>
        %dma_start3A_313 = tpu.memref_squeeze %dma_start3A_312 : memref<1x32xi32, #tpu.memory_space<vmem>> -> memref<32xi32, #tpu.memory_space<vmem>>
        %dma_start3A_314 = arith.constant 0 : i32
        %dma_start3A_315 = arith.constant 0 : i32
        %dma_start3A_316 = tpu.memref_slice %arg3[%dma_start3A_314, %dma_start3A_315] : memref<20480x128xf32, #tpu.memory_space<hbm>> -> memref<20480x128xf32, #tpu.memory_space<hbm>>
        tpu.enqueue_indirect_dma source(%dma_start3A_316 : memref<20480x128xf32, #tpu.memory_space<hbm>>) target(%dma_start3A_310 : memref<32x128xf32, #tpu.memory_space<vmem>>) offsets(%dma_start3A_313 : memref<32xi32, #tpu.memory_space<vmem>>) semaphore(%arg12 : memref<!tpu.dma_semaphore, #tpu.memory_space<semaphore_mem>>)
        %add3A_317 = arith.constant 1 : i32
        %add3A_318 = arith.addi %scan3A_272, %add3A_317 : i32
        %dma_start3A_319 = arith.constant 32 : i32
        %dma_start3A_320 = arith.constant 0 : i32
        %dma_start3A_321 = tpu.memref_slice %arg10[%rem3A_276, %dma_start3A_319, %dma_start3A_320] : memref<2x128x128xf32, #tpu.memory_space<vmem>> -> memref<1x32x128xf32, #tpu.memory_space<vmem>>
        %dma_start3A_322 = tpu.memref_squeeze %dma_start3A_321 : memref<1x32x128xf32, #tpu.memory_space<vmem>> -> memref<32x128xf32, #tpu.memory_space<vmem>>
        %dma_start3A_323 = arith.constant 32 : i32
        %dma_start3A_324 = tpu.memref_slice %arg8[%add3A_318, %dma_start3A_323] : memref<40x128xi32, #tpu.memory_space<vmem>> -> memref<1x32xi32, #tpu.memory_space<vmem>>
        %dma_start3A_325 = tpu.memref_squeeze %dma_start3A_324 : memref<1x32xi32, #tpu.memory_space<vmem>> -> memref<32xi32, #tpu.memory_space<vmem>>
        %dma_start3A_326 = arith.constant 0 : i32
        %dma_start3A_327 = arith.constant 0 : i32
        %dma_start3A_328 = tpu.memref_slice %arg3[%dma_start3A_326, %dma_start3A_327] : memref<20480x128xf32, #tpu.memory_space<hbm>> -> memref<20480x128xf32, #tpu.memory_space<hbm>>
        tpu.enqueue_indirect_dma source(%dma_start3A_328 : memref<20480x128xf32, #tpu.memory_space<hbm>>) target(%dma_start3A_322 : memref<32x128xf32, #tpu.memory_space<vmem>>) offsets(%dma_start3A_325 : memref<32xi32, #tpu.memory_space<vmem>>) semaphore(%arg12 : memref<!tpu.dma_semaphore, #tpu.memory_space<semaphore_mem>>)
        %add3A_329 = arith.constant 1 : i32
        %add3A_330 = arith.addi %scan3A_272, %add3A_329 : i32
        %dma_start3A_331 = arith.constant 64 : i32
        %dma_start3A_332 = arith.constant 0 : i32
        %dma_start3A_333 = tpu.memref_slice %arg10[%rem3A_276, %dma_start3A_331, %dma_start3A_332] : memref<2x128x128xf32, #tpu.memory_space<vmem>> -> memref<1x32x128xf32, #tpu.memory_space<vmem>>
        %dma_start3A_334 = tpu.memref_squeeze %dma_start3A_333 : memref<1x32x128xf32, #tpu.memory_space<vmem>> -> memref<32x128xf32, #tpu.memory_space<vmem>>
        %dma_start3A_335 = arith.constant 64 : i32
        %dma_start3A_336 = tpu.memref_slice %arg8[%add3A_330, %dma_start3A_335] : memref<40x128xi32, #tpu.memory_space<vmem>> -> memref<1x32xi32, #tpu.memory_space<vmem>>
        %dma_start3A_337 = tpu.memref_squeeze %dma_start3A_336 : memref<1x32xi32, #tpu.memory_space<vmem>> -> memref<32xi32, #tpu.memory_space<vmem>>
        %dma_start3A_338 = arith.constant 0 : i32
        %dma_start3A_339 = arith.constant 0 : i32
        %dma_start3A_340 = tpu.memref_slice %arg3[%dma_start3A_338, %dma_start3A_339] : memref<20480x128xf32, #tpu.memory_space<hbm>> -> memref<20480x128xf32, #tpu.memory_space<hbm>>
        tpu.enqueue_indirect_dma source(%dma_start3A_340 : memref<20480x128xf32, #tpu.memory_space<hbm>>) target(%dma_start3A_334 : memref<32x128xf32, #tpu.memory_space<vmem>>) offsets(%dma_start3A_337 : memref<32xi32, #tpu.memory_space<vmem>>) semaphore(%arg12 : memref<!tpu.dma_semaphore, #tpu.memory_space<semaphore_mem>>)
        %add3A_341 = arith.constant 1 : i32
        %add3A_342 = arith.addi %scan3A_272, %add3A_341 : i32
        %dma_start3A_343 = arith.constant 96 : i32
        %dma_start3A_344 = arith.constant 0 : i32
        %dma_start3A_345 = tpu.memref_slice %arg10[%rem3A_276, %dma_start3A_343, %dma_start3A_344] : memref<2x128x128xf32, #tpu.memory_space<vmem>> -> memref<1x32x128xf32, #tpu.memory_space<vmem>>
        %dma_start3A_346 = tpu.memref_squeeze %dma_start3A_345 : memref<1x32x128xf32, #tpu.memory_space<vmem>> -> memref<32x128xf32, #tpu.memory_space<vmem>>
        %dma_start3A_347 = arith.constant 96 : i32
        %dma_start3A_348 = tpu.memref_slice %arg8[%add3A_342, %dma_start3A_347] : memref<40x128xi32, #tpu.memory_space<vmem>> -> memref<1x32xi32, #tpu.memory_space<vmem>>
        %dma_start3A_349 = tpu.memref_squeeze %dma_start3A_348 : memref<1x32xi32, #tpu.memory_space<vmem>> -> memref<32xi32, #tpu.memory_space<vmem>>
        %dma_start3A_350 = arith.constant 0 : i32
        %dma_start3A_351 = arith.constant 0 : i32
        %dma_start3A_352 = tpu.memref_slice %arg3[%dma_start3A_350, %dma_start3A_351] : memref<20480x128xf32, #tpu.memory_space<hbm>> -> memref<20480x128xf32, #tpu.memory_space<hbm>>
        tpu.enqueue_indirect_dma source(%dma_start3A_352 : memref<20480x128xf32, #tpu.memory_space<hbm>>) target(%dma_start3A_346 : memref<32x128xf32, #tpu.memory_space<vmem>>) offsets(%dma_start3A_349 : memref<32xi32, #tpu.memory_space<vmem>>) semaphore(%arg12 : memref<!tpu.dma_semaphore, #tpu.memory_space<semaphore_mem>>)
      } else {
      }
      %dma_wait3A_285 = arith.constant 0 : i32
      %dma_wait3A_286 = arith.constant 0 : i32
      %dma_wait3A_287 = tpu.memref_slice %arg10[%rem3A_273, %dma_wait3A_285, %dma_wait3A_286] : memref<2x128x128xf32, #tpu.memory_space<vmem>> -> memref<1x128x128xf32, #tpu.memory_space<vmem>>
      %dma_wait3A_288 = tpu.memref_squeeze %dma_wait3A_287 : memref<1x128x128xf32, #tpu.memory_space<vmem>> -> memref<128x128xf32, #tpu.memory_space<vmem>>
      %dma_wait3A_289 = arith.constant 0 : i32
      %dma_wait3A_290 = tpu.memref_slice %arg8[%scan3A_272, %dma_wait3A_289] : memref<40x128xi32, #tpu.memory_space<vmem>> -> memref<1x128xi32, #tpu.memory_space<vmem>>
      %dma_wait3A_291 = tpu.memref_squeeze %dma_wait3A_290 : memref<1x128xi32, #tpu.memory_space<vmem>> -> memref<128xi32, #tpu.memory_space<vmem>>
      %dma_wait3A_292 = arith.constant 0 : i32
      %dma_wait3A_293 = arith.constant 0 : i32
      %dma_wait3A_294 = tpu.memref_slice %arg3[%dma_wait3A_292, %dma_wait3A_293] : memref<20480x128xf32, #tpu.memory_space<hbm>> -> memref<20480x128xf32, #tpu.memory_space<hbm>>
      tpu.wait_indirect_dma semaphore(%arg12 : memref<!tpu.dma_semaphore, #tpu.memory_space<semaphore_mem>>) src(%dma_wait3A_294 : memref<20480x128xf32, #tpu.memory_space<hbm>>) dst(%dma_wait3A_288 : memref<128x128xf32, #tpu.memory_space<vmem>>)
      %dma_start3A_295 = arith.constant 0 : i32
      %dma_start3A_296 = arith.constant 0 : i32
      %dma_start3A_297 = tpu.memref_slice %arg10[%rem3A_273, %dma_start3A_295, %dma_start3A_296] : memref<2x128x128xf32, #tpu.memory_space<vmem>> -> memref<1x128x128xf32, #tpu.memory_space<vmem>>
      %dma_start3A_298 = tpu.memref_squeeze %dma_start3A_297 : memref<1x128x128xf32, #tpu.memory_space<vmem>> -> memref<128x128xf32, #tpu.memory_space<vmem>>
      %dma_start3A_299 = arith.constant 0 : i32
      %dma_start3A_300 = tpu.memref_slice %arg9[%scan3A_272, %dma_start3A_299] : memref<40x128xi32, #tpu.memory_space<vmem>> -> memref<1x128xi32, #tpu.memory_space<vmem>>
      %dma_start3A_301 = tpu.memref_squeeze %dma_start3A_300 : memref<1x128xi32, #tpu.memory_space<vmem>> -> memref<128xi32, #tpu.memory_space<vmem>>
      %dma_start3A_302 = arith.constant 0 : i32
      %dma_start3A_303 = arith.constant 0 : i32
      %dma_start3A_304 = tpu.memref_slice %arg11[%dma_start3A_302, %dma_start3A_303] : memref<10240x128xf32, #tpu.memory_space<vmem_shared>> -> memref<10240x128xf32, #tpu.memory_space<vmem_shared>>
      tpu.enqueue_indirect_dma source(%dma_start3A_298 : memref<128x128xf32, #tpu.memory_space<vmem>>) target(%dma_start3A_304 : memref<10240x128xf32, #tpu.memory_space<vmem_shared>>) offsets(%dma_start3A_301 : memref<128xi32, #tpu.memory_space<vmem>>) semaphore(%arg13 : memref<!tpu.dma_semaphore, #tpu.memory_space<semaphore_mem>>) {add = true}
    }
    %scan3A_253 = arith.constant 40 : i32
    %dma_wait3A_254 = arith.constant 1 : i32
    %dma_wait3A_255 = arith.constant 39 : i32
    %dma_wait3A_256 = arith.constant 0 : i32
    %dma_wait3A_257 = arith.constant 0 : i32
    %dma_wait3A_258 = tpu.memref_slice %arg10[%dma_wait3A_254, %dma_wait3A_256, %dma_wait3A_257] : memref<2x128x128xf32, #tpu.memory_space<vmem>> -> memref<1x128x128xf32, #tpu.memory_space<vmem>>
    %dma_wait3A_259 = tpu.memref_squeeze %dma_wait3A_258 : memref<1x128x128xf32, #tpu.memory_space<vmem>> -> memref<128x128xf32, #tpu.memory_space<vmem>>
    %dma_wait3A_260 = arith.constant 0 : i32
    %dma_wait3A_261 = tpu.memref_slice %arg9[%dma_wait3A_255, %dma_wait3A_260] : memref<40x128xi32, #tpu.memory_space<vmem>> -> memref<1x128xi32, #tpu.memory_space<vmem>>
    %dma_wait3A_262 = tpu.memref_squeeze %dma_wait3A_261 : memref<1x128xi32, #tpu.memory_space<vmem>> -> memref<128xi32, #tpu.memory_space<vmem>>
    %dma_wait3A_263 = arith.constant 0 : i32
    %dma_wait3A_264 = arith.constant 0 : i32
    %dma_wait3A_265 = tpu.memref_slice %arg11[%dma_wait3A_263, %dma_wait3A_264] : memref<10240x128xf32, #tpu.memory_space<vmem_shared>> -> memref<10240x128xf32, #tpu.memory_space<vmem_shared>>
    tpu.wait_indirect_dma semaphore(%arg13 : memref<!tpu.dma_semaphore, #tpu.memory_space<semaphore_mem>>) src(%dma_wait3A_259 : memref<128x128xf32, #tpu.memory_space<vmem>>) dst(%dma_wait3A_265 : memref<10240x128xf32, #tpu.memory_space<vmem_shared>>)
    %barrier3A_266 = arith.constant 0 : index
    tpu.barrier barrier_id(%barrier3A_266)
    %mul3A_267 = arith.constant 640 : i32
    %mul3A_268 = arith.muli %arg1, %mul3A_267 : i32
    %mul3A_269 = arith.constant 640 : i32
    %mul3A_270 = arith.muli %arg1, %mul3A_269 : i32
    %run_scoped3A_271 = arith.constant 1 : i32
    "tpu.region"() ({
      %run_scoped3A_272 = tpu.sem_alloc : memref<!tpu.dma_semaphore, #tpu.memory_space<semaphore_mem>>
      %dma_start3A_273 = arith.constant 0 : i32
      %dma_start3A_274 = tpu.memref_slice %arg7[%run_scoped3A_271, %arg0, %mul3A_270, %dma_start3A_273] : memref<2x2x10240x128xf32, #tpu.memory_space<hbm>> -> memref<1x1x640x128xf32, #tpu.memory_space<hbm>>
      %dma_start3A_275 = tpu.memref_squeeze %dma_start3A_274 : memref<1x1x640x128xf32, #tpu.memory_space<hbm>> -> memref<640x128xf32, #tpu.memory_space<hbm>>
      %dma_start3A_276 = arith.constant 0 : i32
      %dma_start3A_277 = tpu.memref_slice %arg11[%mul3A_268, %dma_start3A_276] : memref<10240x128xf32, #tpu.memory_space<vmem_shared>> -> memref<640x128xf32, #tpu.memory_space<vmem_shared>>
      tpu.enqueue_dma source(%dma_start3A_277 : memref<640x128xf32, #tpu.memory_space<vmem_shared>>) target(%dma_start3A_275 : memref<640x128xf32, #tpu.memory_space<hbm>>) target_semaphore(%run_scoped3A_272 : memref<!tpu.dma_semaphore, #tpu.memory_space<semaphore_mem>>)
      %dma_wait3A_278 = arith.constant 0 : i32
      %dma_wait3A_279 = tpu.memref_slice %arg7[%run_scoped3A_271, %arg0, %mul3A_270, %dma_wait3A_278] : memref<2x2x10240x128xf32, #tpu.memory_space<hbm>> -> memref<1x1x640x128xf32, #tpu.memory_space<hbm>>
      %dma_wait3A_280 = tpu.memref_squeeze %dma_wait3A_279 : memref<1x1x640x128xf32, #tpu.memory_space<hbm>> -> memref<640x128xf32, #tpu.memory_space<hbm>>
      %dma_wait3A_281 = arith.constant 0 : i32
      %dma_wait3A_282 = tpu.memref_slice %arg11[%mul3A_268, %dma_wait3A_281] : memref<10240x128xf32, #tpu.memory_space<vmem_shared>> -> memref<640x128xf32, #tpu.memory_space<vmem_shared>>
      tpu.wait_dma2 semaphore(%run_scoped3A_272 : memref<!tpu.dma_semaphore, #tpu.memory_space<semaphore_mem>>) src(%dma_wait3A_282 : memref<640x128xf32, #tpu.memory_space<vmem_shared>>) dst(%dma_wait3A_280 : memref<640x128xf32, #tpu.memory_space<hbm>>)
      tpu.yield
    }) : () -> ()
    return
  }
}

module attributes {stable_mosaic.version = 14 : i64} {
  func.func @_pre_body(%arg0: i32, %arg1: memref<1024x256xf32, #tpu.memory_space<vmem>>, %arg2: memref<1024x1xf32, #tpu.memory_space<vmem>>, %arg3: memref<2x1024x128xf32, #tpu.memory_space<vmem>>) attributes {dimension_semantics = [#tpu.dimension_semantics<arbitrary>], iteration_bounds = array<i64: 10>, scalar_prefetch = 0 : i64, scratch_operands = 0 : i64, tpu.core_type = #tpu.core_type<tc>, window_params = [{transform_indices = @transform_0, window_bounds = array<i64: 1024, 256>}, {transform_indices = @transform_1, window_bounds = array<i64: 1024, 1>}, {transform_indices = @transform_2, window_bounds = array<i64: 2, 1024, 128>}]} {
    %get3A = arith.constant 0 : index
    %get3A_0 = arith.constant 0 : index
    %get3A_1 = vector.load %arg1[%get3A, %get3A_0] : memref<1024x256xf32, #tpu.memory_space<vmem>>, vector<1024x256xf32>
    %get3A_2 = arith.constant 0 : index
    %get3A_3 = arith.constant 0 : index
    %get3A_4 = vector.load %arg2[%get3A_2, %get3A_3] : memref<1024x1xf32, #tpu.memory_space<vmem>>, vector<1024x1xf32>
    %max3A = arith.constant 1.000000e+00 : f32
    %max3A_5 = vector.broadcast %max3A : f32 to vector<1024x1xf32>
    %max3A_6 = arith.maximumf %get3A_4, %max3A_5 : vector<1024x1xf32>
    %rsqrt3A = math.rsqrt %max3A_6 : vector<1024x1xf32>
    %mul3A = vector.broadcast %rsqrt3A : vector<1024x1xf32> to vector<1024x256xf32>
    %mul3A_7 = arith.mulf %get3A_1, %mul3A : vector<1024x256xf32>
    %slice3A = vector.extract_strided_slice %mul3A_7 {offsets = [0, 0], sizes = [1024, 128], strides = [1, 1]} : vector<1024x256xf32> to vector<1024x128xf32>
    %swap3A = arith.constant 0 : index
    %swap3A_8 = arith.constant 0 : index
    %swap3A_9 = arith.constant 0 : index
    %swap3A_10 = vector.load %arg3[%swap3A, %swap3A_8, %swap3A_9] : memref<2x1024x128xf32, #tpu.memory_space<vmem>>, vector<1x1024x128xf32>
    %swap3A_11 = vector.shape_cast %swap3A_10 : vector<1x1024x128xf32> to vector<1024x128xf32>
    %swap3A_12 = vector.shape_cast %slice3A : vector<1024x128xf32> to vector<1x1024x128xf32>
    tpu.vector_store %arg3[%swap3A, %swap3A_8, %swap3A_9], %swap3A_12 {strides = array<i32>} : memref<2x1024x128xf32, #tpu.memory_space<vmem>>, vector<1x1024x128xf32>,
    %slice3A_13 = vector.extract_strided_slice %mul3A_7 {offsets = [0, 128], sizes = [1024, 128], strides = [1, 1]} : vector<1024x256xf32> to vector<1024x128xf32>
    %swap3A_14 = arith.constant 1 : index
    %swap3A_15 = arith.constant 0 : index
    %swap3A_16 = arith.constant 0 : index
    %swap3A_17 = vector.load %arg3[%swap3A_14, %swap3A_15, %swap3A_16] : memref<2x1024x128xf32, #tpu.memory_space<vmem>>, vector<1x1024x128xf32>
    %swap3A_18 = vector.shape_cast %swap3A_17 : vector<1x1024x128xf32> to vector<1024x128xf32>
    %swap3A_19 = vector.shape_cast %slice3A_13 : vector<1024x128xf32> to vector<1x1024x128xf32>
    tpu.vector_store %arg3[%swap3A_14, %swap3A_15, %swap3A_16], %swap3A_19 {strides = array<i32>} : memref<2x1024x128xf32, #tpu.memory_space<vmem>>, vector<1x1024x128xf32>,
    return
  }
  func.func @transform_0(%arg0: i32) -> (i32, i32) {
    %c0_i32 = arith.constant 0 : i32
    %c0_i32_0 = arith.constant 0 : i32
    return %arg0, %c0_i32 : i32, i32
  }
  func.func @transform_1(%arg0: i32) -> (i32, i32) {
    %c0_i32 = arith.constant 0 : i32
    %c0_i32_0 = arith.constant 0 : i32
    return %arg0, %c0_i32 : i32, i32
  }
  func.func @transform_2(%arg0: i32) -> (i32, i32, i32) {
    %c0_i32 = arith.constant 0 : i32
    %c0_i32_0 = arith.constant 0 : i32
    %c0_i32_1 = arith.constant 0 : i32
    return %c0_i32, %arg0, %c0_i32_0 : i32, i32, i32
  }
}

module attributes {stable_mosaic.version = 14 : i64} {
  func.func @_mm1_body(%arg0: i32, %arg1: memref<2x1024x128xf32, #tpu.memory_space<vmem>>, %arg2: memref<1024x1xf32, #tpu.memory_space<vmem>>, %arg3: memref<1024x1xf32, #tpu.memory_space<vmem>>, %arg4: memref<256x512xf32, #tpu.memory_space<vmem>>, %arg5: memref<1x512xf32, #tpu.memory_space<vmem>>, %arg6: memref<4x1024x128xf32, #tpu.memory_space<vmem>>) attributes {dimension_semantics = [#tpu.dimension_semantics<arbitrary>], iteration_bounds = array<i64: 10>, scalar_prefetch = 0 : i64, scratch_operands = 0 : i64, tpu.core_type = #tpu.core_type<tc>, window_params = [{transform_indices = @transform_0, window_bounds = array<i64: 2, 1024, 128>}, {transform_indices = @transform_1, window_bounds = array<i64: 1024, 1>}, {transform_indices = @transform_2, window_bounds = array<i64: 1024, 1>}, {pipeline_mode = #tpu.pipeline_mode<synchronous>, transform_indices = @transform_3, window_bounds = array<i64: 256, 512>}, {pipeline_mode = #tpu.pipeline_mode<synchronous>, transform_indices = @transform_4, window_bounds = array<i64: 1, 512>}, {transform_indices = @transform_5, window_bounds = array<i64: 4, 1024, 128>}]} {
    %get3A = arith.constant 0 : index
    %get3A_0 = arith.constant 0 : index
    %get3A_1 = arith.constant 0 : index
    %get3A_2 = vector.load %arg1[%get3A, %get3A_0, %get3A_1] : memref<2x1024x128xf32, #tpu.memory_space<vmem>>, vector<1x1024x128xf32>
    %get3A_3 = vector.shape_cast %get3A_2 : vector<1x1024x128xf32> to vector<1024x128xf32>
    %get3A_4 = arith.constant 1 : index
    %get3A_5 = arith.constant 0 : index
    %get3A_6 = arith.constant 0 : index
    %get3A_7 = vector.load %arg1[%get3A_4, %get3A_5, %get3A_6] : memref<2x1024x128xf32, #tpu.memory_space<vmem>>, vector<1x1024x128xf32>
    %get3A_8 = vector.shape_cast %get3A_7 : vector<1x1024x128xf32> to vector<1024x128xf32>
    %concatenate3A = tpu.concatenate %get3A_3, %get3A_8 in 1 : vector<1024x128xf32>, vector<1024x128xf32> -> vector<1024x256xf32>
    %get3A_9 = arith.constant 0 : index
    %get3A_10 = arith.constant 0 : index
    %get3A_11 = vector.load %arg2[%get3A_9, %get3A_10] : memref<1024x1xf32, #tpu.memory_space<vmem>>, vector<1024x1xf32>
    %max3A = arith.constant 1.000000e+00 : f32
    %max3A_12 = vector.broadcast %max3A : f32 to vector<1024x1xf32>
    %max3A_13 = arith.maximumf %get3A_11, %max3A_12 : vector<1024x1xf32>
    %rsqrt3A = math.rsqrt %max3A_13 : vector<1024x1xf32>
    %mul3A = vector.broadcast %rsqrt3A : vector<1024x1xf32> to vector<1024x256xf32>
    %mul3A_14 = arith.mulf %concatenate3A, %mul3A : vector<1024x256xf32>
    %get3A_15 = arith.constant 0 : index
    %get3A_16 = arith.constant 0 : index
    %get3A_17 = vector.load %arg4[%get3A_15, %get3A_16] : memref<256x512xf32, #tpu.memory_space<vmem>>, vector<256x512xf32>
    %dot_general3A = arith.constant dense<0.000000e+00> : vector<1024x512xf32>
    %dot_general3A_18 = tpu.matmul %mul3A_14, %get3A_17, %dot_general3A {dimension_numbers = #tpu.dot_dimension_numbers<[1], [0], [0], [1], [0, 0, 1, 1], [], []>, transpose_lhs_hint = false} : vector<1024x256xf32>, vector<256x512xf32>, vector<1024x512xf32> -> vector<1024x512xf32>
    %get3A_19 = arith.constant 0 : index
    %get3A_20 = arith.constant 0 : index
    %get3A_21 = vector.load %arg5[%get3A_19, %get3A_20] : memref<1x512xf32, #tpu.memory_space<vmem>>, vector<1x512xf32>
    %add3A = vector.broadcast %get3A_21 : vector<1x512xf32> to vector<1024x512xf32>
    %add3A_22 = arith.addf %dot_general3A_18, %add3A : vector<1024x512xf32>
    %max3A_23 = arith.constant 0.000000e+00 : f32
    %max3A_24 = vector.broadcast %max3A_23 : f32 to vector<1024x512xf32>
    %max3A_25 = arith.maximumf %add3A_22, %max3A_24 : vector<1024x512xf32>
    %get3A_26 = arith.constant 0 : index
    %get3A_27 = arith.constant 0 : index
    %get3A_28 = vector.load %arg3[%get3A_26, %get3A_27] : memref<1024x1xf32, #tpu.memory_space<vmem>>, vector<1024x1xf32>
    %max3A_29 = arith.constant 1.000000e+00 : f32
    %max3A_30 = vector.broadcast %max3A_29 : f32 to vector<1024x1xf32>
    %max3A_31 = arith.maximumf %get3A_28, %max3A_30 : vector<1024x1xf32>
    %rsqrt3A_32 = math.rsqrt %max3A_31 : vector<1024x1xf32>
    %mul3A_33 = vector.broadcast %rsqrt3A_32 : vector<1024x1xf32> to vector<1024x512xf32>
    %mul3A_34 = arith.mulf %max3A_25, %mul3A_33 : vector<1024x512xf32>
    %slice3A = vector.extract_strided_slice %mul3A_34 {offsets = [0, 0], sizes = [1024, 128], strides = [1, 1]} : vector<1024x512xf32> to vector<1024x128xf32>
    %swap3A = arith.constant 0 : index
    %swap3A_35 = arith.constant 0 : index
    %swap3A_36 = arith.constant 0 : index
    %swap3A_37 = vector.load %arg6[%swap3A, %swap3A_35, %swap3A_36] : memref<4x1024x128xf32, #tpu.memory_space<vmem>>, vector<1x1024x128xf32>
    %swap3A_38 = vector.shape_cast %swap3A_37 : vector<1x1024x128xf32> to vector<1024x128xf32>
    %swap3A_39 = vector.shape_cast %slice3A : vector<1024x128xf32> to vector<1x1024x128xf32>
    tpu.vector_store %arg6[%swap3A, %swap3A_35, %swap3A_36], %swap3A_39 {strides = array<i32>} : memref<4x1024x128xf32, #tpu.memory_space<vmem>>, vector<1x1024x128xf32>,
    %slice3A_40 = vector.extract_strided_slice %mul3A_34 {offsets = [0, 128], sizes = [1024, 128], strides = [1, 1]} : vector<1024x512xf32> to vector<1024x128xf32>
    %swap3A_41 = arith.constant 1 : index
    %swap3A_42 = arith.constant 0 : index
    %swap3A_43 = arith.constant 0 : index
    %swap3A_44 = vector.load %arg6[%swap3A_41, %swap3A_42, %swap3A_43] : memref<4x1024x128xf32, #tpu.memory_space<vmem>>, vector<1x1024x128xf32>
    %swap3A_45 = vector.shape_cast %swap3A_44 : vector<1x1024x128xf32> to vector<1024x128xf32>
    %swap3A_46 = vector.shape_cast %slice3A_40 : vector<1024x128xf32> to vector<1x1024x128xf32>
    tpu.vector_store %arg6[%swap3A_41, %swap3A_42, %swap3A_43], %swap3A_46 {strides = array<i32>} : memref<4x1024x128xf32, #tpu.memory_space<vmem>>, vector<1x1024x128xf32>,
    %slice3A_47 = vector.extract_strided_slice %mul3A_34 {offsets = [0, 256], sizes = [1024, 128], strides = [1, 1]} : vector<1024x512xf32> to vector<1024x128xf32>
    %swap3A_48 = arith.constant 2 : index
    %swap3A_49 = arith.constant 0 : index
    %swap3A_50 = arith.constant 0 : index
    %swap3A_51 = vector.load %arg6[%swap3A_48, %swap3A_49, %swap3A_50] : memref<4x1024x128xf32, #tpu.memory_space<vmem>>, vector<1x1024x128xf32>
    %swap3A_52 = vector.shape_cast %swap3A_51 : vector<1x1024x128xf32> to vector<1024x128xf32>
    %swap3A_53 = vector.shape_cast %slice3A_47 : vector<1024x128xf32> to vector<1x1024x128xf32>
    tpu.vector_store %arg6[%swap3A_48, %swap3A_49, %swap3A_50], %swap3A_53 {strides = array<i32>} : memref<4x1024x128xf32, #tpu.memory_space<vmem>>, vector<1x1024x128xf32>,
    %slice3A_54 = vector.extract_strided_slice %mul3A_34 {offsets = [0, 384], sizes = [1024, 128], strides = [1, 1]} : vector<1024x512xf32> to vector<1024x128xf32>
    %swap3A_55 = arith.constant 3 : index
    %swap3A_56 = arith.constant 0 : index
    %swap3A_57 = arith.constant 0 : index
    %swap3A_58 = vector.load %arg6[%swap3A_55, %swap3A_56, %swap3A_57] : memref<4x1024x128xf32, #tpu.memory_space<vmem>>, vector<1x1024x128xf32>
    %swap3A_59 = vector.shape_cast %swap3A_58 : vector<1x1024x128xf32> to vector<1024x128xf32>
    %swap3A_60 = vector.shape_cast %slice3A_54 : vector<1024x128xf32> to vector<1x1024x128xf32>
    tpu.vector_store %arg6[%swap3A_55, %swap3A_56, %swap3A_57], %swap3A_60 {strides = array<i32>} : memref<4x1024x128xf32, #tpu.memory_space<vmem>>, vector<1x1024x128xf32>,
    return
  }
  func.func @transform_0(%arg0: i32) -> (i32, i32, i32) {
    %c0_i32 = arith.constant 0 : i32
    %c0_i32_0 = arith.constant 0 : i32
    %c0_i32_1 = arith.constant 0 : i32
    return %c0_i32, %arg0, %c0_i32_0 : i32, i32, i32
  }
  func.func @transform_1(%arg0: i32) -> (i32, i32) {
    %c0_i32 = arith.constant 0 : i32
    %c0_i32_0 = arith.constant 0 : i32
    return %arg0, %c0_i32 : i32, i32
  }
  func.func @transform_2(%arg0: i32) -> (i32, i32) {
    %c0_i32 = arith.constant 0 : i32
    %c0_i32_0 = arith.constant 0 : i32
    return %arg0, %c0_i32 : i32, i32
  }
  func.func @transform_3(%arg0: i32) -> (i32, i32) {
    %c0_i32 = arith.constant 0 : i32
    %c0_i32_0 = arith.constant 0 : i32
    %c0_i32_1 = arith.constant 0 : i32
    return %c0_i32, %c0_i32_0 : i32, i32
  }
  func.func @transform_4(%arg0: i32) -> (i32, i32) {
    %c0_i32 = arith.constant 0 : i32
    %c0_i32_0 = arith.constant 0 : i32
    %c0_i32_1 = arith.constant 0 : i32
    return %c0_i32, %c0_i32_0 : i32, i32
  }
  func.func @transform_5(%arg0: i32) -> (i32, i32, i32) {
    %c0_i32 = arith.constant 0 : i32
    %c0_i32_0 = arith.constant 0 : i32
    %c0_i32_1 = arith.constant 0 : i32
    return %c0_i32, %arg0, %c0_i32_0 : i32, i32, i32
  }
}

module attributes {stable_mosaic.version = 14 : i64} {
  func.func @_mm2_body(%arg0: i32, %arg1: memref<4x1024x128xf32, #tpu.memory_space<vmem>>, %arg2: memref<1024x1xf32, #tpu.memory_space<vmem>>, %arg3: memref<512x512xf32, #tpu.memory_space<vmem>>, %arg4: memref<1x512xf32, #tpu.memory_space<vmem>>, %arg5: memref<512x512xf32, #tpu.memory_space<vmem>>, %arg6: memref<1x512xf32, #tpu.memory_space<vmem>>, %arg7: memref<512x128xf32, #tpu.memory_space<vmem>>, %arg8: memref<1x128xf32, #tpu.memory_space<vmem>>, %arg9: memref<1024x128xf32, #tpu.memory_space<vmem>>) attributes {dimension_semantics = [#tpu.dimension_semantics<arbitrary>], iteration_bounds = array<i64: 10>, scalar_prefetch = 0 : i64, scratch_operands = 0 : i64, tpu.core_type = #tpu.core_type<tc>, window_params = [{transform_indices = @transform_0, window_bounds = array<i64: 4, 1024, 128>}, {transform_indices = @transform_1, window_bounds = array<i64: 1024, 1>}, {pipeline_mode = #tpu.pipeline_mode<synchronous>, transform_indices = @transform_2, window_bounds = array<i64: 512, 512>}, {pipeline_mode = #tpu.pipeline_mode<synchronous>, transform_indices = @transform_3, window_bounds = array<i64: 1, 512>}, {pipeline_mode = #tpu.pipeline_mode<synchronous>, transform_indices = @transform_4, window_bounds = array<i64: 512, 512>}, {pipeline_mode = #tpu.pipeline_mode<synchronous>, transform_indices = @transform_5, window_bounds = array<i64: 1, 512>}, {pipeline_mode = #tpu.pipeline_mode<synchronous>, transform_indices = @transform_6, window_bounds = array<i64: 512, 128>}, {pipeline_mode = #tpu.pipeline_mode<synchronous>, transform_indices = @transform_7, window_bounds = array<i64: 1, 128>}, {transform_indices = @transform_8, window_bounds = array<i64: 1024, 128>}]} {
    %get3A = arith.constant 0 : index
    %get3A_0 = arith.constant 0 : index
    %get3A_1 = arith.constant 0 : index
    %get3A_2 = vector.load %arg1[%get3A, %get3A_0, %get3A_1] : memref<4x1024x128xf32, #tpu.memory_space<vmem>>, vector<1x1024x128xf32>
    %get3A_3 = vector.shape_cast %get3A_2 : vector<1x1024x128xf32> to vector<1024x128xf32>
    %get3A_4 = arith.constant 1 : index
    %get3A_5 = arith.constant 0 : index
    %get3A_6 = arith.constant 0 : index
    %get3A_7 = vector.load %arg1[%get3A_4, %get3A_5, %get3A_6] : memref<4x1024x128xf32, #tpu.memory_space<vmem>>, vector<1x1024x128xf32>
    %get3A_8 = vector.shape_cast %get3A_7 : vector<1x1024x128xf32> to vector<1024x128xf32>
    %get3A_9 = arith.constant 2 : index
    %get3A_10 = arith.constant 0 : index
    %get3A_11 = arith.constant 0 : index
    %get3A_12 = vector.load %arg1[%get3A_9, %get3A_10, %get3A_11] : memref<4x1024x128xf32, #tpu.memory_space<vmem>>, vector<1x1024x128xf32>
    %get3A_13 = vector.shape_cast %get3A_12 : vector<1x1024x128xf32> to vector<1024x128xf32>
    %get3A_14 = arith.constant 3 : index
    %get3A_15 = arith.constant 0 : index
    %get3A_16 = arith.constant 0 : index
    %get3A_17 = vector.load %arg1[%get3A_14, %get3A_15, %get3A_16] : memref<4x1024x128xf32, #tpu.memory_space<vmem>>, vector<1x1024x128xf32>
    %get3A_18 = vector.shape_cast %get3A_17 : vector<1x1024x128xf32> to vector<1024x128xf32>
    %concatenate3A = tpu.concatenate %get3A_3, %get3A_8, %get3A_13, %get3A_18 in 1 : vector<1024x128xf32>, vector<1024x128xf32>, vector<1024x128xf32>, vector<1024x128xf32> -> vector<1024x512xf32>
    %get3A_19 = arith.constant 0 : index
    %get3A_20 = arith.constant 0 : index
    %get3A_21 = vector.load %arg2[%get3A_19, %get3A_20] : memref<1024x1xf32, #tpu.memory_space<vmem>>, vector<1024x1xf32>
    %max3A = arith.constant 1.000000e+00 : f32
    %max3A_22 = vector.broadcast %max3A : f32 to vector<1024x1xf32>
    %max3A_23 = arith.maximumf %get3A_21, %max3A_22 : vector<1024x1xf32>
    %rsqrt3A = math.rsqrt %max3A_23 : vector<1024x1xf32>
    %mul3A = vector.broadcast %rsqrt3A : vector<1024x1xf32> to vector<1024x512xf32>
    %mul3A_24 = arith.mulf %concatenate3A, %mul3A : vector<1024x512xf32>
    %get3A_25 = arith.constant 0 : index
    %get3A_26 = arith.constant 0 : index
    %get3A_27 = vector.load %arg3[%get3A_25, %get3A_26] : memref<512x512xf32, #tpu.memory_space<vmem>>, vector<512x512xf32>
    %dot_general3A = arith.constant dense<0.000000e+00> : vector<1024x512xf32>
    %dot_general3A_28 = tpu.matmul %mul3A_24, %get3A_27, %dot_general3A {dimension_numbers = #tpu.dot_dimension_numbers<[1], [0], [0], [1], [0, 0, 1, 1], [], []>, transpose_lhs_hint = false} : vector<1024x512xf32>, vector<512x512xf32>, vector<1024x512xf32> -> vector<1024x512xf32>
    %get3A_29 = arith.constant 0 : index
    %get3A_30 = arith.constant 0 : index
    %get3A_31 = vector.load %arg4[%get3A_29, %get3A_30] : memref<1x512xf32, #tpu.memory_space<vmem>>, vector<1x512xf32>
    %add3A = vector.broadcast %get3A_31 : vector<1x512xf32> to vector<1024x512xf32>
    %add3A_32 = arith.addf %dot_general3A_28, %add3A : vector<1024x512xf32>
    %max3A_33 = arith.constant 0.000000e+00 : f32
    %max3A_34 = vector.broadcast %max3A_33 : f32 to vector<1024x512xf32>
    %max3A_35 = arith.maximumf %add3A_32, %max3A_34 : vector<1024x512xf32>
    %get3A_36 = arith.constant 0 : index
    %get3A_37 = arith.constant 0 : index
    %get3A_38 = vector.load %arg5[%get3A_36, %get3A_37] : memref<512x512xf32, #tpu.memory_space<vmem>>, vector<512x512xf32>
    %dot_general3A_39 = arith.constant dense<0.000000e+00> : vector<1024x512xf32>
    %dot_general3A_40 = tpu.matmul %max3A_35, %get3A_38, %dot_general3A_39 {dimension_numbers = #tpu.dot_dimension_numbers<[1], [0], [0], [1], [0, 0, 1, 1], [], []>, transpose_lhs_hint = false} : vector<1024x512xf32>, vector<512x512xf32>, vector<1024x512xf32> -> vector<1024x512xf32>
    %get3A_41 = arith.constant 0 : index
    %get3A_42 = arith.constant 0 : index
    %get3A_43 = vector.load %arg6[%get3A_41, %get3A_42] : memref<1x512xf32, #tpu.memory_space<vmem>>, vector<1x512xf32>
    %add3A_44 = vector.broadcast %get3A_43 : vector<1x512xf32> to vector<1024x512xf32>
    %add3A_45 = arith.addf %dot_general3A_40, %add3A_44 : vector<1024x512xf32>
    %max3A_46 = arith.constant 0.000000e+00 : f32
    %max3A_47 = vector.broadcast %max3A_46 : f32 to vector<1024x512xf32>
    %max3A_48 = arith.maximumf %add3A_45, %max3A_47 : vector<1024x512xf32>
    %get3A_49 = arith.constant 0 : index
    %get3A_50 = arith.constant 0 : index
    %get3A_51 = vector.load %arg7[%get3A_49, %get3A_50] : memref<512x128xf32, #tpu.memory_space<vmem>>, vector<512x128xf32>
    %dot_general3A_52 = arith.constant dense<0.000000e+00> : vector<1024x128xf32>
    %dot_general3A_53 = tpu.matmul %max3A_48, %get3A_51, %dot_general3A_52 {dimension_numbers = #tpu.dot_dimension_numbers<[1], [0], [0], [1], [0, 0, 1, 1], [], []>, transpose_lhs_hint = false} : vector<1024x512xf32>, vector<512x128xf32>, vector<1024x128xf32> -> vector<1024x128xf32>
    %get3A_54 = arith.constant 0 : index
    %get3A_55 = arith.constant 0 : index
    %get3A_56 = vector.load %arg8[%get3A_54, %get3A_55] : memref<1x128xf32, #tpu.memory_space<vmem>>, vector<1x128xf32>
    %add3A_57 = vector.broadcast %get3A_56 : vector<1x128xf32> to vector<1024x128xf32>
    %add3A_58 = arith.addf %dot_general3A_53, %add3A_57 : vector<1024x128xf32>
    %swap3A = arith.constant 0 : index
    %swap3A_59 = arith.constant 0 : index
    %swap3A_60 = vector.load %arg9[%swap3A, %swap3A_59] : memref<1024x128xf32, #tpu.memory_space<vmem>>, vector<1024x128xf32>
    tpu.vector_store %arg9[%swap3A, %swap3A_59], %add3A_58 {strides = array<i32>} : memref<1024x128xf32, #tpu.memory_space<vmem>>, vector<1024x128xf32>,
    return
  }
  func.func @transform_0(%arg0: i32) -> (i32, i32, i32) {
    %c0_i32 = arith.constant 0 : i32
    %c0_i32_0 = arith.constant 0 : i32
    %c0_i32_1 = arith.constant 0 : i32
    return %c0_i32, %arg0, %c0_i32_0 : i32, i32, i32
  }
  func.func @transform_1(%arg0: i32) -> (i32, i32) {
    %c0_i32 = arith.constant 0 : i32
    %c0_i32_0 = arith.constant 0 : i32
    return %arg0, %c0_i32 : i32, i32
  }
  func.func @transform_2(%arg0: i32) -> (i32, i32) {
    %c0_i32 = arith.constant 0 : i32
    %c0_i32_0 = arith.constant 0 : i32
    %c0_i32_1 = arith.constant 0 : i32
    return %c0_i32, %c0_i32_0 : i32, i32
  }
  func.func @transform_3(%arg0: i32) -> (i32, i32) {
    %c0_i32 = arith.constant 0 : i32
    %c0_i32_0 = arith.constant 0 : i32
    %c0_i32_1 = arith.constant 0 : i32
    return %c0_i32, %c0_i32_0 : i32, i32
  }
  func.func @transform_4(%arg0: i32) -> (i32, i32) {
    %c0_i32 = arith.constant 0 : i32
    %c0_i32_0 = arith.constant 0 : i32
    %c0_i32_1 = arith.constant 0 : i32
    return %c0_i32, %c0_i32_0 : i32, i32
  }
  func.func @transform_5(%arg0: i32) -> (i32, i32) {
    %c0_i32 = arith.constant 0 : i32
    %c0_i32_0 = arith.constant 0 : i32
    %c0_i32_1 = arith.constant 0 : i32
    return %c0_i32, %c0_i32_0 : i32, i32
  }
  func.func @transform_6(%arg0: i32) -> (i32, i32) {
    %c0_i32 = arith.constant 0 : i32
    %c0_i32_0 = arith.constant 0 : i32
    %c0_i32_1 = arith.constant 0 : i32
    return %c0_i32, %c0_i32_0 : i32, i32
  }
  func.func @transform_7(%arg0: i32) -> (i32, i32) {
    %c0_i32 = arith.constant 0 : i32
    %c0_i32_0 = arith.constant 0 : i32
    %c0_i32_1 = arith.constant 0 : i32
    return %c0_i32, %c0_i32_0 : i32, i32
  }
  func.func @transform_8(%arg0: i32) -> (i32, i32) {
    %c0_i32 = arith.constant 0 : i32
    %c0_i32_0 = arith.constant 0 : i32
    return %arg0, %c0_i32 : i32, i32
  }
}

</mosaic_0001>

<sc_bundles>
// kernel: kernel.11.cloned.1.call-start
scs
__scs_entry_jumppad:
0x0: {  	(pc) =	sbr.rel $0x88, $3  }
0x1: {  	(tag) =	ssettag $0x0;
	lr =	simm.s32 $0x1  }
0x2: {  	[smem:$0x3F97] =	sst lr;
	_ =	strace $0xD0000000  }
0x3: {  	_ = 	snop  }
0x4: {  	_ = 	snop  }
0x5: {  	_ = 	snop  }
0x6: {  	_ = 	snop  }
0x7: {  	_ = 	snop  }
__scs_overlays_trampoline_lowered:
0x8: {  	[smem:$0x3FA6] =	sst s0  }
0x9: {  	[smem:$0x3FA7] =	sst s1  }
0xa: {  	[smem:$0x3FA8] =	sst s2  }
0xb: {  	[smem:$0x3FA9] =	sst s3  }
0xc: {  	[smem:$0x3FAA] =	sst s4  }
0xd: {  	[smem:$0x3FAB] =	sst s5  }
0xe: {  	[smem:$0x3FAC] =	sst s6  }
0xf: {  	[smem:$0x3FAD] =	sst s7  }
0x10: {  	[smem:$0x3FAE] =	sst s8  }
0x11: {  	[smem:$0x3FAF] =	sst s9;
	s0 =	simm.s32 @!p0 $0x0  }
0x12: {  	s1 =	sld [smem:$0x3F95];
	s0 =	simm.s32 @p0 $0x1  }
0x13: {  	[smem:$0x3FB0] =	sst s0;
	s0 =	simm.s32 @!p1 $0x0  }
0x14: {  	s2 =	sld [smem:$0x3F94];
	s0 =	simm.s32 @p1 $0x1  }
0x15: {  	[smem:$0x3FB1] =	sst s0;
	s0 =	simm.s32 @!p2 $0x0  }
0x16: {  	s3 =	sld [smem:$0x3FDB];
	s0 =	simm.s32 @p2 $0x1  }
0x17: {  	s4 =	simm.s32 $0x1BF5;
	[smem:$0x3FB3] =	sst s0  }
0x18: {  	s0 =	sld [smem:$0x3F96];
	_ =	swait.ge [sflag:s4], $0x0  }
0x19: {  	s7 =	sld [smem:$0x3F97]  }
0x1a: {  	s8 =	sadd.s32 $0xFFFFE003, lr  }
0x1b: {  	s9 =	sadd.s32 $0xFFFFFEF7, lr;
	s5 =	simm.s32 $0xFFFFFFFF;
	p2 =	slt.u32 s8, $0xFFFFF086  }
0x1c: {  	p1 =	slt.u32 s9, $0xF7A;
	s5 =	simm.s32 @!p2 $0x0  }
0x1d: {  	s5 =	simm.s32 @p1 $0x1;
	p0 =	seq.s32 s7, s2  }
0x1e: {  	s7 =	smul.u32 @!p0 $0xF7A, s2;
	p2 =	seq.s32 @!p0 s5, $0x0  }
0x1f: {  	s9 =	smul.u32 $0xF7A, s1;
	s8 =	simm.s32 @!p0 $0x1BF5;
	p2 =	por !p2, p0  }
0x20: {  	[sflag:s8] =	ssyncset.s32 @!p0 $0xFFFFF086;
	s6 =	sadd.s32 @!p0 s3, s7;
	s7 =	simm.s32 @!p0 $0x108  }
0x21: {  	s3 =	sadd.s32 s3, s9;
	s6 =	sadd.s32 @!p0 $0x88, s6;
	s7 =	simm.s32 @p2 $0x1082  }
0x22: {  	[simem:s7], [sflag:s8] =	dma.local @!p0 [hbm:s6], $0xF7A  }
0x23: {  	s9 =	sor.u32 $0xD0000000, s2;
	s6 =	simm.s32 $0x108;
	_ =	swait.ge @!p0 [sflag:s8], $0x0  }
0x24: {  	s3 =	sadd.s32 $0x88, s3;
	s6 =	simm.s32 @!p1 $0x1082;
	[sflag:s4] =	ssyncset.s32 $0xFFFFF086  }
0x25: {  	[simem:s6], [sflag:s4] =	dma.local [hbm:s3], $0xF7A  }
0x26: {  	[smem:$0x3F97] =	sst s1;
	(tag) =	ssettag s2;
	_ =	strace s9  }
0x27: {  	s1 =	sld [smem:$0x3FA7]  }
0x28: {  	s2 =	sld [smem:$0x3FA8]  }
0x29: {  	s4 =	sld [smem:$0x3FAA]  }
0x2a: {  	p0 =	seq.s32 s5, $0x0;
	s5 =	sld [smem:$0x3FAB]  }
0x2b: {  	s6 =	sld [smem:$0x3FAC]  }
0x2c: {  	s7 =	sld [smem:$0x3FAD]  }
0x2d: {  	s3 =	simm.s32 $0x108;
	s8 =	sld [smem:$0x3FAE]  }
0x2e: {  	s3 =	simm.s32 @!p0 $0x1082;
	s9 =	sld [smem:$0x3FAF]  }
0x2f: {  	lr =	sadd.s32 s0, s3;
	s0 =	sld [smem:$0x3FA6]  }
0x30: {  	s3 =	sld [smem:$0x3FA9]  }
0x31: {  	[smem:$0x3FB2] =	sst s10  }
0x32: {  	s10 =	sld [smem:$0x3FB0];
	_ =	sdelay $0x3  }
0x33: {  	p0 =	seq.s32 s10, $0x1;
	s10 =	sld [smem:$0x3FB2];
	_ =	sdelay $0x3  }
0x34: {  	[smem:$0x3FB2] =	sst s10  }
0x35: {  	s10 =	sld [smem:$0x3FB1];
	_ =	sdelay $0x3  }
0x36: {  	p1 =	seq.s32 s10, $0x1;
	s10 =	sld [smem:$0x3FB2];
	_ =	sdelay $0x3  }
0x37: {  	[smem:$0x3FB2] =	sst s10  }
0x38: {  	s10 =	sld [smem:$0x3FB3]  }
0x39: {  	_ = 	snop;
	(pc) =	sbr.ind lr, $3  }
0x3a: {  	_ = 	snop  }
0x3b: {  	_ = 	snop  }
0x3c: {  	p2 =	seq.s32 s10, $0x1;
	s10 =	sld [smem:$0x3FB2]  }
0x3d: {  	_ =	shalt  }
0x3e: {  	_ =	shalt  }
0x3f: {  	_ =	shalt  }
0x40: {  	_ =	shalt  }
0x41: {  	_ =	shalt  }
0x42: {  	_ =	shalt  }
0x43: {  	_ =	shalt  }
0x44: {  	_ =	shalt  }
0x45: {  	_ =	shalt  }
0x46: {  	_ =	shalt  }
0x47: {  	_ =	shalt  }
0x48: {  	_ =	shalt  }
0x49: {  	_ =	shalt  }
0x4a: {  	_ =	shalt  }
0x4b: {  	_ =	shalt  }
0x4c: {  	_ =	shalt  }
0x4d: {  	_ =	shalt  }
0x4e: {  	_ =	shalt  }
0x4f: {  	_ =	shalt  }
0x50: {  	_ =	shalt  }
0x51: {  	_ =	shalt  }
0x52: {  	_ =	shalt  }
0x53: {  	_ =	shalt  }
0x54: {  	_ =	shalt  }
0x55: {  	_ =	shalt  }
0x56: {  	_ =	shalt  }
0x57: {  	_ =	shalt  }
0x58: {  	_ =	shalt  }
0x59: {  	_ =	shalt  }
0x5a: {  	_ =	shalt  }
0x5b: {  	_ =	shalt  }
0x5c: {  	_ =	shalt  }
0x5d: {  	_ =	shalt  }
0x5e: {  	_ =	shalt  }
0x5f: {  	_ =	shalt  }
0x60: {  	_ =	shalt  }
0x61: {  	_ =	shalt  }
0x62: {  	_ =	shalt  }
0x63: {  	_ =	shalt  }
0x64: {  	_ =	shalt  }
0x65: {  	_ =	shalt  }
0x66: {  	_ =	shalt  }
0x67: {  	_ =	shalt  }
0x68: {  	_ =	shalt  }
0x69: {  	_ =	shalt  }
0x6a: {  	_ =	shalt  }
0x6b: {  	_ =	shalt  }
0x6c: {  	_ =	shalt  }
0x6d: {  	_ =	shalt  }
0x6e: {  	_ =	shalt  }
0x6f: {  	_ =	shalt  }
0x70: {  	_ =	shalt  }
0x71: {  	_ =	shalt  }
0x72: {  	_ =	shalt  }
0x73: {  	_ =	shalt  }
0x74: {  	_ =	shalt  }
0x75: {  	_ =	shalt  }
0x76: {  	_ =	shalt  }
0x77: {  	_ =	shalt  }
0x78: {  	_ =	shalt  }
0x79: {  	_ =	shalt  }
0x7a: {  	_ =	shalt  }
0x7b: {  	_ =	shalt  }
0x7c: {  	_ =	shalt  }
0x7d: {  	_ =	shalt  }
0x7e: {  	_ =	shalt  }
0x7f: {  	_ =	shalt  }
0x80: {  	_ =	shalt  }
0x81: {  	_ =	shalt  }
0x82: {  	_ =	shalt  }
0x83: {  	_ =	shalt  }
0x84: {  	_ =	shalt  }
0x85: {  	_ =	shalt  }
0x86: {  	_ =	shalt  }
0x87: {  	_ =	shalt  }
.Lfunc_end0:
.L_simem_size_0:
called_computation.1_lowered:
.L_overlay_start_0:
0x88: {  	s2 =	sld [smem:$0x3FD9]  }
0x89: {  	s3 =	sld [smem:$0x3FFE];
	_ =	sdelay $0x1  }
0x8a: {  	s1 =	srdreg.scid  }
0x8b: {  	s0 =	sand.u32 $0x1, s1  }
0x8c: {  	s17 =	sshll.u32 s0, $0xA;
	s2 =	sadd.s32 s3, s2  }
0x8d: {  	s2 =	sadd.s32 s2, s17  }
0x8e: {  	[smem:$0x3FBE] =	sst s2  }
0x8f: {  	_ = 	snop  }
0x90: {  	s2 =	sld [smem:$0x3FD0];
	(tm) =	ssettm $0x1  }
0x91: {  	s18 =	sld [smem:$0x3FFB];
	_ =	sdelay $0x3  }
0x92: {  	_ =	strace s18  }
0x93: {  	s3 =	sld [smem:$0x3FFC];
	_ =	sdelay $0x3  }
0x94: {  	_ =	strace s3  }
0x95: {  	s3 =	sld [smem:$0x3FFD];
	_ =	sdelay $0x3  }
0x96: {  	_ =	strace s3  }
0x97: {  	_ =	strace $0x8FFFFFFF  }
0x98: {  	s19 =	sld [smem:$0x3FDB];
	_ =	sdelay $0x1  }
0x99: {  	s4 =	simm.s32 $_scs_section_size  }
0x9a: {  	s5 =	simm.s32 $_size__tile_overlayer_lowered;
	s6 =	simm.s32 $_tile_overlayer_lowered  }
0x9b: {  	s22 =	simm.s32 $0x1BFF;
	s21 =	sshll.u32 s6, $0x1;
	s3 =	sadd.s32 s4, s19  }
0x9c: {  	s7 =	simm.s32 $0x0;
	s20 =	sshll.u32 s5, $0x1;
	s5 =	sadd.s32 s21, s3  }
0x9d: {  	[timem:s7], [sflag:s22] =	dma.local [hbm:s5], s20  }
0x9e: {  	_ =	swait.ge [sflag:s22], s20  }
0x9f: {  	s4 =	ssub.s32 $0x0, s20;
	[sflag:s22] =	ssyncset.done $0x0  }
0xa0: {  	[sflag:s22] =	ssyncadd.s32 s4;
	_ =	sdelay $0x1  }
0xa1: {  	s23 =	simm.s32 $0x1B8B  }
0xa2: {  	_ =	swait.ge [sflag:s23], $0x1  }
0xa3: {  	[sflag:s23] =	ssyncset.done $0x0  }
0xa4: {  	s25 =	simm.s32 $0x1B8E;
	s24 =	sld [smem:$0x3FFE];
	[sflag:s23] =	ssyncadd.s32 $0xFFFFFFFF  }
0xa5: {  	s26 =	simm.s32 $execute0_lowered;
	[smem:$0x3FD2] =	sst s25  }
0xa6: {  	s5 =	sshll.u32 s26, $0x1;
	_ =	strace $0x80000049;
	[dreg:$0x1] =	wrdreg $0xFFFFFFFF  }
0xa7: {  	s28 =	simm.s32 $_size_execute0_lowered;
	s3 =	sadd.s32 s3, s5;
	[dreg:$0x0] =	wrdreg $0x0  }
0xa8: {  	s5 =	sshll.u32 s28, $0x1;
	[dreg:$0x2] =	wrdreg s3  }
0xa9: {  	[dreg:$0x3] =	wrdreg s5  }
0xaa: {  	[dreg:$0x4] =	wrdreg $0xC0  }
0xab: {  	_ =	task [dreg:s7], $0x5FFFF  }
0xac: {  	[dreg:$0x1] =	wrdreg $0xFFFFFFFF  }
0xad: {  	[dreg:$0x0] =	wrdreg $0x60  }
0xae: {  	[dreg:$0x2] =	wrdreg s24  }
0xaf: {  	[dreg:$0x3] =	wrdreg s2  }
0xb0: {  	[dreg:$0x4] =	wrdreg $0xA8000  }
0xb1: {  	[dreg:$0x5] =	wrdreg $0x9  }
0xb2: {  	_ =	task.clear_ibuf [dreg:s7], $0x6FFFF;
	_ =	strace $0x90000049  }
0xb3: {  	s29 =	simm.s32 $0x9;
	_ =	strace $0x8000004B  }
0xb4: {  	_ =	swait.ge [sflag:s29], $0x1  }
0xb5: {  	[sflag:s29] =	ssyncadd.s32 $0xFFFFFFFF  }
0xb6: {  	_ =	strace $0x9000004B  }
0xb7: {  	_ =	sfence  }
0xb8: {  	s30 =	sld [smem:$0x0];
	_ =	sdelay $0x2  }
0xb9: {  	s31 =	sshll.u32 s1, $0xD;
	s1 =	sshrl.u32 s1, $0x2  }
0xba: {  	s3 =	sand.u32 $0x4000, s31;
	s1 =	sadd.s32 s1, s30  }
0xbb: {  	s0 =	sor.u32 s3, s0;
	s1 =	sshll.u32 s1, $0x11  }
0xbc: {  	s0 =	sor.u32 s1, s0  }
0xbd: {  	s0 =	sadd.s32 $0x8F2B, s0  }
0xbe: {  	[sflag:s0] =	ssyncadd.remote.s32 $0x1  }
0xbf: {  	_ =	sfence.sel $0xFFFF  }
0xc0: {  	[dreg:$0x0] =	wrdreg $0xFFFFFFFF;
	(pc) =	sbr.abs _section_cstart, $3  }
0xc1: {  	[dreg:$0x1] =	wrdreg $0xFFFFFFFF  }
0xc2: {  	_ =	task.clear_ibuf [dreg:s7], $0x2FFFF;
	_ =	strace $0x9FFFFFFF  }
0xc3: {  	(tm) =	ssettm $0x7FFFFFFF  }
tec
execute0_lowered:
.L_overlay_start_1:
0x0: {  	(tag) =	ssettag $0x1  }
0x1: {  	s0 =	rddreg [dreg:$0x0];
	s1 =	srdreg.scid  }
0x2: {  	s10 =	stileid.u32;
	s3 =	rddreg [dreg:$0x2]  }
0x3: {  	s4 =	simm.s32 $0x0;
	s14 =	simm.s32 $0x3;
	s15 =	simm.s32 $0x1400  }
0x4: {  	s16 =	simm.s32 $0x20;
	s17 =	simm.s32 $0x2800;
	s6 =	smul.u32 $0x2800, s10  }
0x5: {  	s28 =	simm.s32 $0xC0;
	s29 =	simm.s32 $0x8800;
	s8 =	smul.u32 $0x14000, s10  }
0x6: {  	s30 =	simm.s32 $0xE0;
	s1 =	sand.u32 $0x1, s1;
	s19 =	smul.u32 $0x50000, s10  }
0x7: {  	s31 =	simm.s32 $0x9800;
	[smem:$0x7FF] =	sst s4;
	s2 =	smul.u32 $0x28000, s1  }
0x8: {  	s5 =	sadd.s32 $0x7200, s0;
	s7 =	smul.u32 $0x140000, s1;
	s1 =	ssub.s32 $0x2, s1  }
0x9: {  	s22 =	sshll.u32 s10, $0x6;
	_ =	strace $0x8000004A;
	s20 =	sshrl.u32 s1, $0x1  }
0xa: {  	s21 =	sshrl.u32 s19, $0x2;
	s2 =	sadd.s32 s6, s2;
	s6 =	sshrl.u32 s6, $0x3  }
0xb: {  	s7 =	sadd.s32 s8, s7;
	s1 =	ssub.s32 s1, s20;
	s8 =	sadd.s32 s21, s3  }
0xc: {  	s20 =	simm.s32 $0x4800;
	s21 =	simm.s32 $0x60;
	s2 =	sshrl.u32 s2, $0x3  }
0xd: {  	s7 =	sshrl.u32 s7, $0x3;
	s9 =	sadd.s32 s6, s0;
	s6 =	sor.u32 $0x1C03, s22  }
0xe: {  	s26 =	smax.u32 s1, $0x1;
	s13 =	sshrl.u32 s8, $0x3;
	s22 =	simm.s32 $0x5800  }
0xf: {  	s1 =	simm.s32 $0x1;
	s24 =	sadd.s32 $0x2200, s9;
	[dreg:$0x9] =	wrdreg s26  }
0x10: {  	s2 =	sadd.s32 s2, s0;
	s25 =	sadd.s32 $0x2480, s9;
	[dreg:$0x5] =	wrdreg s24  }
0x11: {  	s0 =	sadd.s32 s7, s0;
	s23 =	sadd.s32 $0x58000, s2;
	[dreg:$0x7] =	wrdreg s25  }
0x12: {  	s26 =	simm.s32 $0x7800;
	s2 =	sadd.s32 $0x58280, s2;
	[dreg:$0x4] =	wrdreg s23  }
0x13: {  	s7 =	simm.s32 $0x0;
	s0 =	sadd.s32 $0x62000, s0;
	[dreg:$0x6] =	wrdreg s2  }
0x14: {  	s24 =	simm.s32 $0x6800;
	s25 =	simm.s32 $0xA0;
	[dreg:$0x8] =	wrdreg s0  }
0x15: {  	s23 =	simm.s32 $0x80;
	s0 =	simm.s32 $0x2;
	s2 =	simm.s32 $0x2780  }
.LBB2_1:
0x16: {  	s8 =	rddreg [dreg:$0x1]  }
0x17: {  	[spmem:s13], [sflag:s6] =	dma.local [hbm:s8], $0x2800  }
0x18: {  	_ =	swait.ge [sflag:s14], $0x2800  }
0x19: {  	[sflag:s14] =	ssyncset.done $0x0  }
0x1a: {  	[sflag:s14] =	ssyncadd.s32 $0xFFFFD800  }
0x1b: {  	[bflag:$0x0] =	sbarrier.arrive $0xFFFF  }
0x1c: {  	s18 =	rddreg [dreg:$0x4]  }
0x1d: {  	[tilespmem:s4], [sflag:$0x3] =	stream.linear.gather [hbm4b:s18+s4], $0x1400, $0x38;
	[tilespmem:$0x1E800] =	vst v63  }
0x1e: {  	_ =	swait.ge [sflag:s14], $0x1400  }
0x1f: {  	[sflag:s14] =	ssyncset.done $0x0  }
0x20: {  	s19 =	rddreg [dreg:$0x5];
	[sflag:s14] =	ssyncadd.s32 $0xFFFFEC00  }
0x21: {  	[tilespmem:s15], [sflag:$0x3] =	stream.linear.gather [hbm4b:s19+s4], $0x1400, $0x38;
	[tilespmem:$0x1E800] =	vst v63  }
0x22: {  	_ =	swait.ge [sflag:s14], $0x1400  }
0x23: {  	[sflag:s14] =	ssyncset.done $0x0  }
0x24: {  	[sflag:s14] =	ssyncadd.s32 $0xFFFFEC00  }
0x25: {  	[tilespmem:s17], [sflag:$0x1] =	stream.indirect.gather [hbm4b:s5+s16], $0x80, s4, s16, $0xb8;
	[tilespmem:$0x1E800] =	vst v63  }
0x26: {  	s9 =	simm.s32 $0x3800  }
0x27: {  	[tilespmem:s9], [sflag:$0x1] =	stream.indirect.gather [hbm4b:s5+s16], $0x80, s16, s16, $0xb8;
	[tilespmem:$0x1E800] =	vst v63  }
0x28: {  	s10 =	simm.s32 $0x40  }
0x29: {  	[tilespmem:s20], [sflag:$0x1] =	stream.indirect.gather [hbm4b:s5+s16], $0x80, s10, s16, $0xb8;
	[tilespmem:$0x1E800] =	vst v63  }
0x2a: {  	_ = 	snop  }
0x2b: {  	[tilespmem:s22], [sflag:$0x1] =	stream.indirect.gather [hbm4b:s5+s16], $0x80, s21, s16, $0xb8;
	[tilespmem:$0x1E800] =	vst v63  }
0x2c: {  	_ = 	snop  }
0x2d: {  	[tilespmem:s24], [sflag:$0x1] =	stream.indirect.gather [hbm4b:s5+s16], $0x80, s23, s16, $0xb8;
	[tilespmem:$0x1E800] =	vst v63  }
0x2e: {  	_ = 	snop  }
0x2f: {  	[tilespmem:s26], [sflag:$0x1] =	stream.indirect.gather [hbm4b:s5+s16], $0x80, s25, s16, $0xb8;
	[tilespmem:$0x1E800] =	vst v63  }
0x30: {  	_ = 	snop  }
0x31: {  	[tilespmem:s29], [sflag:$0x1] =	stream.indirect.gather [hbm4b:s5+s16], $0x80, s28, s16, $0xb8;
	[tilespmem:$0x1E800] =	vst v63  }
0x32: {  	_ = 	snop  }
0x33: {  	[tilespmem:s31], [sflag:$0x1] =	stream.indirect.gather [hbm4b:s5+s16], $0x80, s30, s16, $0xb8;
	[tilespmem:$0x1E800] =	vst v63  }
0x34: {  	_ =	swait.ge [sflag:s1], $0x4000  }
0x35: {  	[sflag:s1] =	ssyncset.done $0x0  }
0x36: {  	[sflag:s1] =	ssyncadd.s32 $0xFFFFC000  }
0x37: {  	[spmem:s3] =	stream.indirect.scatter.add.f32 [tilespmem:s17], [sflag:$0x2], $0x80, s15, s23, $0xb8;
	[tilespmem:$0x1E800] =	vst v63  }
0x38: {  	s11 =	simm.s32 $0x8000;
	_ =	swait.ge [sflag:s0], $0x4000  }
0x39: {  	s9 =	sand.u32 $0x4000, s11;
	[sflag:s0] =	ssyncset.done $0x0  }
0x3a: {  	s8 =	sor.u32 $0x2800, s9;
	s10 =	simm.s32 $0x100;
	[sflag:s0] =	ssyncadd.s32 $0xFFFFC000  }
0x3b: {  	[tilespmem:s8], [sflag:$0x1] =	stream.indirect.gather [hbm4b:s5+s16], $0x80, s10, s16, $0xb8;
	[tilespmem:$0x1E800] =	vst v63  }
0x3c: {  	s18 =	simm.s32 $0x120;
	s12 =	sor.u32 $0x3800, s9  }
0x3d: {  	[tilespmem:s12], [sflag:$0x1] =	stream.indirect.gather [hbm4b:s5+s16], $0x80, s18, s16, $0xb8;
	[tilespmem:$0x1E800] =	vst v63  }
0x3e: {  	s19 =	simm.s32 $0x10000;
	s11 =	simm.s32 $0x140;
	s12 =	sadd.s32 $0x4800, s9  }
0x3f: {  	[tilespmem:s12], [sflag:$0x1] =	stream.indirect.gather [hbm4b:s5+s16], $0x80, s11, s16, $0xb8;
	[tilespmem:$0x1E800] =	vst v63  }
0x40: {  	s10 =	sand.u32 $0x10000, s19;
	s9 =	sadd.s32 $0x5800, s9;
	s18 =	simm.s32 $0x160  }
0x41: {  	[tilespmem:s9], [sflag:$0x1] =	stream.indirect.gather [hbm4b:s5+s16], $0x80, s18, s16, $0xb8;
	[tilespmem:$0x1E800] =	vst v63  }
0x42: {  	s8 =	simm.s32 $0x200;
	s19 =	sshrl.u32 s10, $0x2;
	_ =	swait.ge [sflag:s1], $0x4000  }
0x43: {  	s10 =	simm.s32 $0xC000;
	s11 =	sor.u32 $0x2800, s19;
	[sflag:s1] =	ssyncset.done $0x0  }
0x44: {  	s12 =	simm.s32 $0x1480;
	s9 =	simm.s32 $0x20000;
	[sflag:s1] =	ssyncadd.s32 $0xFFFFC000  }
.LBB2_2:
0x45: {  	[spmem:s3] =	stream.indirect.scatter.add.f32 [tilespmem:s11], [sflag:$0x2], $0x80, s12, s23, $0xb8;
	[tilespmem:$0x1E800] =	vst v63  }
0x46: {  	s11 =	smov.u32 s8  }
0x47: {  	p0 =	sne.s32 s8, $0x4A00;
	s8 =	sadd.s32 $0x200, s8;
	_ =	swait.ge [sflag:s0], $0x4000  }
0x48: {  	s12 =	sand.u32 $0x4000, s10;
	s18 =	sshra.s32 s11, $0x2;
	[sflag:s0] =	ssyncset.done $0x0  }
0x49: {  	s11 =	sor.u32 $0x2800, s12;
	s19 =	sadd.s32 $0x100, s18;
	[sflag:s0] =	ssyncadd.s32 $0xFFFFC000  }
0x4a: {  	[tilespmem:s11], [sflag:$0x1] =	stream.indirect.gather [hbm4b:s5+s16], $0x80, s19, s16, $0xb8;
	[tilespmem:$0x1E800] =	vst v63  }
0x4b: {  	s11 =	sor.u32 $0x3800, s12;
	s19 =	sadd.s32 $0x120, s18  }
0x4c: {  	[tilespmem:s11], [sflag:$0x1] =	stream.indirect.gather [hbm4b:s5+s16], $0x80, s19, s16, $0xb8;
	[tilespmem:$0x1E800] =	vst v63  }
0x4d: {  	s11 =	sadd.s32 $0x4800, s12;
	s19 =	sadd.s32 $0x140, s18  }
0x4e: {  	[tilespmem:s11], [sflag:$0x1] =	stream.indirect.gather [hbm4b:s5+s16], $0x80, s19, s16, $0xb8;
	[tilespmem:$0x1E800] =	vst v63  }
.Ltmp0:
0x4f: {  	s11 =	sadd.s32 $0x5800, s12;
	s12 =	sadd.s32 $0x160, s18;
	(pc) =	sbr.rel @p0 .LBB2_2-.Ltmp0, $4  }
0x50: {  	[tilespmem:s11], [sflag:$0x1] =	stream.indirect.gather [hbm4b:s5+s16], $0x80, s12, s16, $0xb8;
	[tilespmem:$0x1E800] =	vst v63  }
0x51: {  	s11 =	sand.u32 $0x10000, s9;
	s9 =	sadd.s32 $0x10000, s9;
	_ =	swait.ge [sflag:s1], $0x4000  }
0x52: {  	s10 =	sadd.s32 $0x4000, s10;
	s11 =	sshrl.u32 s11, $0x2;
	[sflag:s1] =	ssyncset.done $0x0  }
0x53: {  	s12 =	sadd.s32 $0x1480, s18;
	s11 =	sor.u32 $0x2800, s11;
	[sflag:s1] =	ssyncadd.s32 $0xFFFFC000  }
0x54: {  	[spmem:s3] =	stream.indirect.scatter.add.f32 [tilespmem:s11], [sflag:$0x2], $0x80, s12, s23, $0xb8;
	[tilespmem:$0x1E800] =	vst v63  }
0x55: {  	_ =	swait.ge [sflag:s0], $0x4000  }
0x56: {  	[sflag:s0] =	ssyncset.done $0x0  }
0x57: {  	[sflag:s0] =	ssyncadd.s32 $0xFFFFC000  }
0x58: {  	_ =	swait.ge [sflag:s1], $0x4000  }
0x59: {  	[sflag:s1] =	ssyncset.done $0x0  }
0x5a: {  	[sflag:s1] =	ssyncadd.s32 $0xFFFFC000  }
0x5b: {  	[spmem:s3] =	stream.indirect.scatter.add.f32 [tilespmem:s24], [sflag:$0x2], $0x80, s2, s23, $0xb8;
	[tilespmem:$0x1E800] =	vst v63  }
0x5c: {  	_ =	swait.ge [sflag:s0], $0x4000  }
0x5d: {  	[sflag:s0] =	ssyncset.done $0x0  }
0x5e: {  	s8 =	simm.s32 $0x0;
	s9 =	rddreg [dreg:$0x6];
	[sflag:s0] =	ssyncadd.s32 $0xFFFFC000  }
0x5f: {  	[tilespmem:s8], [sflag:$0x3] =	stream.linear.gather [hbm4b:s9+s8], $0x1400, $0x38;
	[tilespmem:$0x1E800] =	vst v63  }
0x60: {  	_ =	swait.ge [sflag:s14], $0x1400  }
0x61: {  	[sflag:s14] =	ssyncset.done $0x0  }
0x62: {  	s19 =	rddreg [dreg:$0x7];
	[sflag:s14] =	ssyncadd.s32 $0xFFFFEC00  }
0x63: {  	[tilespmem:s15], [sflag:$0x3] =	stream.linear.gather [hbm4b:s19+s8], $0x1400, $0x38;
	[tilespmem:$0x1E800] =	vst v63  }
0x64: {  	_ =	swait.ge [sflag:s14], $0x1400  }
0x65: {  	[sflag:s14] =	ssyncset.done $0x0  }
0x66: {  	[sflag:s14] =	ssyncadd.s32 $0xFFFFEC00  }
0x67: {  	[tilespmem:s17], [sflag:$0x1] =	stream.indirect.gather [hbm4b:s5+s16], $0x80, s8, s16, $0xb8;
	[tilespmem:$0x1E800] =	vst v63  }
0x68: {  	s9 =	simm.s32 $0x3800  }
0x69: {  	[tilespmem:s9], [sflag:$0x1] =	stream.indirect.gather [hbm4b:s5+s16], $0x80, s16, s16, $0xb8;
	[tilespmem:$0x1E800] =	vst v63  }
0x6a: {  	s10 =	simm.s32 $0x40  }
0x6b: {  	[tilespmem:s20], [sflag:$0x1] =	stream.indirect.gather [hbm4b:s5+s16], $0x80, s10, s16, $0xb8;
	[tilespmem:$0x1E800] =	vst v63  }
0x6c: {  	_ = 	snop  }
0x6d: {  	[tilespmem:s22], [sflag:$0x1] =	stream.indirect.gather [hbm4b:s5+s16], $0x80, s21, s16, $0xb8;
	[tilespmem:$0x1E800] =	vst v63  }
0x6e: {  	_ = 	snop  }
0x6f: {  	[tilespmem:s24], [sflag:$0x1] =	stream.indirect.gather [hbm4b:s5+s16], $0x80, s23, s16, $0xb8;
	[tilespmem:$0x1E800] =	vst v63  }
0x70: {  	_ = 	snop  }
0x71: {  	[tilespmem:s26], [sflag:$0x1] =	stream.indirect.gather [hbm4b:s5+s16], $0x80, s25, s16, $0xb8;
	[tilespmem:$0x1E800] =	vst v63  }
0x72: {  	_ = 	snop  }
0x73: {  	[tilespmem:s29], [sflag:$0x1] =	stream.indirect.gather [hbm4b:s5+s16], $0x80, s28, s16, $0xb8;
	[tilespmem:$0x1E800] =	vst v63  }
0x74: {  	_ = 	snop  }
0x75: {  	[tilespmem:s31], [sflag:$0x1] =	stream.indirect.gather [hbm4b:s5+s16], $0x80, s30, s16, $0xb8;
	[tilespmem:$0x1E800] =	vst v63  }
0x76: {  	_ =	swait.ge [sflag:s1], $0x4000  }
0x77: {  	[sflag:s1] =	ssyncset.done $0x0  }
0x78: {  	[sflag:s1] =	ssyncadd.s32 $0xFFFFC000  }
0x79: {  	[spmem:s3] =	stream.indirect.scatter.add.f32 [tilespmem:s17], [sflag:$0x2], $0x80, s15, s23, $0xb8;
	[tilespmem:$0x1E800] =	vst v63  }
0x7a: {  	s11 =	simm.s32 $0x8000;
	_ =	swait.ge [sflag:s0], $0x4000  }
0x7b: {  	s9 =	sand.u32 $0x4000, s11;
	[sflag:s0] =	ssyncset.done $0x0  }
0x7c: {  	s8 =	sor.u32 $0x2800, s9;
	s10 =	simm.s32 $0x100;
	[sflag:s0] =	ssyncadd.s32 $0xFFFFC000  }
0x7d: {  	[tilespmem:s8], [sflag:$0x1] =	stream.indirect.gather [hbm4b:s5+s16], $0x80, s10, s16, $0xb8;
	[tilespmem:$0x1E800] =	vst v63  }
0x7e: {  	s18 =	simm.s32 $0x120;
	s12 =	sor.u32 $0x3800, s9  }
0x7f: {  	[tilespmem:s12], [sflag:$0x1] =	stream.indirect.gather [hbm4b:s5+s16], $0x80, s18, s16, $0xb8;
	[tilespmem:$0x1E800] =	vst v63  }
0x80: {  	s19 =	simm.s32 $0x10000;
	s11 =	sadd.s32 $0x4800, s9;
	s12 =	simm.s32 $0x140  }
0x81: {  	[tilespmem:s11], [sflag:$0x1] =	stream.indirect.gather [hbm4b:s5+s16], $0x80, s12, s16, $0xb8;
	[tilespmem:$0x1E800] =	vst v63  }
0x82: {  	s9 =	sadd.s32 $0x5800, s9;
	s10 =	sand.u32 $0x10000, s19;
	s18 =	simm.s32 $0x160  }
0x83: {  	[tilespmem:s9], [sflag:$0x1] =	stream.indirect.gather [hbm4b:s5+s16], $0x80, s18, s16, $0xb8;
	[tilespmem:$0x1E800] =	vst v63  }
0x84: {  	s8 =	simm.s32 $0x200;
	s19 =	sshrl.u32 s10, $0x2;
	_ =	swait.ge [sflag:s1], $0x4000  }
0x85: {  	s10 =	simm.s32 $0xC000;
	s11 =	sor.u32 $0x2800, s19;
	[sflag:s1] =	ssyncset.done $0x0  }
0x86: {  	s12 =	simm.s32 $0x1480;
	s9 =	simm.s32 $0x20000;
	[sflag:s1] =	ssyncadd.s32 $0xFFFFC000  }
.LBB2_4:
0x87: {  	[spmem:s3] =	stream.indirect.scatter.add.f32 [tilespmem:s11], [sflag:$0x2], $0x80, s12, s23, $0xb8;
	[tilespmem:$0x1E800] =	vst v63  }
0x88: {  	s11 =	smov.u32 s8  }
0x89: {  	p0 =	sne.s32 s8, $0x4A00;
	s8 =	sadd.s32 $0x200, s8;
	_ =	swait.ge [sflag:s0], $0x4000  }
0x8a: {  	s12 =	sand.u32 $0x4000, s10;
	s18 =	sshra.s32 s11, $0x2;
	[sflag:s0] =	ssyncset.done $0x0  }
0x8b: {  	s11 =	sor.u32 $0x2800, s12;
	s19 =	sadd.s32 $0x100, s18;
	[sflag:s0] =	ssyncadd.s32 $0xFFFFC000  }
0x8c: {  	[tilespmem:s11], [sflag:$0x1] =	stream.indirect.gather [hbm4b:s5+s16], $0x80, s19, s16, $0xb8;
	[tilespmem:$0x1E800] =	vst v63  }
0x8d: {  	s11 =	sor.u32 $0x3800, s12;
	s19 =	sadd.s32 $0x120, s18  }
0x8e: {  	[tilespmem:s11], [sflag:$0x1] =	stream.indirect.gather [hbm4b:s5+s16], $0x80, s19, s16, $0xb8;
	[tilespmem:$0x1E800] =	vst v63  }
0x8f: {  	s11 =	sadd.s32 $0x4800, s12;
	s19 =	sadd.s32 $0x140, s18  }
0x90: {  	[tilespmem:s11], [sflag:$0x1] =	stream.indirect.gather [hbm4b:s5+s16], $0x80, s19, s16, $0xb8;
	[tilespmem:$0x1E800] =	vst v63  }
.Ltmp1:
0x91: {  	s11 =	sadd.s32 $0x5800, s12;
	s12 =	sadd.s32 $0x160, s18;
	(pc) =	sbr.rel @p0 .LBB2_4-.Ltmp1, $4  }
0x92: {  	[tilespmem:s11], [sflag:$0x1] =	stream.indirect.gather [hbm4b:s5+s16], $0x80, s12, s16, $0xb8;
	[tilespmem:$0x1E800] =	vst v63  }
0x93: {  	s11 =	sand.u32 $0x10000, s9;
	s9 =	sadd.s32 $0x10000, s9;
	_ =	swait.ge [sflag:s1], $0x4000  }
0x94: {  	s10 =	sadd.s32 $0x4000, s10;
	s11 =	sshrl.u32 s11, $0x2;
	[sflag:s1] =	ssyncset.done $0x0  }
0x95: {  	s12 =	sadd.s32 $0x1480, s18;
	s11 =	sor.u32 $0x2800, s11;
	[sflag:s1] =	ssyncadd.s32 $0xFFFFC000  }
0x96: {  	[spmem:s3] =	stream.indirect.scatter.add.f32 [tilespmem:s11], [sflag:$0x2], $0x80, s12, s23, $0xb8;
	[tilespmem:$0x1E800] =	vst v63  }
0x97: {  	_ =	swait.ge [sflag:s0], $0x4000  }
0x98: {  	[sflag:s0] =	ssyncset.done $0x0  }
0x99: {  	[sflag:s0] =	ssyncadd.s32 $0xFFFFC000  }
0x9a: {  	_ =	swait.ge [sflag:s1], $0x4000  }
0x9b: {  	[sflag:s1] =	ssyncset.done $0x0  }
0x9c: {  	[sflag:s1] =	ssyncadd.s32 $0xFFFFC000  }
0x9d: {  	[spmem:s3] =	stream.indirect.scatter.add.f32 [tilespmem:s24], [sflag:$0x2], $0x80, s2, s23, $0xb8;
	[tilespmem:$0x1E800] =	vst v63  }
0x9e: {  	_ =	swait.ge [sflag:s0], $0x4000  }
0x9f: {  	[sflag:s0] =	ssyncset.done $0x0  }
0xa0: {  	[sflag:s0] =	ssyncadd.s32 $0xFFFFC000  }
0xa1: {  	[bflag:$0x0] =	sbarrier.arrive $0xFFFF  }
0xa2: {  	s8 =	rddreg [dreg:$0x8]  }
0xa3: {  	[hbm:s8], [sflag:s6] =	dma.local [spmem:s13], $0x2800  }
0xa4: {  	_ =	swait.ge [sflag:s14], $0x2800  }
0xa5: {  	s7 =	sadd.s32 $0x1, s7;
	s19 =	rddreg [dreg:$0x9]  }
0xa6: {  	p0 =	sne.s32 s7, s19  }
.Ltmp2:
0xa7: {  	_ = 	snop;
	(pc) =	sbr.rel @p0 .LBB2_1-.Ltmp2, $3  }
0xa8: {  	_ =	sdelay $0x1  }
0xa9: {  	[sflag:s14] =	ssyncset.done $0x0  }
0xaa: {  	[sflag:s14] =	ssyncadd.s32 $0xFFFFD800  }
0xab: {  	_ =	sfence.sel $0x180000  }
0xac: {  	[bflag:$0x0] =	sbarrier.arrive $0xFFFF  }
0xad: {  	_ =	strace $0x9000004A  }
0xae: {  	s0 =	stileid.u32;
	[bflag:$0x2] =	sbarrier.arrive $0xFFFF  }
0xaf: {  	p0 =	sne.s32 s0, $0x0;
	s0 =	rddreg [dreg:$0x3]  }
0xb0: {  	s0 =	sadd.s32 @!p0 $0x100000, s0  }
0xb1: {  	[sflag:s0] =	ssyncadd.tile.s32 @!p0 $0x1;
	_ =	shalt  }
.Lfunc_end2:
_tile_overlayer_lowered:
.L_overlay_start_2:
0xb2: {  	(tag) =	ssettag $0x2  }
0xb3: {  	s0 =	rddreg [dreg:$0x0];
	s2 =	stileid.u32  }
0xb4: {  	s1 =	rddreg [dreg:$0x1];
	p0 =	sne.s32 s2, $0x0  }
0xb5: {  	s3 =	rddreg [dreg:$0x2];
	[bflag:$0x3] =	sbarrier.arrive $0xFFFF;
	s2 =	simm.s32 @!p0 $0x1C03  }
0xb6: {  	[timem:s3], [sflag:s2] =	dma.local @!p0 [hbm:s0], s1  }
0xb7: {  	s0 =	simm.s32 @!p0 $0x3  }
0xb8: {  	_ =	swait.ge @!p0 [sflag:s0], s1  }
0xb9: {  	s1 =	ssub.s32 @!p0 $0x0, s1;
	[sflag:s0] =	ssyncset.done @!p0 $0x0  }
0xba: {  	[sflag:s0] =	ssyncadd.s32 @!p0 s1  }
0xbb: {  	[bflag:$0x3] =	sbarrier.arrive $0xFFFF  }
0xbc: {  	_ =	shalt  }

// kernel: kernel.14.cloned.1.call-start
scs
__scs_entry_jumppad:
0x0: {  	(pc) =	sbr.rel $0x88, $3  }
0x1: {  	(tag) =	ssettag $0x0;
	lr =	simm.s32 $0x1  }
0x2: {  	[smem:$0x3F97] =	sst lr;
	_ =	strace $0xD0000000  }
0x3: {  	_ = 	snop  }
0x4: {  	_ = 	snop  }
0x5: {  	_ = 	snop  }
0x6: {  	_ = 	snop  }
0x7: {  	_ = 	snop  }
__scs_overlays_trampoline_lowered:
0x8: {  	[smem:$0x3FA6] =	sst s0  }
0x9: {  	[smem:$0x3FA7] =	sst s1  }
0xa: {  	[smem:$0x3FA8] =	sst s2  }
0xb: {  	[smem:$0x3FA9] =	sst s3  }
0xc: {  	[smem:$0x3FAA] =	sst s4  }
0xd: {  	[smem:$0x3FAB] =	sst s5  }
0xe: {  	[smem:$0x3FAC] =	sst s6  }
0xf: {  	[smem:$0x3FAD] =	sst s7  }
0x10: {  	[smem:$0x3FAE] =	sst s8  }
0x11: {  	[smem:$0x3FAF] =	sst s9;
	s0 =	simm.s32 @!p0 $0x0  }
0x12: {  	s1 =	sld [smem:$0x3F95];
	s0 =	simm.s32 @p0 $0x1  }
0x13: {  	[smem:$0x3FB0] =	sst s0;
	s0 =	simm.s32 @!p1 $0x0  }
0x14: {  	s2 =	sld [smem:$0x3F94];
	s0 =	simm.s32 @p1 $0x1  }
0x15: {  	[smem:$0x3FB1] =	sst s0;
	s0 =	simm.s32 @!p2 $0x0  }
0x16: {  	s3 =	sld [smem:$0x3FDB];
	s0 =	simm.s32 @p2 $0x1  }
0x17: {  	s4 =	simm.s32 $0x1BF5;
	[smem:$0x3FB3] =	sst s0  }
0x18: {  	s0 =	sld [smem:$0x3F96];
	_ =	swait.ge [sflag:s4], $0x0  }
0x19: {  	s7 =	sld [smem:$0x3F97]  }
0x1a: {  	s8 =	sadd.s32 $0xFFFFE003, lr  }
0x1b: {  	s9 =	sadd.s32 $0xFFFFFEF7, lr;
	s5 =	simm.s32 $0xFFFFFFFF;
	p2 =	slt.u32 s8, $0xFFFFF086  }
0x1c: {  	p1 =	slt.u32 s9, $0xF7A;
	s5 =	simm.s32 @!p2 $0x0  }
0x1d: {  	s5 =	simm.s32 @p1 $0x1;
	p0 =	seq.s32 s7, s2  }
0x1e: {  	s7 =	smul.u32 @!p0 $0xF7A, s2;
	p2 =	seq.s32 @!p0 s5, $0x0  }
0x1f: {  	s9 =	smul.u32 $0xF7A, s1;
	s8 =	simm.s32 @!p0 $0x1BF5;
	p2 =	por !p2, p0  }
0x20: {  	[sflag:s8] =	ssyncset.s32 @!p0 $0xFFFFF086;
	s6 =	sadd.s32 @!p0 s3, s7;
	s7 =	simm.s32 @!p0 $0x108  }
0x21: {  	s3 =	sadd.s32 s3, s9;
	s6 =	sadd.s32 @!p0 $0x88, s6;
	s7 =	simm.s32 @p2 $0x1082  }
0x22: {  	[simem:s7], [sflag:s8] =	dma.local @!p0 [hbm:s6], $0xF7A  }
0x23: {  	s9 =	sor.u32 $0xD0000000, s2;
	s6 =	simm.s32 $0x108;
	_ =	swait.ge @!p0 [sflag:s8], $0x0  }
0x24: {  	s3 =	sadd.s32 $0x88, s3;
	s6 =	simm.s32 @!p1 $0x1082;
	[sflag:s4] =	ssyncset.s32 $0xFFFFF086  }
0x25: {  	[simem:s6], [sflag:s4] =	dma.local [hbm:s3], $0xF7A  }
0x26: {  	[smem:$0x3F97] =	sst s1;
	(tag) =	ssettag s2;
	_ =	strace s9  }
0x27: {  	s1 =	sld [smem:$0x3FA7]  }
0x28: {  	s2 =	sld [smem:$0x3FA8]  }
0x29: {  	s4 =	sld [smem:$0x3FAA]  }
0x2a: {  	p0 =	seq.s32 s5, $0x0;
	s5 =	sld [smem:$0x3FAB]  }
0x2b: {  	s6 =	sld [smem:$0x3FAC]  }
0x2c: {  	s7 =	sld [smem:$0x3FAD]  }
0x2d: {  	s3 =	simm.s32 $0x108;
	s8 =	sld [smem:$0x3FAE]  }
0x2e: {  	s3 =	simm.s32 @!p0 $0x1082;
	s9 =	sld [smem:$0x3FAF]  }
0x2f: {  	lr =	sadd.s32 s0, s3;
	s0 =	sld [smem:$0x3FA6]  }
0x30: {  	s3 =	sld [smem:$0x3FA9]  }
0x31: {  	[smem:$0x3FB2] =	sst s10  }
0x32: {  	s10 =	sld [smem:$0x3FB0];
	_ =	sdelay $0x3  }
0x33: {  	p0 =	seq.s32 s10, $0x1;
	s10 =	sld [smem:$0x3FB2];
	_ =	sdelay $0x3  }
0x34: {  	[smem:$0x3FB2] =	sst s10  }
0x35: {  	s10 =	sld [smem:$0x3FB1];
	_ =	sdelay $0x3  }
0x36: {  	p1 =	seq.s32 s10, $0x1;
	s10 =	sld [smem:$0x3FB2];
	_ =	sdelay $0x3  }
0x37: {  	[smem:$0x3FB2] =	sst s10  }
0x38: {  	s10 =	sld [smem:$0x3FB3]  }
0x39: {  	_ = 	snop;
	(pc) =	sbr.ind lr, $3  }
0x3a: {  	_ = 	snop  }
0x3b: {  	_ = 	snop  }
0x3c: {  	p2 =	seq.s32 s10, $0x1;
	s10 =	sld [smem:$0x3FB2]  }
0x3d: {  	_ =	shalt  }
0x3e: {  	_ =	shalt  }
0x3f: {  	_ =	shalt  }
0x40: {  	_ =	shalt  }
0x41: {  	_ =	shalt  }
0x42: {  	_ =	shalt  }
0x43: {  	_ =	shalt  }
0x44: {  	_ =	shalt  }
0x45: {  	_ =	shalt  }
0x46: {  	_ =	shalt  }
0x47: {  	_ =	shalt  }
0x48: {  	_ =	shalt  }
0x49: {  	_ =	shalt  }
0x4a: {  	_ =	shalt  }
0x4b: {  	_ =	shalt  }
0x4c: {  	_ =	shalt  }
0x4d: {  	_ =	shalt  }
0x4e: {  	_ =	shalt  }
0x4f: {  	_ =	shalt  }
0x50: {  	_ =	shalt  }
0x51: {  	_ =	shalt  }
0x52: {  	_ =	shalt  }
0x53: {  	_ =	shalt  }
0x54: {  	_ =	shalt  }
0x55: {  	_ =	shalt  }
0x56: {  	_ =	shalt  }
0x57: {  	_ =	shalt  }
0x58: {  	_ =	shalt  }
0x59: {  	_ =	shalt  }
0x5a: {  	_ =	shalt  }
0x5b: {  	_ =	shalt  }
0x5c: {  	_ =	shalt  }
0x5d: {  	_ =	shalt  }
0x5e: {  	_ =	shalt  }
0x5f: {  	_ =	shalt  }
0x60: {  	_ =	shalt  }
0x61: {  	_ =	shalt  }
0x62: {  	_ =	shalt  }
0x63: {  	_ =	shalt  }
0x64: {  	_ =	shalt  }
0x65: {  	_ =	shalt  }
0x66: {  	_ =	shalt  }
0x67: {  	_ =	shalt  }
0x68: {  	_ =	shalt  }
0x69: {  	_ =	shalt  }
0x6a: {  	_ =	shalt  }
0x6b: {  	_ =	shalt  }
0x6c: {  	_ =	shalt  }
0x6d: {  	_ =	shalt  }
0x6e: {  	_ =	shalt  }
0x6f: {  	_ =	shalt  }
0x70: {  	_ =	shalt  }
0x71: {  	_ =	shalt  }
0x72: {  	_ =	shalt  }
0x73: {  	_ =	shalt  }
0x74: {  	_ =	shalt  }
0x75: {  	_ =	shalt  }
0x76: {  	_ =	shalt  }
0x77: {  	_ =	shalt  }
0x78: {  	_ =	shalt  }
0x79: {  	_ =	shalt  }
0x7a: {  	_ =	shalt  }
0x7b: {  	_ =	shalt  }
0x7c: {  	_ =	shalt  }
0x7d: {  	_ =	shalt  }
0x7e: {  	_ =	shalt  }
0x7f: {  	_ =	shalt  }
0x80: {  	_ =	shalt  }
0x81: {  	_ =	shalt  }
0x82: {  	_ =	shalt  }
0x83: {  	_ =	shalt  }
0x84: {  	_ =	shalt  }
0x85: {  	_ =	shalt  }
0x86: {  	_ =	shalt  }
0x87: {  	_ =	shalt  }
.Lfunc_end0:
.L_simem_size_0:
called_computation.2_lowered:
.L_overlay_start_0:
0x88: {  	s2 =	sld [smem:$0x3FD9]  }
0x89: {  	s3 =	sld [smem:$0x3FFE];
	_ =	sdelay $0x1  }
0x8a: {  	s1 =	srdreg.scid  }
0x8b: {  	s0 =	sand.u32 $0x1, s1  }
0x8c: {  	s17 =	sshll.u32 s0, $0xA;
	s2 =	sadd.s32 s3, s2  }
0x8d: {  	s2 =	sadd.s32 s2, s17  }
0x8e: {  	[smem:$0x3FBE] =	sst s2  }
0x8f: {  	_ = 	snop  }
0x90: {  	s2 =	sld [smem:$0x3FD0];
	(tm) =	ssettm $0x1  }
0x91: {  	s18 =	sld [smem:$0x3FFB];
	_ =	sdelay $0x3  }
0x92: {  	_ =	strace s18  }
0x93: {  	s3 =	sld [smem:$0x3FFC];
	_ =	sdelay $0x3  }
0x94: {  	_ =	strace s3  }
0x95: {  	s3 =	sld [smem:$0x3FFD];
	_ =	sdelay $0x3  }
0x96: {  	_ =	strace s3  }
0x97: {  	_ =	strace $0x8FFFFFFF  }
0x98: {  	s19 =	sld [smem:$0x3FDB];
	_ =	sdelay $0x1  }
0x99: {  	s4 =	simm.s32 $_scs_section_size  }
0x9a: {  	s5 =	simm.s32 $_size__tile_overlayer_lowered;
	s6 =	simm.s32 $_tile_overlayer_lowered  }
0x9b: {  	s22 =	simm.s32 $0x1BFF;
	s21 =	sshll.u32 s6, $0x1;
	s3 =	sadd.s32 s4, s19  }
0x9c: {  	s7 =	simm.s32 $0x0;
	s20 =	sshll.u32 s5, $0x1;
	s5 =	sadd.s32 s21, s3  }
0x9d: {  	[timem:s7], [sflag:s22] =	dma.local [hbm:s5], s20  }
0x9e: {  	_ =	swait.ge [sflag:s22], s20  }
0x9f: {  	s4 =	ssub.s32 $0x0, s20;
	[sflag:s22] =	ssyncset.done $0x0  }
0xa0: {  	[sflag:s22] =	ssyncadd.s32 s4;
	_ =	sdelay $0x1  }
0xa1: {  	s23 =	simm.s32 $0x1B8B  }
0xa2: {  	_ =	swait.ge [sflag:s23], $0x1  }
0xa3: {  	[sflag:s23] =	ssyncset.done $0x0  }
0xa4: {  	s25 =	simm.s32 $0x1B8E;
	s24 =	sld [smem:$0x3FFE];
	[sflag:s23] =	ssyncadd.s32 $0xFFFFFFFF  }
0xa5: {  	s26 =	simm.s32 $execute0_lowered;
	[smem:$0x3FD2] =	sst s25  }
0xa6: {  	s5 =	sshll.u32 s26, $0x1;
	_ =	strace $0x8000004C;
	[dreg:$0x1] =	wrdreg $0xFFFFFFFF  }
0xa7: {  	s28 =	simm.s32 $_size_execute0_lowered;
	s3 =	sadd.s32 s3, s5;
	[dreg:$0x0] =	wrdreg $0x0  }
0xa8: {  	s5 =	sshll.u32 s28, $0x1;
	[dreg:$0x2] =	wrdreg s3  }
0xa9: {  	[dreg:$0x3] =	wrdreg s5  }
0xaa: {  	[dreg:$0x4] =	wrdreg $0xC0  }
0xab: {  	_ =	task [dreg:s7], $0x5FFFF  }
0xac: {  	[dreg:$0x1] =	wrdreg $0xFFFFFFFF  }
0xad: {  	[dreg:$0x0] =	wrdreg $0x60  }
0xae: {  	[dreg:$0x2] =	wrdreg s24  }
0xaf: {  	[dreg:$0x3] =	wrdreg s2  }
0xb0: {  	[dreg:$0x4] =	wrdreg $0xA8000  }
0xb1: {  	[dreg:$0x5] =	wrdreg $0x9  }
0xb2: {  	_ =	task.clear_ibuf [dreg:s7], $0x6FFFF;
	_ =	strace $0x9000004C  }
0xb3: {  	s29 =	simm.s32 $0x9;
	_ =	strace $0x8000004E  }
0xb4: {  	_ =	swait.ge [sflag:s29], $0x1  }
0xb5: {  	[sflag:s29] =	ssyncadd.s32 $0xFFFFFFFF  }
0xb6: {  	_ =	strace $0x9000004E  }
0xb7: {  	_ =	sfence  }
0xb8: {  	s30 =	sld [smem:$0x0];
	_ =	sdelay $0x2  }
0xb9: {  	s31 =	sshll.u32 s1, $0xD;
	s1 =	sshrl.u32 s1, $0x2  }
0xba: {  	s3 =	sand.u32 $0x4000, s31;
	s1 =	sadd.s32 s1, s30  }
0xbb: {  	s0 =	sor.u32 s3, s0;
	s1 =	sshll.u32 s1, $0x11  }
0xbc: {  	s0 =	sor.u32 s1, s0  }
0xbd: {  	s0 =	sadd.s32 $0x8F2B, s0  }
0xbe: {  	[sflag:s0] =	ssyncadd.remote.s32 $0x1  }
0xbf: {  	_ =	sfence.sel $0xFFFF  }
0xc0: {  	[dreg:$0x0] =	wrdreg $0xFFFFFFFF;
	(pc) =	sbr.abs _section_cstart, $3  }
0xc1: {  	[dreg:$0x1] =	wrdreg $0xFFFFFFFF  }
0xc2: {  	_ =	task.clear_ibuf [dreg:s7], $0x2FFFF;
	_ =	strace $0x9FFFFFFF  }
0xc3: {  	(tm) =	ssettm $0x7FFFFFFF  }
tec
execute0_lowered:
.L_overlay_start_1:
0x0: {  	(tag) =	ssettag $0x1  }
0x1: {  	s0 =	rddreg [dreg:$0x0];
	s1 =	srdreg.scid  }
0x2: {  	s9 =	stileid.u32;
	s3 =	rddreg [dreg:$0x2]  }
0x3: {  	s5 =	simm.s32 $0x0;
	s16 =	simm.s32 $0x3;
	s17 =	simm.s32 $0x1400  }
0x4: {  	s18 =	simm.s32 $0x20;
	s28 =	simm.s32 $0xA0;
	s29 =	simm.s32 $0x7800  }
0x5: {  	s30 =	simm.s32 $0xC0;
	s31 =	simm.s32 $0x8800;
	s4 =	smul.u32 $0x2800, s9  }
0x6: {  	s12 =	simm.s32 $0x2;
	s13 =	simm.s32 $0x2780;
	s8 =	smul.u32 $0x14000, s9  }
0x7: {  	s14 =	simm.s32 $0x0;
	s1 =	sand.u32 $0x1, s1;
	s19 =	smul.u32 $0x50000, s9  }
0x8: {  	[smem:$0x7FF] =	sst s5;
	s5 =	sadd.s32 $0x7200, s0;
	s2 =	smul.u32 $0x28000, s1  }
0x9: {  	s6 =	sadd.s32 $0x62000, s0;
	s7 =	smul.u32 $0x140000, s1;
	s1 =	ssub.s32 $0x2, s1  }
0xa: {  	s21 =	sshll.u32 s9, $0x6;
	_ =	strace $0x8000004D;
	s20 =	sshrl.u32 s1, $0x1  }
0xb: {  	s2 =	sadd.s32 s4, s2;
	s4 =	sshrl.u32 s4, $0x3;
	s7 =	sadd.s32 s8, s7  }
0xc: {  	s8 =	sshrl.u32 s19, $0x2;
	s1 =	ssub.s32 s1, s20;
	s19 =	simm.s32 $0x2800  }
0xd: {  	s2 =	sshrl.u32 s2, $0x3;
	s4 =	sadd.s32 s4, s0;
	s7 =	sshrl.u32 s7, $0x3  }
0xe: {  	s8 =	sadd.s32 s8, s3;
	s26 =	smax.u32 s1, $0x1;
	s1 =	simm.s32 $0xE0  }
0xf: {  	s2 =	sadd.s32 s2, s0;
	s23 =	sadd.s32 $0x2200, s4;
	[dreg:$0xa] =	wrdreg s26  }
0x10: {  	s0 =	sadd.s32 s7, s0;
	s24 =	sadd.s32 $0x2480, s4;
	[dreg:$0x5] =	wrdreg s23  }
0x11: {  	s7 =	sor.u32 $0x1C03, s21;
	s22 =	sadd.s32 $0x58000, s2;
	[dreg:$0x7] =	wrdreg s24  }
0x12: {  	s15 =	sshrl.u32 s8, $0x3;
	s2 =	sadd.s32 $0x58280, s2;
	[dreg:$0x4] =	wrdreg s22  }
0x13: {  	s26 =	simm.s32 $0x6800;
	s25 =	sadd.s32 $0xB2000, s0;
	[dreg:$0x6] =	wrdreg s2  }
0x14: {  	s0 =	sadd.s32 $0x102000, s0;
	s23 =	simm.s32 $0x60;
	[dreg:$0x8] =	wrdreg s25  }
0x15: {  	s24 =	simm.s32 $0x5800;
	[dreg:$0x9] =	wrdreg s0;
	s22 =	simm.s32 $0x4800  }
0x16: {  	s25 =	simm.s32 $0x80;
	s0 =	simm.s32 $0x9800;
	s2 =	simm.s32 $0x1  }
.LBB2_1:
0x17: {  	s4 =	rddreg [dreg:$0x1]  }
0x18: {  	[spmem:s15], [sflag:s7] =	dma.local [hbm:s4], $0x2800  }
0x19: {  	_ =	swait.ge [sflag:s16], $0x2800  }
0x1a: {  	[sflag:s16] =	ssyncset.done $0x0  }
0x1b: {  	[sflag:s16] =	ssyncadd.s32 $0xFFFFD800  }
0x1c: {  	[bflag:$0x0] =	sbarrier.arrive $0xFFFF  }
0x1d: {  	s20 =	simm.s32 $0x0;
	s8 =	rddreg [dreg:$0x4]  }
0x1e: {  	[tilespmem:s20], [sflag:$0x3] =	stream.linear.gather [hbm4b:s8+s20], $0x1400, $0x38;
	[tilespmem:$0x1E800] =	vst v63  }
0x1f: {  	_ =	swait.ge [sflag:s16], $0x1400  }
0x20: {  	[sflag:s16] =	ssyncset.done $0x0  }
0x21: {  	s21 =	rddreg [dreg:$0x5];
	[sflag:s16] =	ssyncadd.s32 $0xFFFFEC00  }
0x22: {  	[tilespmem:s17], [sflag:$0x3] =	stream.linear.gather [hbm4b:s21+s20], $0x1400, $0x38;
	[tilespmem:$0x1E800] =	vst v63  }
0x23: {  	_ =	swait.ge [sflag:s16], $0x1400  }
0x24: {  	[sflag:s16] =	ssyncset.done $0x0  }
0x25: {  	[sflag:s16] =	ssyncadd.s32 $0xFFFFEC00  }
0x26: {  	[tilespmem:s19], [sflag:$0x1] =	stream.indirect.gather [hbm4b:s5+s18], $0x80, s20, s18, $0xb8;
	[tilespmem:$0x1E800] =	vst v63  }
0x27: {  	s8 =	simm.s32 $0x3800  }
0x28: {  	[tilespmem:s8], [sflag:$0x1] =	stream.indirect.gather [hbm4b:s5+s18], $0x80, s18, s18, $0xb8;
	[tilespmem:$0x1E800] =	vst v63  }
0x29: {  	s9 =	simm.s32 $0x40  }
0x2a: {  	[tilespmem:s22], [sflag:$0x1] =	stream.indirect.gather [hbm4b:s5+s18], $0x80, s9, s18, $0xb8;
	[tilespmem:$0x1E800] =	vst v63  }
0x2b: {  	_ = 	snop  }
0x2c: {  	[tilespmem:s24], [sflag:$0x1] =	stream.indirect.gather [hbm4b:s5+s18], $0x80, s23, s18, $0xb8;
	[tilespmem:$0x1E800] =	vst v63  }
0x2d: {  	_ = 	snop  }
0x2e: {  	[tilespmem:s26], [sflag:$0x1] =	stream.indirect.gather [hbm4b:s5+s18], $0x80, s25, s18, $0xb8;
	[tilespmem:$0x1E800] =	vst v63  }
0x2f: {  	_ = 	snop  }
0x30: {  	[tilespmem:s29], [sflag:$0x1] =	stream.indirect.gather [hbm4b:s5+s18], $0x80, s28, s18, $0xb8;
	[tilespmem:$0x1E800] =	vst v63  }
0x31: {  	_ = 	snop  }
0x32: {  	[tilespmem:s31], [sflag:$0x1] =	stream.indirect.gather [hbm4b:s5+s18], $0x80, s30, s18, $0xb8;
	[tilespmem:$0x1E800] =	vst v63  }
0x33: {  	_ = 	snop  }
0x34: {  	[tilespmem:s0], [sflag:$0x1] =	stream.indirect.gather [hbm4b:s5+s18], $0x80, s1, s18, $0xb8;
	[tilespmem:$0x1E800] =	vst v63  }
0x35: {  	_ =	swait.ge [sflag:s2], $0x4000  }
0x36: {  	[sflag:s2] =	ssyncset.done $0x0  }
0x37: {  	[sflag:s2] =	ssyncadd.s32 $0xFFFFC000  }
0x38: {  	[spmem:s3] =	stream.indirect.scatter.add.f32 [tilespmem:s19], [sflag:$0x2], $0x80, s17, s25, $0xb8;
	[tilespmem:$0x1E800] =	vst v63  }
0x39: {  	s10 =	simm.s32 $0x8000;
	_ =	swait.ge [sflag:s12], $0x4000  }
0x3a: {  	s8 =	sand.u32 $0x4000, s10;
	[sflag:s12] =	ssyncset.done $0x0  }
0x3b: {  	s4 =	sor.u32 $0x2800, s8;
	s9 =	simm.s32 $0x100;
	[sflag:s12] =	ssyncadd.s32 $0xFFFFC000  }
0x3c: {  	[tilespmem:s4], [sflag:$0x1] =	stream.indirect.gather [hbm4b:s5+s18], $0x80, s9, s18, $0xb8;
	[tilespmem:$0x1E800] =	vst v63  }
0x3d: {  	s20 =	simm.s32 $0x120;
	s11 =	sor.u32 $0x3800, s8  }
0x3e: {  	[tilespmem:s11], [sflag:$0x1] =	stream.indirect.gather [hbm4b:s5+s18], $0x80, s20, s18, $0xb8;
	[tilespmem:$0x1E800] =	vst v63  }
0x3f: {  	s21 =	simm.s32 $0x10000;
	s10 =	simm.s32 $0x140;
	s11 =	sadd.s32 $0x4800, s8  }
0x40: {  	[tilespmem:s11], [sflag:$0x1] =	stream.indirect.gather [hbm4b:s5+s18], $0x80, s10, s18, $0xb8;
	[tilespmem:$0x1E800] =	vst v63  }
0x41: {  	s9 =	sand.u32 $0x10000, s21;
	s8 =	sadd.s32 $0x5800, s8;
	s20 =	simm.s32 $0x160  }
0x42: {  	[tilespmem:s8], [sflag:$0x1] =	stream.indirect.gather [hbm4b:s5+s18], $0x80, s20, s18, $0xb8;
	[tilespmem:$0x1E800] =	vst v63  }
0x43: {  	s4 =	simm.s32 $0x200;
	s21 =	sshrl.u32 s9, $0x2;
	_ =	swait.ge [sflag:s2], $0x4000  }
0x44: {  	s9 =	simm.s32 $0xC000;
	s10 =	sor.u32 $0x2800, s21;
	[sflag:s2] =	ssyncset.done $0x0  }
0x45: {  	s11 =	simm.s32 $0x1480;
	s8 =	simm.s32 $0x20000;
	[sflag:s2] =	ssyncadd.s32 $0xFFFFC000  }
.LBB2_2:
0x46: {  	[spmem:s3] =	stream.indirect.scatter.add.f32 [tilespmem:s10], [sflag:$0x2], $0x80, s11, s25, $0xb8;
	[tilespmem:$0x1E800] =	vst v63  }
0x47: {  	s10 =	smov.u32 s4  }
0x48: {  	p0 =	sne.s32 s4, $0x4A00;
	s4 =	sadd.s32 $0x200, s4;
	_ =	swait.ge [sflag:s12], $0x4000  }
0x49: {  	s11 =	sand.u32 $0x4000, s9;
	s20 =	sshra.s32 s10, $0x2;
	[sflag:s12] =	ssyncset.done $0x0  }
0x4a: {  	s10 =	sor.u32 $0x2800, s11;
	s21 =	sadd.s32 $0x100, s20;
	[sflag:s12] =	ssyncadd.s32 $0xFFFFC000  }
0x4b: {  	[tilespmem:s10], [sflag:$0x1] =	stream.indirect.gather [hbm4b:s5+s18], $0x80, s21, s18, $0xb8;
	[tilespmem:$0x1E800] =	vst v63  }
0x4c: {  	s10 =	sor.u32 $0x3800, s11;
	s21 =	sadd.s32 $0x120, s20  }
0x4d: {  	[tilespmem:s10], [sflag:$0x1] =	stream.indirect.gather [hbm4b:s5+s18], $0x80, s21, s18, $0xb8;
	[tilespmem:$0x1E800] =	vst v63  }
0x4e: {  	s10 =	sadd.s32 $0x4800, s11;
	s21 =	sadd.s32 $0x140, s20  }
0x4f: {  	[tilespmem:s10], [sflag:$0x1] =	stream.indirect.gather [hbm4b:s5+s18], $0x80, s21, s18, $0xb8;
	[tilespmem:$0x1E800] =	vst v63  }
.Ltmp0:
0x50: {  	s10 =	sadd.s32 $0x5800, s11;
	s11 =	sadd.s32 $0x160, s20;
	(pc) =	sbr.rel @p0 .LBB2_2-.Ltmp0, $4  }
0x51: {  	[tilespmem:s10], [sflag:$0x1] =	stream.indirect.gather [hbm4b:s5+s18], $0x80, s11, s18, $0xb8;
	[tilespmem:$0x1E800] =	vst v63  }
0x52: {  	s10 =	sand.u32 $0x10000, s8;
	s8 =	sadd.s32 $0x10000, s8;
	_ =	swait.ge [sflag:s2], $0x4000  }
0x53: {  	s9 =	sadd.s32 $0x4000, s9;
	s10 =	sshrl.u32 s10, $0x2;
	[sflag:s2] =	ssyncset.done $0x0  }
0x54: {  	s11 =	sadd.s32 $0x1480, s20;
	s10 =	sor.u32 $0x2800, s10;
	[sflag:s2] =	ssyncadd.s32 $0xFFFFC000  }
0x55: {  	[spmem:s3] =	stream.indirect.scatter.add.f32 [tilespmem:s10], [sflag:$0x2], $0x80, s11, s25, $0xb8;
	[tilespmem:$0x1E800] =	vst v63  }
0x56: {  	_ =	swait.ge [sflag:s12], $0x4000  }
0x57: {  	[sflag:s12] =	ssyncset.done $0x0  }
0x58: {  	[sflag:s12] =	ssyncadd.s32 $0xFFFFC000  }
0x59: {  	_ =	swait.ge [sflag:s2], $0x4000  }
0x5a: {  	[sflag:s2] =	ssyncset.done $0x0  }
0x5b: {  	[sflag:s2] =	ssyncadd.s32 $0xFFFFC000  }
0x5c: {  	[spmem:s3] =	stream.indirect.scatter.add.f32 [tilespmem:s26], [sflag:$0x2], $0x80, s13, s25, $0xb8;
	[tilespmem:$0x1E800] =	vst v63  }
0x5d: {  	_ =	swait.ge [sflag:s12], $0x4000  }
0x5e: {  	[sflag:s12] =	ssyncset.done $0x0  }
0x5f: {  	s4 =	simm.s32 $0x0;
	s8 =	rddreg [dreg:$0x6];
	[sflag:s12] =	ssyncadd.s32 $0xFFFFC000  }
0x60: {  	[tilespmem:s4], [sflag:$0x3] =	stream.linear.gather [hbm4b:s8+s4], $0x1400, $0x38;
	[tilespmem:$0x1E800] =	vst v63  }
0x61: {  	_ =	swait.ge [sflag:s16], $0x1400  }
0x62: {  	[sflag:s16] =	ssyncset.done $0x0  }
0x63: {  	s21 =	rddreg [dreg:$0x7];
	[sflag:s16] =	ssyncadd.s32 $0xFFFFEC00  }
0x64: {  	[tilespmem:s17], [sflag:$0x3] =	stream.linear.gather [hbm4b:s21+s4], $0x1400, $0x38;
	[tilespmem:$0x1E800] =	vst v63  }
0x65: {  	_ =	swait.ge [sflag:s16], $0x1400  }
0x66: {  	[sflag:s16] =	ssyncset.done $0x0  }
0x67: {  	[sflag:s16] =	ssyncadd.s32 $0xFFFFEC00  }
0x68: {  	[tilespmem:s19], [sflag:$0x1] =	stream.indirect.gather [hbm4b:s5+s18], $0x80, s4, s18, $0xb8;
	[tilespmem:$0x1E800] =	vst v63  }
0x69: {  	s8 =	simm.s32 $0x3800  }
0x6a: {  	[tilespmem:s8], [sflag:$0x1] =	stream.indirect.gather [hbm4b:s5+s18], $0x80, s18, s18, $0xb8;
	[tilespmem:$0x1E800] =	vst v63  }
0x6b: {  	s9 =	simm.s32 $0x40  }
0x6c: {  	[tilespmem:s22], [sflag:$0x1] =	stream.indirect.gather [hbm4b:s5+s18], $0x80, s9, s18, $0xb8;
	[tilespmem:$0x1E800] =	vst v63  }
0x6d: {  	_ = 	snop  }
0x6e: {  	[tilespmem:s24], [sflag:$0x1] =	stream.indirect.gather [hbm4b:s5+s18], $0x80, s23, s18, $0xb8;
	[tilespmem:$0x1E800] =	vst v63  }
0x6f: {  	_ = 	snop  }
0x70: {  	[tilespmem:s26], [sflag:$0x1] =	stream.indirect.gather [hbm4b:s5+s18], $0x80, s25, s18, $0xb8;
	[tilespmem:$0x1E800] =	vst v63  }
0x71: {  	_ = 	snop  }
0x72: {  	[tilespmem:s29], [sflag:$0x1] =	stream.indirect.gather [hbm4b:s5+s18], $0x80, s28, s18, $0xb8;
	[tilespmem:$0x1E800] =	vst v63  }
0x73: {  	_ = 	snop  }
0x74: {  	[tilespmem:s31], [sflag:$0x1] =	stream.indirect.gather [hbm4b:s5+s18], $0x80, s30, s18, $0xb8;
	[tilespmem:$0x1E800] =	vst v63  }
0x75: {  	_ = 	snop  }
0x76: {  	[tilespmem:s0], [sflag:$0x1] =	stream.indirect.gather [hbm4b:s5+s18], $0x80, s1, s18, $0xb8;
	[tilespmem:$0x1E800] =	vst v63  }
0x77: {  	_ =	swait.ge [sflag:s2], $0x4000  }
0x78: {  	[sflag:s2] =	ssyncset.done $0x0  }
0x79: {  	[sflag:s2] =	ssyncadd.s32 $0xFFFFC000  }
0x7a: {  	[spmem:s3] =	stream.indirect.scatter.add.f32 [tilespmem:s19], [sflag:$0x2], $0x80, s17, s25, $0xb8;
	[tilespmem:$0x1E800] =	vst v63  }
0x7b: {  	s10 =	simm.s32 $0x8000;
	_ =	swait.ge [sflag:s12], $0x4000  }
0x7c: {  	s8 =	sand.u32 $0x4000, s10;
	[sflag:s12] =	ssyncset.done $0x0  }
0x7d: {  	s4 =	sor.u32 $0x2800, s8;
	s9 =	simm.s32 $0x100;
	[sflag:s12] =	ssyncadd.s32 $0xFFFFC000  }
0x7e: {  	[tilespmem:s4], [sflag:$0x1] =	stream.indirect.gather [hbm4b:s5+s18], $0x80, s9, s18, $0xb8;
	[tilespmem:$0x1E800] =	vst v63  }
0x7f: {  	s20 =	simm.s32 $0x120;
	s11 =	sor.u32 $0x3800, s8  }
0x80: {  	[tilespmem:s11], [sflag:$0x1] =	stream.indirect.gather [hbm4b:s5+s18], $0x80, s20, s18, $0xb8;
	[tilespmem:$0x1E800] =	vst v63  }
0x81: {  	s21 =	simm.s32 $0x10000;
	s10 =	sadd.s32 $0x4800, s8;
	s11 =	simm.s32 $0x140  }
0x82: {  	[tilespmem:s10], [sflag:$0x1] =	stream.indirect.gather [hbm4b:s5+s18], $0x80, s11, s18, $0xb8;
	[tilespmem:$0x1E800] =	vst v63  }
0x83: {  	s8 =	sadd.s32 $0x5800, s8;
	s9 =	sand.u32 $0x10000, s21;
	s20 =	simm.s32 $0x160  }
0x84: {  	[tilespmem:s8], [sflag:$0x1] =	stream.indirect.gather [hbm4b:s5+s18], $0x80, s20, s18, $0xb8;
	[tilespmem:$0x1E800] =	vst v63  }
0x85: {  	s4 =	simm.s32 $0x200;
	s21 =	sshrl.u32 s9, $0x2;
	_ =	swait.ge [sflag:s2], $0x4000  }
0x86: {  	s9 =	simm.s32 $0xC000;
	s10 =	sor.u32 $0x2800, s21;
	[sflag:s2] =	ssyncset.done $0x0  }
0x87: {  	s11 =	simm.s32 $0x1480;
	s8 =	simm.s32 $0x20000;
	[sflag:s2] =	ssyncadd.s32 $0xFFFFC000  }
.LBB2_4:
0x88: {  	[spmem:s3] =	stream.indirect.scatter.add.f32 [tilespmem:s10], [sflag:$0x2], $0x80, s11, s25, $0xb8;
	[tilespmem:$0x1E800] =	vst v63  }
0x89: {  	s10 =	smov.u32 s4  }
0x8a: {  	p0 =	sne.s32 s4, $0x4A00;
	s4 =	sadd.s32 $0x200, s4;
	_ =	swait.ge [sflag:s12], $0x4000  }
0x8b: {  	s11 =	sand.u32 $0x4000, s9;
	s20 =	sshra.s32 s10, $0x2;
	[sflag:s12] =	ssyncset.done $0x0  }
0x8c: {  	s10 =	sor.u32 $0x2800, s11;
	s21 =	sadd.s32 $0x100, s20;
	[sflag:s12] =	ssyncadd.s32 $0xFFFFC000  }
0x8d: {  	[tilespmem:s10], [sflag:$0x1] =	stream.indirect.gather [hbm4b:s5+s18], $0x80, s21, s18, $0xb8;
	[tilespmem:$0x1E800] =	vst v63  }
0x8e: {  	s10 =	sor.u32 $0x3800, s11;
	s21 =	sadd.s32 $0x120, s20  }
0x8f: {  	[tilespmem:s10], [sflag:$0x1] =	stream.indirect.gather [hbm4b:s5+s18], $0x80, s21, s18, $0xb8;
	[tilespmem:$0x1E800] =	vst v63  }
0x90: {  	s10 =	sadd.s32 $0x4800, s11;
	s21 =	sadd.s32 $0x140, s20  }
0x91: {  	[tilespmem:s10], [sflag:$0x1] =	stream.indirect.gather [hbm4b:s5+s18], $0x80, s21, s18, $0xb8;
	[tilespmem:$0x1E800] =	vst v63  }
.Ltmp1:
0x92: {  	s10 =	sadd.s32 $0x5800, s11;
	s11 =	sadd.s32 $0x160, s20;
	(pc) =	sbr.rel @p0 .LBB2_4-.Ltmp1, $4  }
0x93: {  	[tilespmem:s10], [sflag:$0x1] =	stream.indirect.gather [hbm4b:s5+s18], $0x80, s11, s18, $0xb8;
	[tilespmem:$0x1E800] =	vst v63  }
0x94: {  	s10 =	sand.u32 $0x10000, s8;
	s8 =	sadd.s32 $0x10000, s8;
	_ =	swait.ge [sflag:s2], $0x4000  }
0x95: {  	s9 =	sadd.s32 $0x4000, s9;
	s10 =	sshrl.u32 s10, $0x2;
	[sflag:s2] =	ssyncset.done $0x0  }
0x96: {  	s11 =	sadd.s32 $0x1480, s20;
	s10 =	sor.u32 $0x2800, s10;
	[sflag:s2] =	ssyncadd.s32 $0xFFFFC000  }
0x97: {  	[spmem:s3] =	stream.indirect.scatter.add.f32 [tilespmem:s10], [sflag:$0x2], $0x80, s11, s25, $0xb8;
	[tilespmem:$0x1E800] =	vst v63  }
0x98: {  	_ =	swait.ge [sflag:s12], $0x4000  }
0x99: {  	[sflag:s12] =	ssyncset.done $0x0  }
0x9a: {  	[sflag:s12] =	ssyncadd.s32 $0xFFFFC000  }
0x9b: {  	_ =	swait.ge [sflag:s2], $0x4000  }
0x9c: {  	[sflag:s2] =	ssyncset.done $0x0  }
0x9d: {  	[sflag:s2] =	ssyncadd.s32 $0xFFFFC000  }
0x9e: {  	[spmem:s3] =	stream.indirect.scatter.add.f32 [tilespmem:s26], [sflag:$0x2], $0x80, s13, s25, $0xb8;
	[tilespmem:$0x1E800] =	vst v63  }
0x9f: {  	_ =	swait.ge [sflag:s12], $0x4000  }
0xa0: {  	[sflag:s12] =	ssyncset.done $0x0  }
0xa1: {  	[sflag:s12] =	ssyncadd.s32 $0xFFFFC000  }
0xa2: {  	[bflag:$0x0] =	sbarrier.arrive $0xFFFF  }
0xa3: {  	s4 =	rddreg [dreg:$0x8]  }
0xa4: {  	[hbm:s4], [sflag:s7] =	dma.local [spmem:s15], $0x2800  }
0xa5: {  	_ =	swait.ge [sflag:s16], $0x2800  }
0xa6: {  	[sflag:s16] =	ssyncset.done $0x0  }
0xa7: {  	[sflag:s16] =	ssyncadd.s32 $0xFFFFD800  }
0xa8: {  	s11 =	rddreg [dreg:$0x1]  }
0xa9: {  	[spmem:s15], [sflag:s7] =	dma.local [hbm:s11], $0x2800  }
0xaa: {  	_ =	swait.ge [sflag:s16], $0x2800  }
0xab: {  	[sflag:s16] =	ssyncset.done $0x0  }
0xac: {  	[sflag:s16] =	ssyncadd.s32 $0xFFFFD800  }
0xad: {  	[bflag:$0x0] =	sbarrier.arrive $0xFFFF  }
0xae: {  	s20 =	simm.s32 $0x0;
	s8 =	rddreg [dreg:$0x4]  }
0xaf: {  	[tilespmem:s20], [sflag:$0x3] =	stream.linear.gather [hbm4b:s8+s20], $0x1400, $0x38;
	[tilespmem:$0x1E800] =	vst v63  }
0xb0: {  	_ =	swait.ge [sflag:s16], $0x1400  }
0xb1: {  	[sflag:s16] =	ssyncset.done $0x0  }
0xb2: {  	s21 =	rddreg [dreg:$0x5];
	[sflag:s16] =	ssyncadd.s32 $0xFFFFEC00  }
0xb3: {  	[tilespmem:s17], [sflag:$0x3] =	stream.linear.gather [hbm4b:s21+s20], $0x1400, $0x38;
	[tilespmem:$0x1E800] =	vst v63  }
0xb4: {  	_ =	swait.ge [sflag:s16], $0x1400  }
0xb5: {  	[sflag:s16] =	ssyncset.done $0x0  }
0xb6: {  	[sflag:s16] =	ssyncadd.s32 $0xFFFFEC00  }
0xb7: {  	[tilespmem:s19], [sflag:$0x1] =	stream.indirect.gather [hbm4b:s6+s18], $0x80, s20, s18, $0xb8;
	[tilespmem:$0x1E800] =	vst v63  }
0xb8: {  	s8 =	simm.s32 $0x3800  }
0xb9: {  	[tilespmem:s8], [sflag:$0x1] =	stream.indirect.gather [hbm4b:s6+s18], $0x80, s18, s18, $0xb8;
	[tilespmem:$0x1E800] =	vst v63  }
0xba: {  	s9 =	simm.s32 $0x40  }
0xbb: {  	[tilespmem:s22], [sflag:$0x1] =	stream.indirect.gather [hbm4b:s6+s18], $0x80, s9, s18, $0xb8;
	[tilespmem:$0x1E800] =	vst v63  }
0xbc: {  	_ = 	snop  }
0xbd: {  	[tilespmem:s24], [sflag:$0x1] =	stream.indirect.gather [hbm4b:s6+s18], $0x80, s23, s18, $0xb8;
	[tilespmem:$0x1E800] =	vst v63  }
0xbe: {  	_ = 	snop  }
0xbf: {  	[tilespmem:s26], [sflag:$0x1] =	stream.indirect.gather [hbm4b:s6+s18], $0x80, s25, s18, $0xb8;
	[tilespmem:$0x1E800] =	vst v63  }
0xc0: {  	_ = 	snop  }
0xc1: {  	[tilespmem:s29], [sflag:$0x1] =	stream.indirect.gather [hbm4b:s6+s18], $0x80, s28, s18, $0xb8;
	[tilespmem:$0x1E800] =	vst v63  }
0xc2: {  	_ = 	snop  }
0xc3: {  	[tilespmem:s31], [sflag:$0x1] =	stream.indirect.gather [hbm4b:s6+s18], $0x80, s30, s18, $0xb8;
	[tilespmem:$0x1E800] =	vst v63  }
0xc4: {  	_ = 	snop  }
0xc5: {  	[tilespmem:s0], [sflag:$0x1] =	stream.indirect.gather [hbm4b:s6+s18], $0x80, s1, s18, $0xb8;
	[tilespmem:$0x1E800] =	vst v63  }
0xc6: {  	_ =	swait.ge [sflag:s2], $0x4000  }
0xc7: {  	[sflag:s2] =	ssyncset.done $0x0  }
0xc8: {  	[sflag:s2] =	ssyncadd.s32 $0xFFFFC000  }
0xc9: {  	[spmem:s3] =	stream.indirect.scatter.add.f32 [tilespmem:s19], [sflag:$0x2], $0x80, s17, s25, $0xb8;
	[tilespmem:$0x1E800] =	vst v63  }
0xca: {  	s10 =	simm.s32 $0x8000;
	_ =	swait.ge [sflag:s12], $0x4000  }
0xcb: {  	s8 =	sand.u32 $0x4000, s10;
	[sflag:s12] =	ssyncset.done $0x0  }
0xcc: {  	s4 =	sor.u32 $0x2800, s8;
	s9 =	simm.s32 $0x100;
	[sflag:s12] =	ssyncadd.s32 $0xFFFFC000  }
0xcd: {  	[tilespmem:s4], [sflag:$0x1] =	stream.indirect.gather [hbm4b:s6+s18], $0x80, s9, s18, $0xb8;
	[tilespmem:$0x1E800] =	vst v63  }
0xce: {  	s20 =	simm.s32 $0x120;
	s11 =	sor.u32 $0x3800, s8  }
0xcf: {  	[tilespmem:s11], [sflag:$0x1] =	stream.indirect.gather [hbm4b:s6+s18], $0x80, s20, s18, $0xb8;
	[tilespmem:$0x1E800] =	vst v63  }
0xd0: {  	s21 =	simm.s32 $0x10000;
	s10 =	sadd.s32 $0x4800, s8;
	s11 =	simm.s32 $0x140  }
0xd1: {  	[tilespmem:s10], [sflag:$0x1] =	stream.indirect.gather [hbm4b:s6+s18], $0x80, s11, s18, $0xb8;
	[tilespmem:$0x1E800] =	vst v63  }
0xd2: {  	s8 =	sadd.s32 $0x5800, s8;
	s9 =	sand.u32 $0x10000, s21;
	s20 =	simm.s32 $0x160  }
0xd3: {  	[tilespmem:s8], [sflag:$0x1] =	stream.indirect.gather [hbm4b:s6+s18], $0x80, s20, s18, $0xb8;
	[tilespmem:$0x1E800] =	vst v63  }
0xd4: {  	s4 =	simm.s32 $0x200;
	s21 =	sshrl.u32 s9, $0x2;
	_ =	swait.ge [sflag:s2], $0x4000  }
0xd5: {  	s9 =	simm.s32 $0xC000;
	s10 =	sor.u32 $0x2800, s21;
	[sflag:s2] =	ssyncset.done $0x0  }
0xd6: {  	s11 =	simm.s32 $0x1480;
	s8 =	simm.s32 $0x20000;
	[sflag:s2] =	ssyncadd.s32 $0xFFFFC000  }
.LBB2_6:
0xd7: {  	[spmem:s3] =	stream.indirect.scatter.add.f32 [tilespmem:s10], [sflag:$0x2], $0x80, s11, s25, $0xb8;
	[tilespmem:$0x1E800] =	vst v63  }
0xd8: {  	s10 =	smov.u32 s4  }
0xd9: {  	p0 =	sne.s32 s4, $0x4A00;
	s4 =	sadd.s32 $0x200, s4;
	_ =	swait.ge [sflag:s12], $0x4000  }
0xda: {  	s11 =	sand.u32 $0x4000, s9;
	s20 =	sshra.s32 s10, $0x2;
	[sflag:s12] =	ssyncset.done $0x0  }
0xdb: {  	s10 =	sor.u32 $0x2800, s11;
	s21 =	sadd.s32 $0x100, s20;
	[sflag:s12] =	ssyncadd.s32 $0xFFFFC000  }
0xdc: {  	[tilespmem:s10], [sflag:$0x1] =	stream.indirect.gather [hbm4b:s6+s18], $0x80, s21, s18, $0xb8;
	[tilespmem:$0x1E800] =	vst v63  }
0xdd: {  	s10 =	sor.u32 $0x3800, s11;
	s21 =	sadd.s32 $0x120, s20  }
0xde: {  	[tilespmem:s10], [sflag:$0x1] =	stream.indirect.gather [hbm4b:s6+s18], $0x80, s21, s18, $0xb8;
	[tilespmem:$0x1E800] =	vst v63  }
0xdf: {  	s10 =	sadd.s32 $0x4800, s11;
	s21 =	sadd.s32 $0x140, s20  }
0xe0: {  	[tilespmem:s10], [sflag:$0x1] =	stream.indirect.gather [hbm4b:s6+s18], $0x80, s21, s18, $0xb8;
	[tilespmem:$0x1E800] =	vst v63  }
.Ltmp2:
0xe1: {  	s10 =	sadd.s32 $0x5800, s11;
	s11 =	sadd.s32 $0x160, s20;
	(pc) =	sbr.rel @p0 .LBB2_6-.Ltmp2, $4  }
0xe2: {  	[tilespmem:s10], [sflag:$0x1] =	stream.indirect.gather [hbm4b:s6+s18], $0x80, s11, s18, $0xb8;
	[tilespmem:$0x1E800] =	vst v63  }
0xe3: {  	s10 =	sand.u32 $0x10000, s8;
	s8 =	sadd.s32 $0x10000, s8;
	_ =	swait.ge [sflag:s2], $0x4000  }
0xe4: {  	s9 =	sadd.s32 $0x4000, s9;
	s10 =	sshrl.u32 s10, $0x2;
	[sflag:s2] =	ssyncset.done $0x0  }
0xe5: {  	s11 =	sadd.s32 $0x1480, s20;
	s10 =	sor.u32 $0x2800, s10;
	[sflag:s2] =	ssyncadd.s32 $0xFFFFC000  }
0xe6: {  	[spmem:s3] =	stream.indirect.scatter.add.f32 [tilespmem:s10], [sflag:$0x2], $0x80, s11, s25, $0xb8;
	[tilespmem:$0x1E800] =	vst v63  }
0xe7: {  	_ =	swait.ge [sflag:s12], $0x4000  }
0xe8: {  	[sflag:s12] =	ssyncset.done $0x0  }
0xe9: {  	[sflag:s12] =	ssyncadd.s32 $0xFFFFC000  }
0xea: {  	_ =	swait.ge [sflag:s2], $0x4000  }
0xeb: {  	[sflag:s2] =	ssyncset.done $0x0  }
0xec: {  	[sflag:s2] =	ssyncadd.s32 $0xFFFFC000  }
0xed: {  	[spmem:s3] =	stream.indirect.scatter.add.f32 [tilespmem:s26], [sflag:$0x2], $0x80, s13, s25, $0xb8;
	[tilespmem:$0x1E800] =	vst v63  }
0xee: {  	_ =	swait.ge [sflag:s12], $0x4000  }
0xef: {  	[sflag:s12] =	ssyncset.done $0x0  }
0xf0: {  	s4 =	simm.s32 $0x0;
	s8 =	rddreg [dreg:$0x6];
	[sflag:s12] =	ssyncadd.s32 $0xFFFFC000  }
0xf1: {  	[tilespmem:s4], [sflag:$0x3] =	stream.linear.gather [hbm4b:s8+s4], $0x1400, $0x38;
	[tilespmem:$0x1E800] =	vst v63  }
0xf2: {  	_ =	swait.ge [sflag:s16], $0x1400  }
0xf3: {  	[sflag:s16] =	ssyncset.done $0x0  }
0xf4: {  	s21 =	rddreg [dreg:$0x7];
	[sflag:s16] =	ssyncadd.s32 $0xFFFFEC00  }
0xf5: {  	[tilespmem:s17], [sflag:$0x3] =	stream.linear.gather [hbm4b:s21+s4], $0x1400, $0x38;
	[tilespmem:$0x1E800] =	vst v63  }
0xf6: {  	_ =	swait.ge [sflag:s16], $0x1400  }
0xf7: {  	[sflag:s16] =	ssyncset.done $0x0  }
0xf8: {  	[sflag:s16] =	ssyncadd.s32 $0xFFFFEC00  }
0xf9: {  	[tilespmem:s19], [sflag:$0x1] =	stream.indirect.gather [hbm4b:s6+s18], $0x80, s4, s18, $0xb8;
	[tilespmem:$0x1E800] =	vst v63  }
0xfa: {  	s8 =	simm.s32 $0x3800  }
0xfb: {  	[tilespmem:s8], [sflag:$0x1] =	stream.indirect.gather [hbm4b:s6+s18], $0x80, s18, s18, $0xb8;
	[tilespmem:$0x1E800] =	vst v63  }
0xfc: {  	s9 =	simm.s32 $0x40  }
0xfd: {  	[tilespmem:s22], [sflag:$0x1] =	stream.indirect.gather [hbm4b:s6+s18], $0x80, s9, s18, $0xb8;
	[tilespmem:$0x1E800] =	vst v63  }
0xfe: {  	_ = 	snop  }
0xff: {  	[tilespmem:s24], [sflag:$0x1] =	stream.indirect.gather [hbm4b:s6+s18], $0x80, s23, s18, $0xb8;
	[tilespmem:$0x1E800] =	vst v63  }
0x100: {  	_ = 	snop  }
0x101: {  	[tilespmem:s26], [sflag:$0x1] =	stream.indirect.gather [hbm4b:s6+s18], $0x80, s25, s18, $0xb8;
	[tilespmem:$0x1E800] =	vst v63  }
0x102: {  	_ = 	snop  }
0x103: {  	[tilespmem:s29], [sflag:$0x1] =	stream.indirect.gather [hbm4b:s6+s18], $0x80, s28, s18, $0xb8;
	[tilespmem:$0x1E800] =	vst v63  }
0x104: {  	_ = 	snop  }
0x105: {  	[tilespmem:s31], [sflag:$0x1] =	stream.indirect.gather [hbm4b:s6+s18], $0x80, s30, s18, $0xb8;
	[tilespmem:$0x1E800] =	vst v63  }
0x106: {  	_ = 	snop  }
0x107: {  	[tilespmem:s0], [sflag:$0x1] =	stream.indirect.gather [hbm4b:s6+s18], $0x80, s1, s18, $0xb8;
	[tilespmem:$0x1E800] =	vst v63  }
0x108: {  	_ =	swait.ge [sflag:s2], $0x4000  }
0x109: {  	[sflag:s2] =	ssyncset.done $0x0  }
0x10a: {  	[sflag:s2] =	ssyncadd.s32 $0xFFFFC000  }
0x10b: {  	[spmem:s3] =	stream.indirect.scatter.add.f32 [tilespmem:s19], [sflag:$0x2], $0x80, s17, s25, $0xb8;
	[tilespmem:$0x1E800] =	vst v63  }
0x10c: {  	s10 =	simm.s32 $0x8000;
	_ =	swait.ge [sflag:s12], $0x4000  }
0x10d: {  	s8 =	sand.u32 $0x4000, s10;
	[sflag:s12] =	ssyncset.done $0x0  }
0x10e: {  	s4 =	sor.u32 $0x2800, s8;
	s9 =	simm.s32 $0x100;
	[sflag:s12] =	ssyncadd.s32 $0xFFFFC000  }
0x10f: {  	[tilespmem:s4], [sflag:$0x1] =	stream.indirect.gather [hbm4b:s6+s18], $0x80, s9, s18, $0xb8;
	[tilespmem:$0x1E800] =	vst v63  }
0x110: {  	s20 =	simm.s32 $0x120;
	s11 =	sor.u32 $0x3800, s8  }
0x111: {  	[tilespmem:s11], [sflag:$0x1] =	stream.indirect.gather [hbm4b:s6+s18], $0x80, s20, s18, $0xb8;
	[tilespmem:$0x1E800] =	vst v63  }
0x112: {  	s21 =	simm.s32 $0x10000;
	s10 =	sadd.s32 $0x4800, s8;
	s11 =	simm.s32 $0x140  }
0x113: {  	[tilespmem:s10], [sflag:$0x1] =	stream.indirect.gather [hbm4b:s6+s18], $0x80, s11, s18, $0xb8;
	[tilespmem:$0x1E800] =	vst v63  }
0x114: {  	s8 =	sadd.s32 $0x5800, s8;
	s9 =	sand.u32 $0x10000, s21;
	s20 =	simm.s32 $0x160  }
0x115: {  	[tilespmem:s8], [sflag:$0x1] =	stream.indirect.gather [hbm4b:s6+s18], $0x80, s20, s18, $0xb8;
	[tilespmem:$0x1E800] =	vst v63  }
0x116: {  	s4 =	simm.s32 $0x200;
	s21 =	sshrl.u32 s9, $0x2;
	_ =	swait.ge [sflag:s2], $0x4000  }
0x117: {  	s9 =	simm.s32 $0xC000;
	s10 =	sor.u32 $0x2800, s21;
	[sflag:s2] =	ssyncset.done $0x0  }
0x118: {  	s11 =	simm.s32 $0x1480;
	s8 =	simm.s32 $0x20000;
	[sflag:s2] =	ssyncadd.s32 $0xFFFFC000  }
.LBB2_8:
0x119: {  	[spmem:s3] =	stream.indirect.scatter.add.f32 [tilespmem:s10], [sflag:$0x2], $0x80, s11, s25, $0xb8;
	[tilespmem:$0x1E800] =	vst v63  }
0x11a: {  	s10 =	smov.u32 s4  }
0x11b: {  	p0 =	sne.s32 s4, $0x4A00;
	s4 =	sadd.s32 $0x200, s4;
	_ =	swait.ge [sflag:s12], $0x4000  }
0x11c: {  	s11 =	sand.u32 $0x4000, s9;
	s20 =	sshra.s32 s10, $0x2;
	[sflag:s12] =	ssyncset.done $0x0  }
0x11d: {  	s10 =	sor.u32 $0x2800, s11;
	s21 =	sadd.s32 $0x100, s20;
	[sflag:s12] =	ssyncadd.s32 $0xFFFFC000  }
0x11e: {  	[tilespmem:s10], [sflag:$0x1] =	stream.indirect.gather [hbm4b:s6+s18], $0x80, s21, s18, $0xb8;
	[tilespmem:$0x1E800] =	vst v63  }
0x11f: {  	s10 =	sor.u32 $0x3800, s11;
	s21 =	sadd.s32 $0x120, s20  }
0x120: {  	[tilespmem:s10], [sflag:$0x1] =	stream.indirect.gather [hbm4b:s6+s18], $0x80, s21, s18, $0xb8;
	[tilespmem:$0x1E800] =	vst v63  }
0x121: {  	s10 =	sadd.s32 $0x4800, s11;
	s21 =	sadd.s32 $0x140, s20  }
0x122: {  	[tilespmem:s10], [sflag:$0x1] =	stream.indirect.gather [hbm4b:s6+s18], $0x80, s21, s18, $0xb8;
	[tilespmem:$0x1E800] =	vst v63  }
.Ltmp3:
0x123: {  	s10 =	sadd.s32 $0x5800, s11;
	s11 =	sadd.s32 $0x160, s20;
	(pc) =	sbr.rel @p0 .LBB2_8-.Ltmp3, $4  }
0x124: {  	[tilespmem:s10], [sflag:$0x1] =	stream.indirect.gather [hbm4b:s6+s18], $0x80, s11, s18, $0xb8;
	[tilespmem:$0x1E800] =	vst v63  }
0x125: {  	s10 =	sand.u32 $0x10000, s8;
	s8 =	sadd.s32 $0x10000, s8;
	_ =	swait.ge [sflag:s2], $0x4000  }
0x126: {  	s9 =	sadd.s32 $0x4000, s9;
	s10 =	sshrl.u32 s10, $0x2;
	[sflag:s2] =	ssyncset.done $0x0  }
0x127: {  	s11 =	sadd.s32 $0x1480, s20;
	s10 =	sor.u32 $0x2800, s10;
	[sflag:s2] =	ssyncadd.s32 $0xFFFFC000  }
0x128: {  	[spmem:s3] =	stream.indirect.scatter.add.f32 [tilespmem:s10], [sflag:$0x2], $0x80, s11, s25, $0xb8;
	[tilespmem:$0x1E800] =	vst v63  }
0x129: {  	_ =	swait.ge [sflag:s12], $0x4000  }
0x12a: {  	[sflag:s12] =	ssyncset.done $0x0  }
0x12b: {  	[sflag:s12] =	ssyncadd.s32 $0xFFFFC000  }
0x12c: {  	_ =	swait.ge [sflag:s2], $0x4000  }
0x12d: {  	[sflag:s2] =	ssyncset.done $0x0  }
0x12e: {  	[sflag:s2] =	ssyncadd.s32 $0xFFFFC000  }
0x12f: {  	[spmem:s3] =	stream.indirect.scatter.add.f32 [tilespmem:s26], [sflag:$0x2], $0x80, s13, s25, $0xb8;
	[tilespmem:$0x1E800] =	vst v63  }
0x130: {  	_ =	swait.ge [sflag:s12], $0x4000  }
0x131: {  	[sflag:s12] =	ssyncset.done $0x0  }
0x132: {  	[sflag:s12] =	ssyncadd.s32 $0xFFFFC000  }
0x133: {  	[bflag:$0x0] =	sbarrier.arrive $0xFFFF  }
0x134: {  	s4 =	rddreg [dreg:$0x9]  }
0x135: {  	[hbm:s4], [sflag:s7] =	dma.local [spmem:s15], $0x2800  }
0x136: {  	_ =	swait.ge [sflag:s16], $0x2800  }
0x137: {  	s14 =	sadd.s32 $0x1, s14;
	s21 =	rddreg [dreg:$0xa]  }
0x138: {  	p0 =	sne.s32 s14, s21  }
.Ltmp4:
0x139: {  	_ = 	snop;
	(pc) =	sbr.rel @p0 .LBB2_1-.Ltmp4, $3  }
0x13a: {  	_ =	sdelay $0x1  }
0x13b: {  	[sflag:s16] =	ssyncset.done $0x0  }
0x13c: {  	[sflag:s16] =	ssyncadd.s32 $0xFFFFD800  }
0x13d: {  	_ =	sfence.sel $0x180000  }
0x13e: {  	[bflag:$0x0] =	sbarrier.arrive $0xFFFF  }
0x13f: {  	_ =	strace $0x9000004D  }
0x140: {  	s0 =	stileid.u32;
	[bflag:$0x2] =	sbarrier.arrive $0xFFFF  }
0x141: {  	p0 =	sne.s32 s0, $0x0;
	s0 =	rddreg [dreg:$0x3]  }
0x142: {  	s0 =	sadd.s32 @!p0 $0x100000, s0  }
0x143: {  	[sflag:s0] =	ssyncadd.tile.s32 @!p0 $0x1;
	_ =	shalt  }
.Lfunc_end2:
_tile_overlayer_lowered:
.L_overlay_start_2:
0x144: {  	(tag) =	ssettag $0x2  }
0x145: {  	s0 =	rddreg [dreg:$0x0];
	s2 =	stileid.u32  }
0x146: {  	s1 =	rddreg [dreg:$0x1];
	p0 =	sne.s32 s2, $0x0  }
0x147: {  	s3 =	rddreg [dreg:$0x2];
	[bflag:$0x3] =	sbarrier.arrive $0xFFFF;
	s2 =	simm.s32 @!p0 $0x1C03  }
0x148: {  	[timem:s3], [sflag:s2] =	dma.local @!p0 [hbm:s0], s1  }
0x149: {  	s0 =	simm.s32 @!p0 $0x3  }
0x14a: {  	_ =	swait.ge @!p0 [sflag:s0], s1  }
0x14b: {  	s1 =	ssub.s32 @!p0 $0x0, s1;
	[sflag:s0] =	ssyncset.done @!p0 $0x0  }
0x14c: {  	[sflag:s0] =	ssyncadd.s32 @!p0 s1  }
0x14d: {  	[bflag:$0x3] =	sbarrier.arrive $0xFFFF  }
0x14e: {  	_ =	shalt  }

// kernel: kernel.8.cloned.1.call-start
scs
__scs_entry_jumppad:
0x0: {  	(pc) =	sbr.rel $0x88, $3  }
0x1: {  	(tag) =	ssettag $0x0;
	lr =	simm.s32 $0x1  }
0x2: {  	[smem:$0x3F97] =	sst lr;
	_ =	strace $0xD0000000  }
0x3: {  	_ = 	snop  }
0x4: {  	_ = 	snop  }
0x5: {  	_ = 	snop  }
0x6: {  	_ = 	snop  }
0x7: {  	_ = 	snop  }
__scs_overlays_trampoline_lowered:
0x8: {  	[smem:$0x3FA6] =	sst s0  }
0x9: {  	[smem:$0x3FA7] =	sst s1  }
0xa: {  	[smem:$0x3FA8] =	sst s2  }
0xb: {  	[smem:$0x3FA9] =	sst s3  }
0xc: {  	[smem:$0x3FAA] =	sst s4  }
0xd: {  	[smem:$0x3FAB] =	sst s5  }
0xe: {  	[smem:$0x3FAC] =	sst s6  }
0xf: {  	[smem:$0x3FAD] =	sst s7  }
0x10: {  	[smem:$0x3FAE] =	sst s8  }
0x11: {  	[smem:$0x3FAF] =	sst s9;
	s0 =	simm.s32 @!p0 $0x0  }
0x12: {  	s1 =	sld [smem:$0x3F95];
	s0 =	simm.s32 @p0 $0x1  }
0x13: {  	[smem:$0x3FB0] =	sst s0;
	s0 =	simm.s32 @!p1 $0x0  }
0x14: {  	s2 =	sld [smem:$0x3F94];
	s0 =	simm.s32 @p1 $0x1  }
0x15: {  	[smem:$0x3FB1] =	sst s0;
	s0 =	simm.s32 @!p2 $0x0  }
0x16: {  	s3 =	sld [smem:$0x3FDB];
	s0 =	simm.s32 @p2 $0x1  }
0x17: {  	s4 =	simm.s32 $0x1BF5;
	[smem:$0x3FB3] =	sst s0  }
0x18: {  	s0 =	sld [smem:$0x3F96];
	_ =	swait.ge [sflag:s4], $0x0  }
0x19: {  	s7 =	sld [smem:$0x3F97]  }
0x1a: {  	s8 =	sadd.s32 $0xFFFFE003, lr  }
0x1b: {  	s9 =	sadd.s32 $0xFFFFFEF7, lr;
	s5 =	simm.s32 $0xFFFFFFFF;
	p2 =	slt.u32 s8, $0xFFFFF086  }
0x1c: {  	p1 =	slt.u32 s9, $0xF7A;
	s5 =	simm.s32 @!p2 $0x0  }
0x1d: {  	s5 =	simm.s32 @p1 $0x1;
	p0 =	seq.s32 s7, s2  }
0x1e: {  	s7 =	smul.u32 @!p0 $0xF7A, s2;
	p2 =	seq.s32 @!p0 s5, $0x0  }
0x1f: {  	s9 =	smul.u32 $0xF7A, s1;
	s8 =	simm.s32 @!p0 $0x1BF5;
	p2 =	por !p2, p0  }
0x20: {  	[sflag:s8] =	ssyncset.s32 @!p0 $0xFFFFF086;
	s6 =	sadd.s32 @!p0 s3, s7;
	s7 =	simm.s32 @!p0 $0x108  }
0x21: {  	s3 =	sadd.s32 s3, s9;
	s6 =	sadd.s32 @!p0 $0x88, s6;
	s7 =	simm.s32 @p2 $0x1082  }
0x22: {  	[simem:s7], [sflag:s8] =	dma.local @!p0 [hbm:s6], $0xF7A  }
0x23: {  	s9 =	sor.u32 $0xD0000000, s2;
	s6 =	simm.s32 $0x108;
	_ =	swait.ge @!p0 [sflag:s8], $0x0  }
0x24: {  	s3 =	sadd.s32 $0x88, s3;
	s6 =	simm.s32 @!p1 $0x1082;
	[sflag:s4] =	ssyncset.s32 $0xFFFFF086  }
0x25: {  	[simem:s6], [sflag:s4] =	dma.local [hbm:s3], $0xF7A  }
0x26: {  	[smem:$0x3F97] =	sst s1;
	(tag) =	ssettag s2;
	_ =	strace s9  }
0x27: {  	s1 =	sld [smem:$0x3FA7]  }
0x28: {  	s2 =	sld [smem:$0x3FA8]  }
0x29: {  	s4 =	sld [smem:$0x3FAA]  }
0x2a: {  	p0 =	seq.s32 s5, $0x0;
	s5 =	sld [smem:$0x3FAB]  }
0x2b: {  	s6 =	sld [smem:$0x3FAC]  }
0x2c: {  	s7 =	sld [smem:$0x3FAD]  }
0x2d: {  	s3 =	simm.s32 $0x108;
	s8 =	sld [smem:$0x3FAE]  }
0x2e: {  	s3 =	simm.s32 @!p0 $0x1082;
	s9 =	sld [smem:$0x3FAF]  }
0x2f: {  	lr =	sadd.s32 s0, s3;
	s0 =	sld [smem:$0x3FA6]  }
0x30: {  	s3 =	sld [smem:$0x3FA9]  }
0x31: {  	[smem:$0x3FB2] =	sst s10  }
0x32: {  	s10 =	sld [smem:$0x3FB0];
	_ =	sdelay $0x3  }
0x33: {  	p0 =	seq.s32 s10, $0x1;
	s10 =	sld [smem:$0x3FB2];
	_ =	sdelay $0x3  }
0x34: {  	[smem:$0x3FB2] =	sst s10  }
0x35: {  	s10 =	sld [smem:$0x3FB1];
	_ =	sdelay $0x3  }
0x36: {  	p1 =	seq.s32 s10, $0x1;
	s10 =	sld [smem:$0x3FB2];
	_ =	sdelay $0x3  }
0x37: {  	[smem:$0x3FB2] =	sst s10  }
0x38: {  	s10 =	sld [smem:$0x3FB3]  }
0x39: {  	_ = 	snop;
	(pc) =	sbr.ind lr, $3  }
0x3a: {  	_ = 	snop  }
0x3b: {  	_ = 	snop  }
0x3c: {  	p2 =	seq.s32 s10, $0x1;
	s10 =	sld [smem:$0x3FB2]  }
0x3d: {  	_ =	shalt  }
0x3e: {  	_ =	shalt  }
0x3f: {  	_ =	shalt  }
0x40: {  	_ =	shalt  }
0x41: {  	_ =	shalt  }
0x42: {  	_ =	shalt  }
0x43: {  	_ =	shalt  }
0x44: {  	_ =	shalt  }
0x45: {  	_ =	shalt  }
0x46: {  	_ =	shalt  }
0x47: {  	_ =	shalt  }
0x48: {  	_ =	shalt  }
0x49: {  	_ =	shalt  }
0x4a: {  	_ =	shalt  }
0x4b: {  	_ =	shalt  }
0x4c: {  	_ =	shalt  }
0x4d: {  	_ =	shalt  }
0x4e: {  	_ =	shalt  }
0x4f: {  	_ =	shalt  }
0x50: {  	_ =	shalt  }
0x51: {  	_ =	shalt  }
0x52: {  	_ =	shalt  }
0x53: {  	_ =	shalt  }
0x54: {  	_ =	shalt  }
0x55: {  	_ =	shalt  }
0x56: {  	_ =	shalt  }
0x57: {  	_ =	shalt  }
0x58: {  	_ =	shalt  }
0x59: {  	_ =	shalt  }
0x5a: {  	_ =	shalt  }
0x5b: {  	_ =	shalt  }
0x5c: {  	_ =	shalt  }
0x5d: {  	_ =	shalt  }
0x5e: {  	_ =	shalt  }
0x5f: {  	_ =	shalt  }
0x60: {  	_ =	shalt  }
0x61: {  	_ =	shalt  }
0x62: {  	_ =	shalt  }
0x63: {  	_ =	shalt  }
0x64: {  	_ =	shalt  }
0x65: {  	_ =	shalt  }
0x66: {  	_ =	shalt  }
0x67: {  	_ =	shalt  }
0x68: {  	_ =	shalt  }
0x69: {  	_ =	shalt  }
0x6a: {  	_ =	shalt  }
0x6b: {  	_ =	shalt  }
0x6c: {  	_ =	shalt  }
0x6d: {  	_ =	shalt  }
0x6e: {  	_ =	shalt  }
0x6f: {  	_ =	shalt  }
0x70: {  	_ =	shalt  }
0x71: {  	_ =	shalt  }
0x72: {  	_ =	shalt  }
0x73: {  	_ =	shalt  }
0x74: {  	_ =	shalt  }
0x75: {  	_ =	shalt  }
0x76: {  	_ =	shalt  }
0x77: {  	_ =	shalt  }
0x78: {  	_ =	shalt  }
0x79: {  	_ =	shalt  }
0x7a: {  	_ =	shalt  }
0x7b: {  	_ =	shalt  }
0x7c: {  	_ =	shalt  }
0x7d: {  	_ =	shalt  }
0x7e: {  	_ =	shalt  }
0x7f: {  	_ =	shalt  }
0x80: {  	_ =	shalt  }
0x81: {  	_ =	shalt  }
0x82: {  	_ =	shalt  }
0x83: {  	_ =	shalt  }
0x84: {  	_ =	shalt  }
0x85: {  	_ =	shalt  }
0x86: {  	_ =	shalt  }
0x87: {  	_ =	shalt  }
.Lfunc_end0:
.L_simem_size_0:
called_computation_lowered:
.L_overlay_start_0:
0x88: {  	s2 =	sld [smem:$0x3FD9]  }
0x89: {  	s3 =	sld [smem:$0x3FFE];
	_ =	sdelay $0x1  }
0x8a: {  	s1 =	srdreg.scid  }
0x8b: {  	s0 =	sand.u32 $0x1, s1  }
0x8c: {  	s17 =	sshll.u32 s0, $0xA;
	s2 =	sadd.s32 s3, s2  }
0x8d: {  	s2 =	sadd.s32 s2, s17  }
0x8e: {  	[smem:$0x3FBE] =	sst s2  }
0x8f: {  	_ = 	snop  }
0x90: {  	s2 =	sld [smem:$0x3FD0];
	(tm) =	ssettm $0x1  }
0x91: {  	s18 =	sld [smem:$0x3FFB];
	_ =	sdelay $0x3  }
0x92: {  	_ =	strace s18  }
0x93: {  	s3 =	sld [smem:$0x3FFC];
	_ =	sdelay $0x3  }
0x94: {  	_ =	strace s3  }
0x95: {  	s3 =	sld [smem:$0x3FFD];
	_ =	sdelay $0x3  }
0x96: {  	_ =	strace s3  }
0x97: {  	_ =	strace $0x8FFFFFFF  }
0x98: {  	s19 =	sld [smem:$0x3FDB];
	_ =	sdelay $0x1  }
0x99: {  	s4 =	simm.s32 $_scs_section_size  }
0x9a: {  	s5 =	simm.s32 $_size__tile_overlayer_lowered;
	s6 =	simm.s32 $_tile_overlayer_lowered  }
0x9b: {  	s22 =	simm.s32 $0x1BFF;
	s21 =	sshll.u32 s6, $0x1;
	s3 =	sadd.s32 s4, s19  }
0x9c: {  	s7 =	simm.s32 $0x0;
	s20 =	sshll.u32 s5, $0x1;
	s5 =	sadd.s32 s21, s3  }
0x9d: {  	[timem:s7], [sflag:s22] =	dma.local [hbm:s5], s20  }
0x9e: {  	_ =	swait.ge [sflag:s22], s20  }
0x9f: {  	s4 =	ssub.s32 $0x0, s20;
	[sflag:s22] =	ssyncset.done $0x0  }
0xa0: {  	[sflag:s22] =	ssyncadd.s32 s4;
	_ =	sdelay $0x1  }
0xa1: {  	s23 =	simm.s32 $0x1B8B  }
0xa2: {  	_ =	swait.ge [sflag:s23], $0x1  }
0xa3: {  	[sflag:s23] =	ssyncset.done $0x0  }
0xa4: {  	s25 =	simm.s32 $0x1B8E;
	s24 =	sld [smem:$0x3FFE];
	[sflag:s23] =	ssyncadd.s32 $0xFFFFFFFF  }
0xa5: {  	s26 =	simm.s32 $execute0_lowered;
	[smem:$0x3FD2] =	sst s25  }
0xa6: {  	s5 =	sshll.u32 s26, $0x1;
	_ =	strace $0x80000046;
	[dreg:$0x1] =	wrdreg $0xFFFFFFFF  }
0xa7: {  	s28 =	simm.s32 $_size_execute0_lowered;
	s3 =	sadd.s32 s3, s5;
	[dreg:$0x0] =	wrdreg $0x0  }
0xa8: {  	s5 =	sshll.u32 s28, $0x1;
	[dreg:$0x2] =	wrdreg s3  }
0xa9: {  	[dreg:$0x3] =	wrdreg s5  }
0xaa: {  	[dreg:$0x4] =	wrdreg $0xC0  }
0xab: {  	_ =	task [dreg:s7], $0x5FFFF  }
0xac: {  	[dreg:$0x1] =	wrdreg $0xFFFFFFFF  }
0xad: {  	[dreg:$0x0] =	wrdreg $0x60  }
0xae: {  	[dreg:$0x2] =	wrdreg s2  }
0xaf: {  	[dreg:$0x3] =	wrdreg s24  }
0xb0: {  	[dreg:$0x4] =	wrdreg $0x28800  }
0xb1: {  	[dreg:$0x5] =	wrdreg $0x9  }
0xb2: {  	_ =	task.clear_ibuf [dreg:s7], $0x6FFFF;
	_ =	strace $0x90000046  }
0xb3: {  	s29 =	simm.s32 $0x9;
	_ =	strace $0x80000048  }
0xb4: {  	_ =	swait.ge [sflag:s29], $0x1  }
0xb5: {  	[sflag:s29] =	ssyncadd.s32 $0xFFFFFFFF  }
0xb6: {  	_ =	strace $0x90000048  }
0xb7: {  	_ =	sfence  }
0xb8: {  	s30 =	sld [smem:$0x0];
	_ =	sdelay $0x2  }
0xb9: {  	s31 =	sshll.u32 s1, $0xD;
	s1 =	sshrl.u32 s1, $0x2  }
0xba: {  	s3 =	sand.u32 $0x4000, s31;
	s1 =	sadd.s32 s1, s30  }
0xbb: {  	s0 =	sor.u32 s3, s0;
	s1 =	sshll.u32 s1, $0x11  }
0xbc: {  	s0 =	sor.u32 s1, s0  }
0xbd: {  	s0 =	sadd.s32 $0x8F2B, s0  }
0xbe: {  	[sflag:s0] =	ssyncadd.remote.s32 $0x1  }
0xbf: {  	_ =	sfence.sel $0xFFFF  }
0xc0: {  	[dreg:$0x0] =	wrdreg $0xFFFFFFFF;
	(pc) =	sbr.abs _section_cstart, $3  }
0xc1: {  	[dreg:$0x1] =	wrdreg $0xFFFFFFFF  }
0xc2: {  	_ =	task.clear_ibuf [dreg:s7], $0x2FFFF;
	_ =	strace $0x9FFFFFFF  }
0xc3: {  	(tm) =	ssettm $0x7FFFFFFF  }
tec
execute0_lowered:
.L_overlay_start_1:
0x0: {  	(tag) =	ssettag $0x1  }
0x1: {  	s5 =	rddreg [dreg:$0x0]  }
0x2: {  	s6 =	rddreg [dreg:$0x1]  }
0x3: {  	s1 =	rddreg [dreg:$0x2]  }
0x4: {  	s0 =	rddreg [dreg:$0x3];
	s2 =	simm.s32 $0x0;
	s3 =	srdreg.scid  }
0x5: {  	s12 =	stileid.u32;
	s14 =	simm.s32 $0x0;
	[smem:$0x7FF] =	sst s2  }
0x6: {  	s7 =	sand.u32 $0x1, s3;
	s8 =	smul.u32 $0xA00, s12;
	s3 =	sadd.s32 $0x7400, s6  }
0x7: {  	s11 =	smul.u32 $0x2800, s12;
	s4 =	sadd.s32 $0x7200, s6;
	s31 =	sshll.u32 s12, $0x6  }
0x8: {  	p0 =	sne.s32 s12, $0x0;
	s12 =	simm.s32 $0x80;
	_ =	strace $0x80000047  }
0x9: {  	s9 =	smul.u32 $0x28000, s7;
	s10 =	sshll.u32 s7, $0x4;
	s7 =	ssub.s32 $0x2, s7  }
0xa: {  	s13 =	sshrl.u32 @!p0 s1, $0x3;
	s6 =	sadd.s32 s10, s6;
	s28 =	sshrl.u32 s7, $0x1  }
0xb: {  	s8 =	sshrl.u32 s8, $0x2;
	s10 =	sor.u32 $0x1C01, s31;
	s9 =	sadd.s32 s11, s9  }
0xc: {  	s7 =	ssub.s32 s7, s28;
	s29 =	sadd.s32 s8, s1;
	s6 =	sadd.s32 $0x7600, s6  }
0xd: {  	s8 =	simm.s32 $0x2800;
	s30 =	sshrl.u32 s9, $0x3;
	s7 =	smax.u32 s7, $0x1  }
0xe: {  	s9 =	simm.s32 $0x1;
	s11 =	sshrl.u32 s29, $0x3;
	s5 =	sadd.s32 s5, s30  }
.LBB2_1:
0xf: {  	[tilespmem:s8], [sflag:$0x1] =	stream.linear.gather [hbm4b:s4+s2], $0x80, $0x38;
	[tilespmem:$0x2B00] =	vst v63  }
0x10: {  	_ =	swait.ge [sflag:s9], $0x80  }
0x11: {  	[sflag:s9] =	ssyncset.done $0x0  }
0x12: {  	[sflag:s9] =	ssyncadd.s32 $0xFFFFFF80  }
0x13: {  	[spmem:s11], [sflag:s10] =	dma.local [hbm:s3], $0x50  }
0x14: {  	_ =	swait.ge [sflag:s9], $0x50  }
0x15: {  	[sflag:s9] =	ssyncset.done $0x0  }
0x16: {  	[sflag:s9] =	ssyncadd.s32 $0xFFFFFFB0  }
0x17: {  	[tilespmem:s2], [sflag:$0x1] =	stream.linear.gather [hbm4b:s5+s2], $0x2800, $0x38;
	[tilespmem:$0x2B00] =	vst v63  }
0x18: {  	_ =	swait.ge [sflag:s9], $0x2800  }
0x19: {  	[sflag:s9] =	ssyncset.done $0x0  }
0x1a: {  	[sflag:s9] =	ssyncadd.s32 $0xFFFFD800  }
0x1b: {  	s15 =	simm.s32 $0x0;
	[bflag:$0x0] =	sbarrier.arrive $0xFFFF  }
0x1c: {  	[spmem:s1] =	stream.indirect.scatter.add.f32 [tilespmem:s8], [sflag:$0x1], $0x1, s15, s12, $0xb8;
	[tilespmem:$0x2B00] =	vst v63  }
0x1d: {  	_ =	swait.ge [sflag:s9], $0x80  }
0x1e: {  	s15 =	simm.s32 $0x200;
	[sflag:s9] =	ssyncset.done $0x0  }
.LBB2_2:
0x1f: {  	s16 =	sshra.s32 s15, $0x2;
	[sflag:s9] =	ssyncadd.s32 $0xFFFFFF80;
	p1 =	sne.s32 s15, $0x9E00  }
0x20: {  	[spmem:s1] =	stream.indirect.scatter.add.f32 [tilespmem:s8], [sflag:$0x1], $0x1, s16, s12, $0xb8;
	[tilespmem:$0x2B00] =	vst v63  }
.Ltmp0:
0x21: {  	_ = 	snop;
	(pc) =	sbr.rel @p1 .LBB2_2-.Ltmp0, $4  }
0x22: {  	_ = 	snop  }
0x23: {  	s15 =	sadd.s32 $0x200, s15  }
0x24: {  	_ =	swait.ge [sflag:s9], $0x80  }
0x25: {  	[sflag:s9] =	ssyncset.done $0x0  }
0x26: {  	[sflag:s9] =	ssyncadd.s32 $0xFFFFFF80;
	s14 =	sadd.s32 $0x1, s14  }
0x27: {  	s15 =	simm.s32 @!p0 $0x1;
	s16 =	simm.s32 @!p0 $0x20;
	p1 =	sne.s32 s14, s7  }
.Ltmp1:
0x28: {  	s17 =	simm.s32 @!p0 $0x10;
	[bflag:$0x0] =	sbarrier.arrive $0xFFFF;
	(pc) =	sbr.rel @p1 .LBB2_1-.Ltmp1, $4  }
0x29: {  	[hbm:s6@s16], [sflag:s10] =	dma.strided @!p0 [spmem:s13@s17], $0x500, s15, $0x10   }
0x2a: {  	_ =	swait.ge @!p0 [sflag:s15], $0x500  }
0x2b: {  	[sflag:s15] =	ssyncset.done @!p0 $0x0  }
0x2c: {  	[sflag:s15] =	ssyncadd.s32 @!p0 $0xFFFFFB00  }
0x2d: {  	_ =	sfence.sel $0x180000  }
0x2e: {  	[bflag:$0x0] =	sbarrier.arrive $0xFFFF  }
0x2f: {  	_ =	strace $0x90000047  }
0x30: {  	s0 =	sadd.s32 @!p0 $0x100000, s0;
	[bflag:$0x2] =	sbarrier.arrive $0xFFFF  }
0x31: {  	[sflag:s0] =	ssyncadd.tile.s32 @!p0 $0x1;
	_ =	shalt  }
.Lfunc_end2:
_tile_overlayer_lowered:
.L_overlay_start_2:
0x32: {  	(tag) =	ssettag $0x2  }
0x33: {  	s0 =	rddreg [dreg:$0x0];
	s2 =	stileid.u32  }
0x34: {  	s1 =	rddreg [dreg:$0x1];
	p0 =	sne.s32 s2, $0x0  }
0x35: {  	s3 =	rddreg [dreg:$0x2];
	[bflag:$0x3] =	sbarrier.arrive $0xFFFF;
	s2 =	simm.s32 @!p0 $0x1C01  }
0x36: {  	[timem:s3], [sflag:s2] =	dma.local @!p0 [hbm:s0], s1  }
0x37: {  	s0 =	simm.s32 @!p0 $0x1  }
0x38: {  	_ =	swait.ge @!p0 [sflag:s0], s1  }
0x39: {  	s1 =	ssub.s32 @!p0 $0x0, s1;
	[sflag:s0] =	ssyncset.done @!p0 $0x0  }
0x3a: {  	[sflag:s0] =	ssyncadd.s32 @!p0 s1  }
0x3b: {  	[bflag:$0x3] =	sbarrier.arrive $0xFFFF  }
0x3c: {  	_ =	shalt  }

</sc_bundles>
